<compile_context>
chip_gen: v7x
topology: tpu7x:2x2x1
jax: 0.10.2.dev20260603
libtpu: 0.0.44.dev20260713+nightly
codegen_flags: <defaults>
</compile_context>

<pallas_src>
import jax
import jax.numpy as jnp
from jax import lax
from jax.experimental import pallas as pl
from jax.experimental.pallas import tpu as pltpu
from jax.experimental.pallas import tpu_sc as plsc

_B, _F, _D = 16384, 26, 64
_FP = 32
_N = _B * _F
_OD = 2 * _D
_NC, _NS, _L = 2, 16, 16
_NW = _NC * _NS
_BPW = _B // _NW
_CB = 8
_CR = _CB * _FP
_NSUPER = _BPW // (2 * _CB)
_RPT = 320
_LROWS = _NS * _RPT


def _popcount16(x):
    v = x - ((x >> 1) & 0x5555)
    v = (v & 0x3333) + ((v >> 2) & 0x3333)
    v = (v + (v >> 4)) & 0x0F0F
    return (v + (v >> 8)) & 0x1F


def _div3(y):
    return lax.shift_right_logical(y * 43691, 17)


def _sc_body(x_hbm, e2_hbm, e3_hbm, out_hbm,
             xv, e2v, e3v, idx_ah, idx_al, idx_bh, idx_bl,
             obuf_a, obuf_b, lut_sh, sem_ga, sem_gb, sem_oa, sem_ob):
    cid = lax.axis_index("c")
    sid = lax.axis_index("s")
    wid = sid * _NC + cid
    ebase = wid * _BPW * _F
    rbase = wid * _BPW * _FP
    pltpu.sync_copy(x_hbm.at[pl.ds(ebase, _BPW * _F)],
                    xv.at[pl.ds(0, _BPW * _F)])
    pltpu.sync_copy(e2_hbm, e2v)
    pltpu.sync_copy(e3_hbm, e3v)

    a2, d2, a3, d31, d32 = [], [], [], [], []
    for j in range(4):
        r0 = e2v[pl.ds(j * _L, _L)]
        r1 = e2v[pl.ds(_D + j * _L, _L)]
        a2.append(16.0 * r0)
        d2.append(r1 - r0)
        s0 = e3v[pl.ds(j * _L, _L)]
        s1 = e3v[pl.ds(_D + j * _L, _L)]
        s2 = e3v[pl.ds(2 * _D + j * _L, _L)]
        a3.append(16.0 * s0)
        d31.append(s1 - s0)
        d32.append(s2 - s0)

    def build_lut(off):
        def lbody(k, _):
            r = sid * _RPT + off + k
            p = lax.shift_right_logical(r * 58053, 24)
            rem = r - p * 289
            c1 = lax.shift_right_logical(rem * 61681, 20)
            c2 = rem - c1 * 17
            pf = p.astype(jnp.float32)
            c1f = c1.astype(jnp.float32)
            c2f = c2.astype(jnp.float32)
            for j in range(4):
                obuf_a[k, pl.ds(j * _L, _L)] = a2[j] + pf * d2[j]
                obuf_a[k, pl.ds(_D + j * _L, _L)] = (
                    a3[j] + c1f * d31[j] + c2f * d32[j])
            return 0
        lax.fori_loop(0, _RPT // 2, lbody, 0)
        pltpu.sync_copy(obuf_a.at[pl.ds(0, _RPT // 2)],
                        lut_sh.at[pl.ds(sid * _RPT + off, _RPT // 2)])

    build_lut(0)
    build_lut(_RPT // 2)
    plsc.subcore_barrier()

    def cbody_half(chunk_e0, idxbuf, voff):
        def cbody(v, _):
            vv = voff + v
            b = vv >> 1
            f0 = (vv & 1) * _L
            x = xv[pl.ds(chunk_e0 + b * _F + f0, _L)] & 0xFFFF
            p = _popcount16(x)
            s = x - x
            n2 = x - x
            y = x
            for _i in range(11):
                q = _div3(y)
                d = y - (q + (q << 1))
                s = s + d
                n2 = n2 + (d >> 1)
                y = q
            n1 = s - (n2 << 1)
            idxbuf[pl.ds(v * _L, _L)] = p * 289 + n1 * 17 + n2
            return 0
        lax.fori_loop(0, _CR // 2 // _L, cbody, 0)

    def do_chunk(s, which, idxh, idxl, obuf, sem_g, sem_o):
        cb0 = (2 * s + which) * _CB

        @pl.when(s > 0)
        def _wait_prev():
            pltpu.make_async_copy(
                obuf, out_hbm.at[pl.ds(0, _CR)], sem_o).wait()

        cbody_half(cb0 * _F, idxh, 0)
        g1 = pltpu.async_copy(lut_sh.at[idxh], obuf.at[pl.ds(0, _CR // 2)],
                              sem_g)
        cbody_half(cb0 * _F, idxl, _CR // 2 // _L)
        g2 = pltpu.async_copy(lut_sh.at[idxl], obuf.at[pl.ds(_CR // 2, _CR // 2)],
                              sem_g)
        g1.wait()
        g2.wait()
        pltpu.make_async_copy(
            obuf, out_hbm.at[pl.ds(rbase + cb0 * _FP, _CR)], sem_o).start()

    def sbody(s, _):
        do_chunk(s, 0, idx_ah, idx_al, obuf_a, sem_ga, sem_oa)
        do_chunk(s, 1, idx_bh, idx_bl, obuf_b, sem_gb, sem_ob)
        return 0

    lax.fori_loop(0, _NSUPER, sbody, 0)
    pltpu.make_async_copy(obuf_a, out_hbm.at[pl.ds(0, _CR)], sem_oa).wait()
    pltpu.make_async_copy(obuf_b, out_hbm.at[pl.ds(0, _CR)], sem_ob).wait()


@jax.jit
def kernel(input, emb2, emb3):
    run = pl.kernel(
        _sc_body,
        out_type=jax.ShapeDtypeStruct((_B * _FP, _OD), jnp.float32),
        mesh=plsc.VectorSubcoreMesh(core_axis_name="c", subcore_axis_name="s"),
        scratch_types=[
            pltpu.VMEM((_BPW * _F + _L,), jnp.int32),
            pltpu.VMEM((_OD,), jnp.float32),
            pltpu.VMEM((3 * _D,), jnp.float32),
            pltpu.VMEM((_CR // 2,), jnp.int32),
            pltpu.VMEM((_CR // 2,), jnp.int32),
            pltpu.VMEM((_CR // 2,), jnp.int32),
            pltpu.VMEM((_CR // 2,), jnp.int32),
            pltpu.VMEM((_CR, _OD), jnp.float32),
            pltpu.VMEM((_CR, _OD), jnp.float32),
            pltpu.VMEM_SHARED((_LROWS, _OD), jnp.float32),
            pltpu.SemaphoreType.DMA,
            pltpu.SemaphoreType.DMA,
            pltpu.SemaphoreType.DMA,
            pltpu.SemaphoreType.DMA,
        ],
    )
    out = run(input.reshape(_N), emb2.reshape(_OD), emb3.reshape(3 * _D))
    return out.reshape(_B, _FP, _OD)[:, :_F, :]

# --- scband reference (transcript-rebuilt; emitter-appended) ---
"""Pipeline reference for scband-nary-dis-embedding-71279277245039 (READ-ONLY COPY).

The authoritative reference and input builder live on the scoring server;
editing this copy changes nothing except your own understanding.
"""

import jax, jax.numpy as jnp
import numpy as np

BIT_WIDTH = 16
BASES = (2, 3)
EMBED_DIM = 64
BATCH = 16384
FIELDS = 26
MAX_VAL = 65536


def encode_to_nary(x, base, bit_width):
    # Faithful port of encode_to_nary: repeated remainder / floor-div,
    # digits emitted most-significant first.
    x = x.astype(jnp.int32)
    digits = []
    for _ in range(bit_width):
        digits.append(jnp.remainder(x, base))
        x = jnp.floor_divide(x, base)
    return jnp.stack(digits[::-1], axis=-1)


def setup_inputs(seed: int = 0) -> dict:
    key = jax.random.key(seed)
    k_inp, k_e2, k_e3 = jax.random.split(key, 3)
    inp = jax.random.randint(k_inp, (BATCH, FIELDS), 0, MAX_VAL, dtype=jnp.int32)
    emb2 = jax.random.normal(k_e2, (2, EMBED_DIM), dtype=jnp.float32) * 0.01
    emb3 = jax.random.normal(k_e3, (3, EMBED_DIM), dtype=jnp.float32) * 0.01
    return {"input": inp, "emb2": emb2, "emb3": emb3}


def reference(input, emb2, emb3):
    tables = {2: emb2, 3: emb3}
    nary_embeddings = []
    for base in BASES:
        nary = encode_to_nary(input, base, BIT_WIDTH)          # [B, F, bit_width]
        nary_emb = jnp.take(tables[base], nary, axis=0)        # [B, F, bit_width, D]
        nary_emb = nary_emb.sum(axis=-2)                        # [B, F, D]
        nary_embeddings.append(nary_emb)
    # reduction == 'concat'
    return jnp.concatenate(nary_embeddings, axis=-1)            # [B, F, 2*D]

if __name__ == "__main__":
    import jax
    _d = setup_inputs()
    print(jax.jit(kernel)(*tuple(_d.values())))

</pallas_src>

<mosaic_0001>
#map = affine_map<(d0, d1) -> (0)>
#map1 = affine_map<(d0, d1) -> (0, 0)>
module attributes {stable_mosaic.version = 14 : i64} {
  func.func @_sc_body(%arg0: i32, %arg1: i32, %arg2: memref<425984xi32, #tpu.memory_space<hbm>>, %arg3: memref<128xf32, #tpu.memory_space<hbm>>, %arg4: memref<192xf32, #tpu.memory_space<hbm>>, %arg5: memref<524288x128xf32, #tpu.memory_space<hbm>>, %arg6: memref<13328xi32, #tpu.memory_space<vmem>>, %arg7: memref<128xf32, #tpu.memory_space<vmem>>, %arg8: memref<192xf32, #tpu.memory_space<vmem>>, %arg9: memref<128xi32, #tpu.memory_space<vmem>>, %arg10: memref<128xi32, #tpu.memory_space<vmem>>, %arg11: memref<128xi32, #tpu.memory_space<vmem>>, %arg12: memref<128xi32, #tpu.memory_space<vmem>>, %arg13: memref<256x128xf32, #tpu.memory_space<vmem>>, %arg14: memref<256x128xf32, #tpu.memory_space<vmem>>, %arg15: memref<5120x128xf32, #tpu.memory_space<vmem_shared>>, %arg16: memref<!tpu.dma_semaphore, #tpu.memory_space<semaphore_mem>>, %arg17: memref<!tpu.dma_semaphore, #tpu.memory_space<semaphore_mem>>, %arg18: memref<!tpu.dma_semaphore, #tpu.memory_space<semaphore_mem>>, %arg19: memref<!tpu.dma_semaphore, #tpu.memory_space<semaphore_mem>>) attributes {dimension_semantics = [#tpu.dimension_semantics<core_parallel>, #tpu.dimension_semantics<subcore_parallel>], iteration_bounds = array<i64: 2, 16>, scalar_prefetch = 0 : i64, scratch_operands = 14 : i64, tpu.core_type = #tpu.core_type<sc_vector_subcore>, window_params = [{transform_indices = #map}, {transform_indices = #map}, {transform_indices = #map}, {transform_indices = #map1}]} {
    %mul3A = arith.constant 2 : i32
    %mul3A_0 = arith.muli %arg1, %mul3A : i32
    %add3A = arith.addi %mul3A_0, %arg0 : i32
    %mul3A_1 = arith.constant 512 : i32
    %mul3A_2 = arith.muli %add3A, %mul3A_1 : i32
    %mul3A_3 = arith.constant 26 : i32
    %mul3A_4 = arith.muli %mul3A_2, %mul3A_3 : i32
    %mul3A_5 = arith.constant 512 : i32
    %mul3A_6 = arith.muli %add3A, %mul3A_5 : i32
    %mul3A_7 = arith.constant 32 : i32
    %mul3A_8 = arith.muli %mul3A_6, %mul3A_7 : i32
    "tpu.region"() ({
      %run_scoped3A = tpu.sem_alloc : memref<!tpu.dma_semaphore, #tpu.memory_space<semaphore_mem>>
      %dma_start3A = arith.constant 0 : i32
      %dma_start3A_142 = tpu.memref_slice %arg6[%dma_start3A] : memref<13328xi32, #tpu.memory_space<vmem>> -> memref<13312xi32, #tpu.memory_space<vmem>>
      %dma_start3A_143 = tpu.memref_slice %arg2[%mul3A_4] : memref<425984xi32, #tpu.memory_space<hbm>> -> memref<13312xi32, #tpu.memory_space<hbm>>
      %dma_start3A_144 = arith.constant 0 : i32
      %dma_start3A_145 = tpu.memref_slice %arg6[%dma_start3A_144] : memref<13328xi32, #tpu.memory_space<vmem>> -> memref<13312xi32, #tpu.memory_space<vmem>>
      %dma_start3A_146 = tpu.memref_slice %arg2[%mul3A_4] : memref<425984xi32, #tpu.memory_space<hbm>> -> memref<13312xi32, #tpu.memory_space<hbm>>
      tpu.enqueue_dma source(%dma_start3A_146 : memref<13312xi32, #tpu.memory_space<hbm>>) target(%dma_start3A_145 : memref<13312xi32, #tpu.memory_space<vmem>>) target_semaphore(%run_scoped3A : memref<!tpu.dma_semaphore, #tpu.memory_space<semaphore_mem>>)
      %dma_wait3A_147 = arith.constant 0 : i32
      %dma_wait3A_148 = tpu.memref_slice %arg6[%dma_wait3A_147] : memref<13328xi32, #tpu.memory_space<vmem>> -> memref<13312xi32, #tpu.memory_space<vmem>>
      %dma_wait3A_149 = tpu.memref_slice %arg2[%mul3A_4] : memref<425984xi32, #tpu.memory_space<hbm>> -> memref<13312xi32, #tpu.memory_space<hbm>>
      %dma_wait3A_150 = arith.constant 0 : i32
      %dma_wait3A_151 = tpu.memref_slice %arg6[%dma_wait3A_150] : memref<13328xi32, #tpu.memory_space<vmem>> -> memref<13312xi32, #tpu.memory_space<vmem>>
      %dma_wait3A_152 = tpu.memref_slice %arg2[%mul3A_4] : memref<425984xi32, #tpu.memory_space<hbm>> -> memref<13312xi32, #tpu.memory_space<hbm>>
      tpu.wait_dma2 semaphore(%run_scoped3A : memref<!tpu.dma_semaphore, #tpu.memory_space<semaphore_mem>>) src(%dma_wait3A_152 : memref<13312xi32, #tpu.memory_space<hbm>>) dst(%dma_wait3A_151 : memref<13312xi32, #tpu.memory_space<vmem>>)
      tpu.yield
    }) : () -> ()
    "tpu.region"() ({
      %run_scoped3A = tpu.sem_alloc : memref<!tpu.dma_semaphore, #tpu.memory_space<semaphore_mem>>
      tpu.enqueue_dma source(%arg3 : memref<128xf32, #tpu.memory_space<hbm>>) target(%arg7 : memref<128xf32, #tpu.memory_space<vmem>>) target_semaphore(%run_scoped3A : memref<!tpu.dma_semaphore, #tpu.memory_space<semaphore_mem>>)
      tpu.wait_dma2 semaphore(%run_scoped3A : memref<!tpu.dma_semaphore, #tpu.memory_space<semaphore_mem>>) src(%arg3 : memref<128xf32, #tpu.memory_space<hbm>>) dst(%arg7 : memref<128xf32, #tpu.memory_space<vmem>>)
      tpu.yield
    }) : () -> ()
    "tpu.region"() ({
      %run_scoped3A = tpu.sem_alloc : memref<!tpu.dma_semaphore, #tpu.memory_space<semaphore_mem>>
      tpu.enqueue_dma source(%arg4 : memref<192xf32, #tpu.memory_space<hbm>>) target(%arg8 : memref<192xf32, #tpu.memory_space<vmem>>) target_semaphore(%run_scoped3A : memref<!tpu.dma_semaphore, #tpu.memory_space<semaphore_mem>>)
      tpu.wait_dma2 semaphore(%run_scoped3A : memref<!tpu.dma_semaphore, #tpu.memory_space<semaphore_mem>>) src(%arg4 : memref<192xf32, #tpu.memory_space<hbm>>) dst(%arg8 : memref<192xf32, #tpu.memory_space<vmem>>)
      tpu.yield
    }) : () -> ()
    %get3A = arith.constant 0 : index
    %get3A_9 = tpu.vector_load %arg7[%get3A] {strides = array<i32>} : memref<128xf32, #tpu.memory_space<vmem>>, vector<16xf32>,
    %get3A_10 = vector.shape_cast %get3A_9 : vector<16xf32> to vector<16xf32>
    %get3A_11 = arith.constant 64 : index
    %get3A_12 = tpu.vector_load %arg7[%get3A_11] {strides = array<i32>} : memref<128xf32, #tpu.memory_space<vmem>>, vector<16xf32>,
    %get3A_13 = vector.shape_cast %get3A_12 : vector<16xf32> to vector<16xf32>
    %mul3A_14 = arith.constant 1.600000e+01 : f32
    %mul3A_15 = vector.broadcast %mul3A_14 : f32 to vector<16xf32>
    %mul3A_16 = arith.mulf %mul3A_15, %get3A_10 : vector<16xf32>
    %sub3A = arith.subf %get3A_13, %get3A_10 : vector<16xf32>
    %get3A_17 = arith.constant 0 : index
    %get3A_18 = tpu.vector_load %arg8[%get3A_17] {strides = array<i32>} : memref<192xf32, #tpu.memory_space<vmem>>, vector<16xf32>,
    %get3A_19 = vector.shape_cast %get3A_18 : vector<16xf32> to vector<16xf32>
    %get3A_20 = arith.constant 64 : index
    %get3A_21 = tpu.vector_load %arg8[%get3A_20] {strides = array<i32>} : memref<192xf32, #tpu.memory_space<vmem>>, vector<16xf32>,
    %get3A_22 = vector.shape_cast %get3A_21 : vector<16xf32> to vector<16xf32>
    %get3A_23 = arith.constant 128 : index
    %get3A_24 = tpu.vector_load %arg8[%get3A_23] {strides = array<i32>} : memref<192xf32, #tpu.memory_space<vmem>>, vector<16xf32>,
    %get3A_25 = vector.shape_cast %get3A_24 : vector<16xf32> to vector<16xf32>
    %mul3A_26 = arith.constant 1.600000e+01 : f32
    %mul3A_27 = vector.broadcast %mul3A_26 : f32 to vector<16xf32>
    %mul3A_28 = arith.mulf %mul3A_27, %get3A_19 : vector<16xf32>
    %sub3A_29 = arith.subf %get3A_22, %get3A_19 : vector<16xf32>
    %sub3A_30 = arith.subf %get3A_25, %get3A_19 : vector<16xf32>
    %get3A_31 = arith.constant 16 : index
    %get3A_32 = tpu.vector_load %arg7[%get3A_31] {strides = array<i32>} : memref<128xf32, #tpu.memory_space<vmem>>, vector<16xf32>,
    %get3A_33 = vector.shape_cast %get3A_32 : vector<16xf32> to vector<16xf32>
    %get3A_34 = arith.constant 80 : index
    %get3A_35 = tpu.vector_load %arg7[%get3A_34] {strides = array<i32>} : memref<128xf32, #tpu.memory_space<vmem>>, vector<16xf32>,
    %get3A_36 = vector.shape_cast %get3A_35 : vector<16xf32> to vector<16xf32>
    %mul3A_37 = arith.constant 1.600000e+01 : f32
    %mul3A_38 = vector.broadcast %mul3A_37 : f32 to vector<16xf32>
    %mul3A_39 = arith.mulf %mul3A_38, %get3A_33 : vector<16xf32>
    %sub3A_40 = arith.subf %get3A_36, %get3A_33 : vector<16xf32>
    %get3A_41 = arith.constant 16 : index
    %get3A_42 = tpu.vector_load %arg8[%get3A_41] {strides = array<i32>} : memref<192xf32, #tpu.memory_space<vmem>>, vector<16xf32>,
    %get3A_43 = vector.shape_cast %get3A_42 : vector<16xf32> to vector<16xf32>
    %get3A_44 = arith.constant 80 : index
    %get3A_45 = tpu.vector_load %arg8[%get3A_44] {strides = array<i32>} : memref<192xf32, #tpu.memory_space<vmem>>, vector<16xf32>,
    %get3A_46 = vector.shape_cast %get3A_45 : vector<16xf32> to vector<16xf32>
    %get3A_47 = arith.constant 144 : index
    %get3A_48 = tpu.vector_load %arg8[%get3A_47] {strides = array<i32>} : memref<192xf32, #tpu.memory_space<vmem>>, vector<16xf32>,
    %get3A_49 = vector.shape_cast %get3A_48 : vector<16xf32> to vector<16xf32>
    %mul3A_50 = arith.constant 1.600000e+01 : f32
    %mul3A_51 = vector.broadcast %mul3A_50 : f32 to vector<16xf32>
    %mul3A_52 = arith.mulf %mul3A_51, %get3A_43 : vector<16xf32>
    %sub3A_53 = arith.subf %get3A_46, %get3A_43 : vector<16xf32>
    %sub3A_54 = arith.subf %get3A_49, %get3A_43 : vector<16xf32>
    %get3A_55 = arith.constant 32 : index
    %get3A_56 = tpu.vector_load %arg7[%get3A_55] {strides = array<i32>} : memref<128xf32, #tpu.memory_space<vmem>>, vector<16xf32>,
    %get3A_57 = vector.shape_cast %get3A_56 : vector<16xf32> to vector<16xf32>
    %get3A_58 = arith.constant 96 : index
    %get3A_59 = tpu.vector_load %arg7[%get3A_58] {strides = array<i32>} : memref<128xf32, #tpu.memory_space<vmem>>, vector<16xf32>,
    %get3A_60 = vector.shape_cast %get3A_59 : vector<16xf32> to vector<16xf32>
    %mul3A_61 = arith.constant 1.600000e+01 : f32
    %mul3A_62 = vector.broadcast %mul3A_61 : f32 to vector<16xf32>
    %mul3A_63 = arith.mulf %mul3A_62, %get3A_57 : vector<16xf32>
    %sub3A_64 = arith.subf %get3A_60, %get3A_57 : vector<16xf32>
    %get3A_65 = arith.constant 32 : index
    %get3A_66 = tpu.vector_load %arg8[%get3A_65] {strides = array<i32>} : memref<192xf32, #tpu.memory_space<vmem>>, vector<16xf32>,
    %get3A_67 = vector.shape_cast %get3A_66 : vector<16xf32> to vector<16xf32>
    %get3A_68 = arith.constant 96 : index
    %get3A_69 = tpu.vector_load %arg8[%get3A_68] {strides = array<i32>} : memref<192xf32, #tpu.memory_space<vmem>>, vector<16xf32>,
    %get3A_70 = vector.shape_cast %get3A_69 : vector<16xf32> to vector<16xf32>
    %get3A_71 = arith.constant 160 : index
    %get3A_72 = tpu.vector_load %arg8[%get3A_71] {strides = array<i32>} : memref<192xf32, #tpu.memory_space<vmem>>, vector<16xf32>,
    %get3A_73 = vector.shape_cast %get3A_72 : vector<16xf32> to vector<16xf32>
    %mul3A_74 = arith.constant 1.600000e+01 : f32
    %mul3A_75 = vector.broadcast %mul3A_74 : f32 to vector<16xf32>
    %mul3A_76 = arith.mulf %mul3A_75, %get3A_67 : vector<16xf32>
    %sub3A_77 = arith.subf %get3A_70, %get3A_67 : vector<16xf32>
    %sub3A_78 = arith.subf %get3A_73, %get3A_67 : vector<16xf32>
    %get3A_79 = arith.constant 48 : index
    %get3A_80 = tpu.vector_load %arg7[%get3A_79] {strides = array<i32>} : memref<128xf32, #tpu.memory_space<vmem>>, vector<16xf32>,
    %get3A_81 = vector.shape_cast %get3A_80 : vector<16xf32> to vector<16xf32>
    %get3A_82 = arith.constant 112 : index
    %get3A_83 = tpu.vector_load %arg7[%get3A_82] {strides = array<i32>} : memref<128xf32, #tpu.memory_space<vmem>>, vector<16xf32>,
    %get3A_84 = vector.shape_cast %get3A_83 : vector<16xf32> to vector<16xf32>
    %mul3A_85 = arith.constant 1.600000e+01 : f32
    %mul3A_86 = vector.broadcast %mul3A_85 : f32 to vector<16xf32>
    %mul3A_87 = arith.mulf %mul3A_86, %get3A_81 : vector<16xf32>
    %sub3A_88 = arith.subf %get3A_84, %get3A_81 : vector<16xf32>
    %get3A_89 = arith.constant 48 : index
    %get3A_90 = tpu.vector_load %arg8[%get3A_89] {strides = array<i32>} : memref<192xf32, #tpu.memory_space<vmem>>, vector<16xf32>,
    %get3A_91 = vector.shape_cast %get3A_90 : vector<16xf32> to vector<16xf32>
    %get3A_92 = arith.constant 112 : index
    %get3A_93 = tpu.vector_load %arg8[%get3A_92] {strides = array<i32>} : memref<192xf32, #tpu.memory_space<vmem>>, vector<16xf32>,
    %get3A_94 = vector.shape_cast %get3A_93 : vector<16xf32> to vector<16xf32>
    %get3A_95 = arith.constant 176 : index
    %get3A_96 = tpu.vector_load %arg8[%get3A_95] {strides = array<i32>} : memref<192xf32, #tpu.memory_space<vmem>>, vector<16xf32>,
    %get3A_97 = vector.shape_cast %get3A_96 : vector<16xf32> to vector<16xf32>
    %mul3A_98 = arith.constant 1.600000e+01 : f32
    %mul3A_99 = vector.broadcast %mul3A_98 : f32 to vector<16xf32>
    %mul3A_100 = arith.mulf %mul3A_99, %get3A_91 : vector<16xf32>
    %sub3A_101 = arith.subf %get3A_94, %get3A_91 : vector<16xf32>
    %sub3A_102 = arith.subf %get3A_97, %get3A_91 : vector<16xf32>
    %scan3A = arith.constant 0 : i32
    %scan3A_103 = arith.constant 0 : i32
    %scan3A_104 = arith.constant 160 : i32
    %scan3A_105 = arith.addi %scan3A_103, %scan3A_104 : i32
    %scan3A_106 = arith.constant 1 : i32
    %scan3A_107 = scf.for %scan3A_142 = %scan3A_103 to %scan3A_105 step %scan3A_106 iter_args(%scan3A_143 = %scan3A) -> (i32)  : i32 {
      %mul3A_144 = arith.constant 320 : i32
      %mul3A_145 = arith.muli %arg1, %mul3A_144 : i32
      %add3A_146 = arith.constant 0 : i32
      %add3A_147 = arith.addi %mul3A_145, %add3A_146 : i32
      %add3A_148 = arith.addi %add3A_147, %scan3A_142 : i32
      %mul3A_149 = arith.constant 58053 : i32
      %mul3A_150 = arith.muli %add3A_148, %mul3A_149 : i32
      %shift_right_logical3A = arith.constant 24 : i32
      %shift_right_logical3A_151 = arith.shrui %mul3A_150, %shift_right_logical3A : i32
      %mul3A_152 = arith.constant 289 : i32
      %mul3A_153 = arith.muli %shift_right_logical3A_151, %mul3A_152 : i32
      %sub3A_154 = arith.subi %add3A_148, %mul3A_153 : i32
      %mul3A_155 = arith.constant 61681 : i32
      %mul3A_156 = arith.muli %sub3A_154, %mul3A_155 : i32
      %shift_right_logical3A_157 = arith.constant 20 : i32
      %shift_right_logical3A_158 = arith.shrui %mul3A_156, %shift_right_logical3A_157 : i32
      %mul3A_159 = arith.constant 17 : i32
      %mul3A_160 = arith.muli %shift_right_logical3A_158, %mul3A_159 : i32
      %sub3A_161 = arith.subi %sub3A_154, %mul3A_160 : i32
      %convert_element_type3A = arith.sitofp %shift_right_logical3A_151 : i32 to f32
      %convert_element_type3A_162 = arith.sitofp %shift_right_logical3A_158 : i32 to f32
      %convert_element_type3A_163 = arith.sitofp %sub3A_161 : i32 to f32
      %mul3A_164 = vector.broadcast %convert_element_type3A : f32 to vector<16xf32>
      %mul3A_165 = arith.mulf %mul3A_164, %sub3A : vector<16xf32>
      %add3A_166 = arith.addf %mul3A_16, %mul3A_165 : vector<16xf32>
      %swap3A = arith.index_cast %scan3A_142 : i32 to index
      %swap3A_167 = arith.constant 0 : index
      %swap3A_168 = tpu.vector_load %arg13[%swap3A, %swap3A_167] {strides = array<i32>} : memref<256x128xf32, #tpu.memory_space<vmem>>, vector<1x16xf32>,
      %swap3A_169 = vector.shape_cast %swap3A_168 : vector<1x16xf32> to vector<16xf32>
      %swap3A_170 = vector.shape_cast %add3A_166 : vector<16xf32> to vector<1x16xf32>
      tpu.vector_store %arg13[%swap3A, %swap3A_167], %swap3A_170 {strides = array<i32>} : memref<256x128xf32, #tpu.memory_space<vmem>>, vector<1x16xf32>,
      %mul3A_171 = vector.broadcast %convert_element_type3A_162 : f32 to vector<16xf32>
      %mul3A_172 = arith.mulf %mul3A_171, %sub3A_29 : vector<16xf32>
      %add3A_173 = arith.addf %mul3A_28, %mul3A_172 : vector<16xf32>
      %mul3A_174 = vector.broadcast %convert_element_type3A_163 : f32 to vector<16xf32>
      %mul3A_175 = arith.mulf %mul3A_174, %sub3A_30 : vector<16xf32>
      %add3A_176 = arith.addf %add3A_173, %mul3A_175 : vector<16xf32>
      %swap3A_177 = arith.index_cast %scan3A_142 : i32 to index
      %swap3A_178 = arith.constant 64 : index
      %swap3A_179 = tpu.vector_load %arg13[%swap3A_177, %swap3A_178] {strides = array<i32>} : memref<256x128xf32, #tpu.memory_space<vmem>>, vector<1x16xf32>,
      %swap3A_180 = vector.shape_cast %swap3A_179 : vector<1x16xf32> to vector<16xf32>
      %swap3A_181 = vector.shape_cast %add3A_176 : vector<16xf32> to vector<1x16xf32>
      tpu.vector_store %arg13[%swap3A_177, %swap3A_178], %swap3A_181 {strides = array<i32>} : memref<256x128xf32, #tpu.memory_space<vmem>>, vector<1x16xf32>,
      %mul3A_182 = vector.broadcast %convert_element_type3A : f32 to vector<16xf32>
      %mul3A_183 = arith.mulf %mul3A_182, %sub3A_40 : vector<16xf32>
      %add3A_184 = arith.addf %mul3A_39, %mul3A_183 : vector<16xf32>
      %swap3A_185 = arith.index_cast %scan3A_142 : i32 to index
      %swap3A_186 = arith.constant 16 : index
      %swap3A_187 = tpu.vector_load %arg13[%swap3A_185, %swap3A_186] {strides = array<i32>} : memref<256x128xf32, #tpu.memory_space<vmem>>, vector<1x16xf32>,
      %swap3A_188 = vector.shape_cast %swap3A_187 : vector<1x16xf32> to vector<16xf32>
      %swap3A_189 = vector.shape_cast %add3A_184 : vector<16xf32> to vector<1x16xf32>
      tpu.vector_store %arg13[%swap3A_185, %swap3A_186], %swap3A_189 {strides = array<i32>} : memref<256x128xf32, #tpu.memory_space<vmem>>, vector<1x16xf32>,
      %mul3A_190 = vector.broadcast %convert_element_type3A_162 : f32 to vector<16xf32>
      %mul3A_191 = arith.mulf %mul3A_190, %sub3A_53 : vector<16xf32>
      %add3A_192 = arith.addf %mul3A_52, %mul3A_191 : vector<16xf32>
      %mul3A_193 = vector.broadcast %convert_element_type3A_163 : f32 to vector<16xf32>
      %mul3A_194 = arith.mulf %mul3A_193, %sub3A_54 : vector<16xf32>
      %add3A_195 = arith.addf %add3A_192, %mul3A_194 : vector<16xf32>
      %swap3A_196 = arith.index_cast %scan3A_142 : i32 to index
      %swap3A_197 = arith.constant 80 : index
      %swap3A_198 = tpu.vector_load %arg13[%swap3A_196, %swap3A_197] {strides = array<i32>} : memref<256x128xf32, #tpu.memory_space<vmem>>, vector<1x16xf32>,
      %swap3A_199 = vector.shape_cast %swap3A_198 : vector<1x16xf32> to vector<16xf32>
      %swap3A_200 = vector.shape_cast %add3A_195 : vector<16xf32> to vector<1x16xf32>
      tpu.vector_store %arg13[%swap3A_196, %swap3A_197], %swap3A_200 {strides = array<i32>} : memref<256x128xf32, #tpu.memory_space<vmem>>, vector<1x16xf32>,
      %mul3A_201 = vector.broadcast %convert_element_type3A : f32 to vector<16xf32>
      %mul3A_202 = arith.mulf %mul3A_201, %sub3A_64 : vector<16xf32>
      %add3A_203 = arith.addf %mul3A_63, %mul3A_202 : vector<16xf32>
      %swap3A_204 = arith.index_cast %scan3A_142 : i32 to index
      %swap3A_205 = arith.constant 32 : index
      %swap3A_206 = tpu.vector_load %arg13[%swap3A_204, %swap3A_205] {strides = array<i32>} : memref<256x128xf32, #tpu.memory_space<vmem>>, vector<1x16xf32>,
      %swap3A_207 = vector.shape_cast %swap3A_206 : vector<1x16xf32> to vector<16xf32>
      %swap3A_208 = vector.shape_cast %add3A_203 : vector<16xf32> to vector<1x16xf32>
      tpu.vector_store %arg13[%swap3A_204, %swap3A_205], %swap3A_208 {strides = array<i32>} : memref<256x128xf32, #tpu.memory_space<vmem>>, vector<1x16xf32>,
      %mul3A_209 = vector.broadcast %convert_element_type3A_162 : f32 to vector<16xf32>
      %mul3A_210 = arith.mulf %mul3A_209, %sub3A_77 : vector<16xf32>
      %add3A_211 = arith.addf %mul3A_76, %mul3A_210 : vector<16xf32>
      %mul3A_212 = vector.broadcast %convert_element_type3A_163 : f32 to vector<16xf32>
      %mul3A_213 = arith.mulf %mul3A_212, %sub3A_78 : vector<16xf32>
      %add3A_214 = arith.addf %add3A_211, %mul3A_213 : vector<16xf32>
      %swap3A_215 = arith.index_cast %scan3A_142 : i32 to index
      %swap3A_216 = arith.constant 96 : index
      %swap3A_217 = tpu.vector_load %arg13[%swap3A_215, %swap3A_216] {strides = array<i32>} : memref<256x128xf32, #tpu.memory_space<vmem>>, vector<1x16xf32>,
      %swap3A_218 = vector.shape_cast %swap3A_217 : vector<1x16xf32> to vector<16xf32>
      %swap3A_219 = vector.shape_cast %add3A_214 : vector<16xf32> to vector<1x16xf32>
      tpu.vector_store %arg13[%swap3A_215, %swap3A_216], %swap3A_219 {strides = array<i32>} : memref<256x128xf32, #tpu.memory_space<vmem>>, vector<1x16xf32>,
      %mul3A_220 = vector.broadcast %convert_element_type3A : f32 to vector<16xf32>
      %mul3A_221 = arith.mulf %mul3A_220, %sub3A_88 : vector<16xf32>
      %add3A_222 = arith.addf %mul3A_87, %mul3A_221 : vector<16xf32>
      %swap3A_223 = arith.index_cast %scan3A_142 : i32 to index
      %swap3A_224 = arith.constant 48 : index
      %swap3A_225 = tpu.vector_load %arg13[%swap3A_223, %swap3A_224] {strides = array<i32>} : memref<256x128xf32, #tpu.memory_space<vmem>>, vector<1x16xf32>,
      %swap3A_226 = vector.shape_cast %swap3A_225 : vector<1x16xf32> to vector<16xf32>
      %swap3A_227 = vector.shape_cast %add3A_222 : vector<16xf32> to vector<1x16xf32>
      tpu.vector_store %arg13[%swap3A_223, %swap3A_224], %swap3A_227 {strides = array<i32>} : memref<256x128xf32, #tpu.memory_space<vmem>>, vector<1x16xf32>,
      %mul3A_228 = vector.broadcast %convert_element_type3A_162 : f32 to vector<16xf32>
      %mul3A_229 = arith.mulf %mul3A_228, %sub3A_101 : vector<16xf32>
      %add3A_230 = arith.addf %mul3A_100, %mul3A_229 : vector<16xf32>
      %mul3A_231 = vector.broadcast %convert_element_type3A_163 : f32 to vector<16xf32>
      %mul3A_232 = arith.mulf %mul3A_231, %sub3A_102 : vector<16xf32>
      %add3A_233 = arith.addf %add3A_230, %mul3A_232 : vector<16xf32>
      %swap3A_234 = arith.index_cast %scan3A_142 : i32 to index
      %swap3A_235 = arith.constant 112 : index
      %swap3A_236 = tpu.vector_load %arg13[%swap3A_234, %swap3A_235] {strides = array<i32>} : memref<256x128xf32, #tpu.memory_space<vmem>>, vector<1x16xf32>,
      %swap3A_237 = vector.shape_cast %swap3A_236 : vector<1x16xf32> to vector<16xf32>
      %swap3A_238 = vector.shape_cast %add3A_233 : vector<16xf32> to vector<1x16xf32>
      tpu.vector_store %arg13[%swap3A_234, %swap3A_235], %swap3A_238 {strides = array<i32>} : memref<256x128xf32, #tpu.memory_space<vmem>>, vector<1x16xf32>,
      %scan3A_239 = arith.constant 0 : i32
      scf.yield %scan3A_239 : i32
    }
    %scan3A_108 = arith.constant 160 : i32
    %mul3A_109 = arith.constant 320 : i32
    %mul3A_110 = arith.muli %arg1, %mul3A_109 : i32
    %add3A_111 = arith.constant 0 : i32
    %add3A_112 = arith.addi %mul3A_110, %add3A_111 : i32
    "tpu.region"() ({
      %run_scoped3A = tpu.sem_alloc : memref<!tpu.dma_semaphore, #tpu.memory_space<semaphore_mem>>
      %dma_start3A = arith.constant 0 : i32
      %dma_start3A_142 = arith.constant 0 : i32
      %dma_start3A_143 = tpu.memref_slice %arg13[%dma_start3A, %dma_start3A_142] : memref<256x128xf32, #tpu.memory_space<vmem>> -> memref<160x128xf32, #tpu.memory_space<vmem>>
      %dma_start3A_144 = arith.constant 0 : i32
      %dma_start3A_145 = tpu.memref_slice %arg15[%add3A_112, %dma_start3A_144] : memref<5120x128xf32, #tpu.memory_space<vmem_shared>> -> memref<160x128xf32, #tpu.memory_space<vmem_shared>>
      %dma_start3A_146 = arith.constant 0 : i32
      %dma_start3A_147 = tpu.memref_slice %arg15[%add3A_112, %dma_start3A_146] : memref<5120x128xf32, #tpu.memory_space<vmem_shared>> -> memref<160x128xf32, #tpu.memory_space<vmem_shared>>
      %dma_start3A_148 = arith.constant 0 : i32
      %dma_start3A_149 = arith.constant 0 : i32
      %dma_start3A_150 = tpu.memref_slice %arg13[%dma_start3A_148, %dma_start3A_149] : memref<256x128xf32, #tpu.memory_space<vmem>> -> memref<160x128xf32, #tpu.memory_space<vmem>>
      tpu.enqueue_dma source(%dma_start3A_150 : memref<160x128xf32, #tpu.memory_space<vmem>>) target(%dma_start3A_147 : memref<160x128xf32, #tpu.memory_space<vmem_shared>>) target_semaphore(%run_scoped3A : memref<!tpu.dma_semaphore, #tpu.memory_space<semaphore_mem>>)
      %dma_wait3A_151 = arith.constant 0 : i32
      %dma_wait3A_152 = arith.constant 0 : i32
      %dma_wait3A_153 = tpu.memref_slice %arg13[%dma_wait3A_151, %dma_wait3A_152] : memref<256x128xf32, #tpu.memory_space<vmem>> -> memref<160x128xf32, #tpu.memory_space<vmem>>
      %dma_wait3A_154 = arith.constant 0 : i32
      %dma_wait3A_155 = tpu.memref_slice %arg15[%add3A_112, %dma_wait3A_154] : memref<5120x128xf32, #tpu.memory_space<vmem_shared>> -> memref<160x128xf32, #tpu.memory_space<vmem_shared>>
      %dma_wait3A_156 = arith.constant 0 : i32
      %dma_wait3A_157 = tpu.memref_slice %arg15[%add3A_112, %dma_wait3A_156] : memref<5120x128xf32, #tpu.memory_space<vmem_shared>> -> memref<160x128xf32, #tpu.memory_space<vmem_shared>>
      %dma_wait3A_158 = arith.constant 0 : i32
      %dma_wait3A_159 = arith.constant 0 : i32
      %dma_wait3A_160 = tpu.memref_slice %arg13[%dma_wait3A_158, %dma_wait3A_159] : memref<256x128xf32, #tpu.memory_space<vmem>> -> memref<160x128xf32, #tpu.memory_space<vmem>>
      tpu.wait_dma2 semaphore(%run_scoped3A : memref<!tpu.dma_semaphore, #tpu.memory_space<semaphore_mem>>) src(%dma_wait3A_160 : memref<160x128xf32, #tpu.memory_space<vmem>>) dst(%dma_wait3A_157 : memref<160x128xf32, #tpu.memory_space<vmem_shared>>)
      tpu.yield
    }) : () -> ()
    %scan3A_113 = arith.constant 0 : i32
    %scan3A_114 = arith.constant 0 : i32
    %scan3A_115 = arith.constant 160 : i32
    %scan3A_116 = arith.addi %scan3A_114, %scan3A_115 : i32
    %scan3A_117 = arith.constant 1 : i32
    %scan3A_118 = scf.for %scan3A_142 = %scan3A_114 to %scan3A_116 step %scan3A_117 iter_args(%scan3A_143 = %scan3A_113) -> (i32)  : i32 {
      %mul3A_144 = arith.constant 320 : i32
      %mul3A_145 = arith.muli %arg1, %mul3A_144 : i32
      %add3A_146 = arith.constant 160 : i32
      %add3A_147 = arith.addi %mul3A_145, %add3A_146 : i32
      %add3A_148 = arith.addi %add3A_147, %scan3A_142 : i32
      %mul3A_149 = arith.constant 58053 : i32
      %mul3A_150 = arith.muli %add3A_148, %mul3A_149 : i32
      %shift_right_logical3A = arith.constant 24 : i32
      %shift_right_logical3A_151 = arith.shrui %mul3A_150, %shift_right_logical3A : i32
      %mul3A_152 = arith.constant 289 : i32
      %mul3A_153 = arith.muli %shift_right_logical3A_151, %mul3A_152 : i32
      %sub3A_154 = arith.subi %add3A_148, %mul3A_153 : i32
      %mul3A_155 = arith.constant 61681 : i32
      %mul3A_156 = arith.muli %sub3A_154, %mul3A_155 : i32
      %shift_right_logical3A_157 = arith.constant 20 : i32
      %shift_right_logical3A_158 = arith.shrui %mul3A_156, %shift_right_logical3A_157 : i32
      %mul3A_159 = arith.constant 17 : i32
      %mul3A_160 = arith.muli %shift_right_logical3A_158, %mul3A_159 : i32
      %sub3A_161 = arith.subi %sub3A_154, %mul3A_160 : i32
      %convert_element_type3A = arith.sitofp %shift_right_logical3A_151 : i32 to f32
      %convert_element_type3A_162 = arith.sitofp %shift_right_logical3A_158 : i32 to f32
      %convert_element_type3A_163 = arith.sitofp %sub3A_161 : i32 to f32
      %mul3A_164 = vector.broadcast %convert_element_type3A : f32 to vector<16xf32>
      %mul3A_165 = arith.mulf %mul3A_164, %sub3A : vector<16xf32>
      %add3A_166 = arith.addf %mul3A_16, %mul3A_165 : vector<16xf32>
      %swap3A = arith.index_cast %scan3A_142 : i32 to index
      %swap3A_167 = arith.constant 0 : index
      %swap3A_168 = tpu.vector_load %arg13[%swap3A, %swap3A_167] {strides = array<i32>} : memref<256x128xf32, #tpu.memory_space<vmem>>, vector<1x16xf32>,
      %swap3A_169 = vector.shape_cast %swap3A_168 : vector<1x16xf32> to vector<16xf32>
      %swap3A_170 = vector.shape_cast %add3A_166 : vector<16xf32> to vector<1x16xf32>
      tpu.vector_store %arg13[%swap3A, %swap3A_167], %swap3A_170 {strides = array<i32>} : memref<256x128xf32, #tpu.memory_space<vmem>>, vector<1x16xf32>,
      %mul3A_171 = vector.broadcast %convert_element_type3A_162 : f32 to vector<16xf32>
      %mul3A_172 = arith.mulf %mul3A_171, %sub3A_29 : vector<16xf32>
      %add3A_173 = arith.addf %mul3A_28, %mul3A_172 : vector<16xf32>
      %mul3A_174 = vector.broadcast %convert_element_type3A_163 : f32 to vector<16xf32>
      %mul3A_175 = arith.mulf %mul3A_174, %sub3A_30 : vector<16xf32>
      %add3A_176 = arith.addf %add3A_173, %mul3A_175 : vector<16xf32>
      %swap3A_177 = arith.index_cast %scan3A_142 : i32 to index
      %swap3A_178 = arith.constant 64 : index
      %swap3A_179 = tpu.vector_load %arg13[%swap3A_177, %swap3A_178] {strides = array<i32>} : memref<256x128xf32, #tpu.memory_space<vmem>>, vector<1x16xf32>,
      %swap3A_180 = vector.shape_cast %swap3A_179 : vector<1x16xf32> to vector<16xf32>
      %swap3A_181 = vector.shape_cast %add3A_176 : vector<16xf32> to vector<1x16xf32>
      tpu.vector_store %arg13[%swap3A_177, %swap3A_178], %swap3A_181 {strides = array<i32>} : memref<256x128xf32, #tpu.memory_space<vmem>>, vector<1x16xf32>,
      %mul3A_182 = vector.broadcast %convert_element_type3A : f32 to vector<16xf32>
      %mul3A_183 = arith.mulf %mul3A_182, %sub3A_40 : vector<16xf32>
      %add3A_184 = arith.addf %mul3A_39, %mul3A_183 : vector<16xf32>
      %swap3A_185 = arith.index_cast %scan3A_142 : i32 to index
      %swap3A_186 = arith.constant 16 : index
      %swap3A_187 = tpu.vector_load %arg13[%swap3A_185, %swap3A_186] {strides = array<i32>} : memref<256x128xf32, #tpu.memory_space<vmem>>, vector<1x16xf32>,
      %swap3A_188 = vector.shape_cast %swap3A_187 : vector<1x16xf32> to vector<16xf32>
      %swap3A_189 = vector.shape_cast %add3A_184 : vector<16xf32> to vector<1x16xf32>
      tpu.vector_store %arg13[%swap3A_185, %swap3A_186], %swap3A_189 {strides = array<i32>} : memref<256x128xf32, #tpu.memory_space<vmem>>, vector<1x16xf32>,
      %mul3A_190 = vector.broadcast %convert_element_type3A_162 : f32 to vector<16xf32>
      %mul3A_191 = arith.mulf %mul3A_190, %sub3A_53 : vector<16xf32>
      %add3A_192 = arith.addf %mul3A_52, %mul3A_191 : vector<16xf32>
      %mul3A_193 = vector.broadcast %convert_element_type3A_163 : f32 to vector<16xf32>
      %mul3A_194 = arith.mulf %mul3A_193, %sub3A_54 : vector<16xf32>
      %add3A_195 = arith.addf %add3A_192, %mul3A_194 : vector<16xf32>
      %swap3A_196 = arith.index_cast %scan3A_142 : i32 to index
      %swap3A_197 = arith.constant 80 : index
      %swap3A_198 = tpu.vector_load %arg13[%swap3A_196, %swap3A_197] {strides = array<i32>} : memref<256x128xf32, #tpu.memory_space<vmem>>, vector<1x16xf32>,
      %swap3A_199 = vector.shape_cast %swap3A_198 : vector<1x16xf32> to vector<16xf32>
      %swap3A_200 = vector.shape_cast %add3A_195 : vector<16xf32> to vector<1x16xf32>
      tpu.vector_store %arg13[%swap3A_196, %swap3A_197], %swap3A_200 {strides = array<i32>} : memref<256x128xf32, #tpu.memory_space<vmem>>, vector<1x16xf32>,
      %mul3A_201 = vector.broadcast %convert_element_type3A : f32 to vector<16xf32>
      %mul3A_202 = arith.mulf %mul3A_201, %sub3A_64 : vector<16xf32>
      %add3A_203 = arith.addf %mul3A_63, %mul3A_202 : vector<16xf32>
      %swap3A_204 = arith.index_cast %scan3A_142 : i32 to index
      %swap3A_205 = arith.constant 32 : index
      %swap3A_206 = tpu.vector_load %arg13[%swap3A_204, %swap3A_205] {strides = array<i32>} : memref<256x128xf32, #tpu.memory_space<vmem>>, vector<1x16xf32>,
      %swap3A_207 = vector.shape_cast %swap3A_206 : vector<1x16xf32> to vector<16xf32>
      %swap3A_208 = vector.shape_cast %add3A_203 : vector<16xf32> to vector<1x16xf32>
      tpu.vector_store %arg13[%swap3A_204, %swap3A_205], %swap3A_208 {strides = array<i32>} : memref<256x128xf32, #tpu.memory_space<vmem>>, vector<1x16xf32>,
      %mul3A_209 = vector.broadcast %convert_element_type3A_162 : f32 to vector<16xf32>
      %mul3A_210 = arith.mulf %mul3A_209, %sub3A_77 : vector<16xf32>
      %add3A_211 = arith.addf %mul3A_76, %mul3A_210 : vector<16xf32>
      %mul3A_212 = vector.broadcast %convert_element_type3A_163 : f32 to vector<16xf32>
      %mul3A_213 = arith.mulf %mul3A_212, %sub3A_78 : vector<16xf32>
      %add3A_214 = arith.addf %add3A_211, %mul3A_213 : vector<16xf32>
      %swap3A_215 = arith.index_cast %scan3A_142 : i32 to index
      %swap3A_216 = arith.constant 96 : index
      %swap3A_217 = tpu.vector_load %arg13[%swap3A_215, %swap3A_216] {strides = array<i32>} : memref<256x128xf32, #tpu.memory_space<vmem>>, vector<1x16xf32>,
      %swap3A_218 = vector.shape_cast %swap3A_217 : vector<1x16xf32> to vector<16xf32>
      %swap3A_219 = vector.shape_cast %add3A_214 : vector<16xf32> to vector<1x16xf32>
      tpu.vector_store %arg13[%swap3A_215, %swap3A_216], %swap3A_219 {strides = array<i32>} : memref<256x128xf32, #tpu.memory_space<vmem>>, vector<1x16xf32>,
      %mul3A_220 = vector.broadcast %convert_element_type3A : f32 to vector<16xf32>
      %mul3A_221 = arith.mulf %mul3A_220, %sub3A_88 : vector<16xf32>
      %add3A_222 = arith.addf %mul3A_87, %mul3A_221 : vector<16xf32>
      %swap3A_223 = arith.index_cast %scan3A_142 : i32 to index
      %swap3A_224 = arith.constant 48 : index
      %swap3A_225 = tpu.vector_load %arg13[%swap3A_223, %swap3A_224] {strides = array<i32>} : memref<256x128xf32, #tpu.memory_space<vmem>>, vector<1x16xf32>,
      %swap3A_226 = vector.shape_cast %swap3A_225 : vector<1x16xf32> to vector<16xf32>
      %swap3A_227 = vector.shape_cast %add3A_222 : vector<16xf32> to vector<1x16xf32>
      tpu.vector_store %arg13[%swap3A_223, %swap3A_224], %swap3A_227 {strides = array<i32>} : memref<256x128xf32, #tpu.memory_space<vmem>>, vector<1x16xf32>,
      %mul3A_228 = vector.broadcast %convert_element_type3A_162 : f32 to vector<16xf32>
      %mul3A_229 = arith.mulf %mul3A_228, %sub3A_101 : vector<16xf32>
      %add3A_230 = arith.addf %mul3A_100, %mul3A_229 : vector<16xf32>
      %mul3A_231 = vector.broadcast %convert_element_type3A_163 : f32 to vector<16xf32>
      %mul3A_232 = arith.mulf %mul3A_231, %sub3A_102 : vector<16xf32>
      %add3A_233 = arith.addf %add3A_230, %mul3A_232 : vector<16xf32>
      %swap3A_234 = arith.index_cast %scan3A_142 : i32 to index
      %swap3A_235 = arith.constant 112 : index
      %swap3A_236 = tpu.vector_load %arg13[%swap3A_234, %swap3A_235] {strides = array<i32>} : memref<256x128xf32, #tpu.memory_space<vmem>>, vector<1x16xf32>,
      %swap3A_237 = vector.shape_cast %swap3A_236 : vector<1x16xf32> to vector<16xf32>
      %swap3A_238 = vector.shape_cast %add3A_233 : vector<16xf32> to vector<1x16xf32>
      tpu.vector_store %arg13[%swap3A_234, %swap3A_235], %swap3A_238 {strides = array<i32>} : memref<256x128xf32, #tpu.memory_space<vmem>>, vector<1x16xf32>,
      %scan3A_239 = arith.constant 0 : i32
      scf.yield %scan3A_239 : i32
    }
    %scan3A_119 = arith.constant 160 : i32
    %mul3A_120 = arith.constant 320 : i32
    %mul3A_121 = arith.muli %arg1, %mul3A_120 : i32
    %add3A_122 = arith.constant 160 : i32
    %add3A_123 = arith.addi %mul3A_121, %add3A_122 : i32
    "tpu.region"() ({
      %run_scoped3A = tpu.sem_alloc : memref<!tpu.dma_semaphore, #tpu.memory_space<semaphore_mem>>
      %dma_start3A = arith.constant 0 : i32
      %dma_start3A_142 = arith.constant 0 : i32
      %dma_start3A_143 = tpu.memref_slice %arg13[%dma_start3A, %dma_start3A_142] : memref<256x128xf32, #tpu.memory_space<vmem>> -> memref<160x128xf32, #tpu.memory_space<vmem>>
      %dma_start3A_144 = arith.constant 0 : i32
      %dma_start3A_145 = tpu.memref_slice %arg15[%add3A_123, %dma_start3A_144] : memref<5120x128xf32, #tpu.memory_space<vmem_shared>> -> memref<160x128xf32, #tpu.memory_space<vmem_shared>>
      %dma_start3A_146 = arith.constant 0 : i32
      %dma_start3A_147 = tpu.memref_slice %arg15[%add3A_123, %dma_start3A_146] : memref<5120x128xf32, #tpu.memory_space<vmem_shared>> -> memref<160x128xf32, #tpu.memory_space<vmem_shared>>
      %dma_start3A_148 = arith.constant 0 : i32
      %dma_start3A_149 = arith.constant 0 : i32
      %dma_start3A_150 = tpu.memref_slice %arg13[%dma_start3A_148, %dma_start3A_149] : memref<256x128xf32, #tpu.memory_space<vmem>> -> memref<160x128xf32, #tpu.memory_space<vmem>>
      tpu.enqueue_dma source(%dma_start3A_150 : memref<160x128xf32, #tpu.memory_space<vmem>>) target(%dma_start3A_147 : memref<160x128xf32, #tpu.memory_space<vmem_shared>>) target_semaphore(%run_scoped3A : memref<!tpu.dma_semaphore, #tpu.memory_space<semaphore_mem>>)
      %dma_wait3A_151 = arith.constant 0 : i32
      %dma_wait3A_152 = arith.constant 0 : i32
      %dma_wait3A_153 = tpu.memref_slice %arg13[%dma_wait3A_151, %dma_wait3A_152] : memref<256x128xf32, #tpu.memory_space<vmem>> -> memref<160x128xf32, #tpu.memory_space<vmem>>
      %dma_wait3A_154 = arith.constant 0 : i32
      %dma_wait3A_155 = tpu.memref_slice %arg15[%add3A_123, %dma_wait3A_154] : memref<5120x128xf32, #tpu.memory_space<vmem_shared>> -> memref<160x128xf32, #tpu.memory_space<vmem_shared>>
      %dma_wait3A_156 = arith.constant 0 : i32
      %dma_wait3A_157 = tpu.memref_slice %arg15[%add3A_123, %dma_wait3A_156] : memref<5120x128xf32, #tpu.memory_space<vmem_shared>> -> memref<160x128xf32, #tpu.memory_space<vmem_shared>>
      %dma_wait3A_158 = arith.constant 0 : i32
      %dma_wait3A_159 = arith.constant 0 : i32
      %dma_wait3A_160 = tpu.memref_slice %arg13[%dma_wait3A_158, %dma_wait3A_159] : memref<256x128xf32, #tpu.memory_space<vmem>> -> memref<160x128xf32, #tpu.memory_space<vmem>>
      tpu.wait_dma2 semaphore(%run_scoped3A : memref<!tpu.dma_semaphore, #tpu.memory_space<semaphore_mem>>) src(%dma_wait3A_160 : memref<160x128xf32, #tpu.memory_space<vmem>>) dst(%dma_wait3A_157 : memref<160x128xf32, #tpu.memory_space<vmem_shared>>)
      tpu.yield
    }) : () -> ()
    %barrier3A = arith.constant 0 : index
    tpu.barrier barrier_id(%barrier3A)
    %scan3A_124 = arith.constant 0 : i32
    %scan3A_125 = arith.constant 0 : i32
    %scan3A_126 = arith.constant 32 : i32
    %scan3A_127 = arith.addi %scan3A_125, %scan3A_126 : i32
    %scan3A_128 = arith.constant 1 : i32
    %scan3A_129 = scf.for %scan3A_142 = %scan3A_125 to %scan3A_127 step %scan3A_128 iter_args(%scan3A_143 = %scan3A_124) -> (i32)  : i32 {
      %mul3A_144 = arith.constant 2 : i32
      %mul3A_145 = arith.muli %mul3A_144, %scan3A_142 : i32
      %add3A_146 = arith.constant 0 : i32
      %add3A_147 = arith.addi %mul3A_145, %add3A_146 : i32
      %mul3A_148 = arith.constant 8 : i32
      %mul3A_149 = arith.muli %add3A_147, %mul3A_148 : i32
      %gt3A = arith.constant 0 : i32
      %gt3A_150 = arith.cmpi sgt, %scan3A_142, %gt3A : i32
      %convert_element_type3A = arith.extui %gt3A_150 : i1 to i32
      %cond3A = arith.constant 0 : i32
      %cond3A_151 = arith.cmpi ne, %convert_element_type3A, %cond3A : i32
      scf.if %cond3A_151 {
        %dma_wait3A_261 = arith.constant 0 : i32
        %dma_wait3A_262 = arith.constant 0 : i32
        %dma_wait3A_263 = tpu.memref_slice %arg5[%dma_wait3A_261, %dma_wait3A_262] : memref<524288x128xf32, #tpu.memory_space<hbm>> -> memref<256x128xf32, #tpu.memory_space<hbm>>
        %dma_wait3A_264 = arith.constant 0 : i32
        %dma_wait3A_265 = arith.constant 0 : i32
        %dma_wait3A_266 = tpu.memref_slice %arg5[%dma_wait3A_264, %dma_wait3A_265] : memref<524288x128xf32, #tpu.memory_space<hbm>> -> memref<256x128xf32, #tpu.memory_space<hbm>>
        tpu.wait_dma2 semaphore(%arg18 : memref<!tpu.dma_semaphore, #tpu.memory_space<semaphore_mem>>) src(%arg13 : memref<256x128xf32, #tpu.memory_space<vmem>>) dst(%dma_wait3A_266 : memref<256x128xf32, #tpu.memory_space<hbm>>)
      } else {
      }
      %mul3A_152 = arith.constant 26 : i32
      %mul3A_153 = arith.muli %mul3A_149, %mul3A_152 : i32
      %scan3A_154 = arith.constant 0 : i32
      %scan3A_155 = arith.constant 0 : i32
      %scan3A_156 = arith.constant 8 : i32
      %scan3A_157 = arith.addi %scan3A_155, %scan3A_156 : i32
      %scan3A_158 = arith.constant 1 : i32
      %scan3A_159 = scf.for %scan3A_261 = %scan3A_155 to %scan3A_157 step %scan3A_158 iter_args(%scan3A_262 = %scan3A_154) -> (i32)  : i32 {
        %add3A_263 = arith.constant 0 : i32
        %add3A_264 = arith.addi %add3A_263, %scan3A_261 : i32
        %shift_right_arithmetic3A = arith.constant 1 : i32
        %shift_right_arithmetic3A_265 = arith.shrsi %add3A_264, %shift_right_arithmetic3A : i32
        %and3A = arith.constant 1 : i32
        %and3A_266 = arith.andi %add3A_264, %and3A : i32
        %mul3A_267 = arith.constant 16 : i32
        %mul3A_268 = arith.muli %and3A_266, %mul3A_267 : i32
        %mul3A_269 = arith.constant 26 : i32
        %mul3A_270 = arith.muli %shift_right_arithmetic3A_265, %mul3A_269 : i32
        %add3A_271 = arith.addi %mul3A_153, %mul3A_270 : i32
        %add3A_272 = arith.addi %add3A_271, %mul3A_268 : i32
        %get3A_273 = arith.index_cast %add3A_272 : i32 to index
        %get3A_274 = tpu.vector_load %arg6[%get3A_273] {strides = array<i32>} : memref<13328xi32, #tpu.memory_space<vmem>>, vector<16xi32>,
        %get3A_275 = vector.shape_cast %get3A_274 : vector<16xi32> to vector<16xi32>
        %and3A_276 = arith.constant 65535 : i32
        %and3A_277 = vector.broadcast %and3A_276 : i32 to vector<16xi32>
        %and3A_278 = arith.andi %get3A_275, %and3A_277 : vector<16xi32>
        %shift_right_arithmetic3A_279 = arith.constant 1 : i32
        %shift_right_arithmetic3A_280 = vector.broadcast %shift_right_arithmetic3A_279 : i32 to vector<16xi32>
        %shift_right_arithmetic3A_281 = arith.shrsi %and3A_278, %shift_right_arithmetic3A_280 : vector<16xi32>
        %and3A_282 = arith.constant 21845 : i32
        %and3A_283 = vector.broadcast %and3A_282 : i32 to vector<16xi32>
        %and3A_284 = arith.andi %shift_right_arithmetic3A_281, %and3A_283 : vector<16xi32>
        %sub3A_285 = arith.subi %and3A_278, %and3A_284 : vector<16xi32>
        %and3A_286 = arith.constant 13107 : i32
        %and3A_287 = vector.broadcast %and3A_286 : i32 to vector<16xi32>
        %and3A_288 = arith.andi %sub3A_285, %and3A_287 : vector<16xi32>
        %shift_right_arithmetic3A_289 = arith.constant 2 : i32
        %shift_right_arithmetic3A_290 = vector.broadcast %shift_right_arithmetic3A_289 : i32 to vector<16xi32>
        %shift_right_arithmetic3A_291 = arith.shrsi %sub3A_285, %shift_right_arithmetic3A_290 : vector<16xi32>
        %and3A_292 = arith.constant 13107 : i32
        %and3A_293 = vector.broadcast %and3A_292 : i32 to vector<16xi32>
        %and3A_294 = arith.andi %shift_right_arithmetic3A_291, %and3A_293 : vector<16xi32>
        %add3A_295 = arith.addi %and3A_288, %and3A_294 : vector<16xi32>
        %shift_right_arithmetic3A_296 = arith.constant 4 : i32
        %shift_right_arithmetic3A_297 = vector.broadcast %shift_right_arithmetic3A_296 : i32 to vector<16xi32>
        %shift_right_arithmetic3A_298 = arith.shrsi %add3A_295, %shift_right_arithmetic3A_297 : vector<16xi32>
        %add3A_299 = arith.addi %add3A_295, %shift_right_arithmetic3A_298 : vector<16xi32>
        %and3A_300 = arith.constant 3855 : i32
        %and3A_301 = vector.broadcast %and3A_300 : i32 to vector<16xi32>
        %and3A_302 = arith.andi %add3A_299, %and3A_301 : vector<16xi32>
        %shift_right_arithmetic3A_303 = arith.constant 8 : i32
        %shift_right_arithmetic3A_304 = vector.broadcast %shift_right_arithmetic3A_303 : i32 to vector<16xi32>
        %shift_right_arithmetic3A_305 = arith.shrsi %and3A_302, %shift_right_arithmetic3A_304 : vector<16xi32>
        %add3A_306 = arith.addi %and3A_302, %shift_right_arithmetic3A_305 : vector<16xi32>
        %and3A_307 = arith.constant 31 : i32
        %and3A_308 = vector.broadcast %and3A_307 : i32 to vector<16xi32>
        %and3A_309 = arith.andi %add3A_306, %and3A_308 : vector<16xi32>
        %sub3A_310 = arith.subi %and3A_278, %and3A_278 : vector<16xi32>
        %sub3A_311 = arith.subi %and3A_278, %and3A_278 : vector<16xi32>
        %mul3A_312 = arith.constant 43691 : i32
        %mul3A_313 = vector.broadcast %mul3A_312 : i32 to vector<16xi32>
        %mul3A_314 = arith.muli %and3A_278, %mul3A_313 : vector<16xi32>
        %shift_right_logical3A = arith.constant 17 : i32
        %shift_right_logical3A_315 = vector.broadcast %shift_right_logical3A : i32 to vector<16xi32>
        %shift_right_logical3A_316 = arith.shrui %mul3A_314, %shift_right_logical3A_315 : vector<16xi32>
        %shift_left3A = arith.constant 1 : i32
        %shift_left3A_317 = vector.broadcast %shift_left3A : i32 to vector<16xi32>
        %shift_left3A_318 = arith.shli %shift_right_logical3A_316, %shift_left3A_317 : vector<16xi32>
        %add3A_319 = arith.addi %shift_right_logical3A_316, %shift_left3A_318 : vector<16xi32>
        %sub3A_320 = arith.subi %and3A_278, %add3A_319 : vector<16xi32>
        %add3A_321 = arith.addi %sub3A_310, %sub3A_320 : vector<16xi32>
        %shift_right_arithmetic3A_322 = arith.constant 1 : i32
        %shift_right_arithmetic3A_323 = vector.broadcast %shift_right_arithmetic3A_322 : i32 to vector<16xi32>
        %shift_right_arithmetic3A_324 = arith.shrsi %sub3A_320, %shift_right_arithmetic3A_323 : vector<16xi32>
        %add3A_325 = arith.addi %sub3A_311, %shift_right_arithmetic3A_324 : vector<16xi32>
        %mul3A_326 = arith.constant 43691 : i32
        %mul3A_327 = vector.broadcast %mul3A_326 : i32 to vector<16xi32>
        %mul3A_328 = arith.muli %shift_right_logical3A_316, %mul3A_327 : vector<16xi32>
        %shift_right_logical3A_329 = arith.constant 17 : i32
        %shift_right_logical3A_330 = vector.broadcast %shift_right_logical3A_329 : i32 to vector<16xi32>
        %shift_right_logical3A_331 = arith.shrui %mul3A_328, %shift_right_logical3A_330 : vector<16xi32>
        %shift_left3A_332 = arith.constant 1 : i32
        %shift_left3A_333 = vector.broadcast %shift_left3A_332 : i32 to vector<16xi32>
        %shift_left3A_334 = arith.shli %shift_right_logical3A_331, %shift_left3A_333 : vector<16xi32>
        %add3A_335 = arith.addi %shift_right_logical3A_331, %shift_left3A_334 : vector<16xi32>
        %sub3A_336 = arith.subi %shift_right_logical3A_316, %add3A_335 : vector<16xi32>
        %add3A_337 = arith.addi %add3A_321, %sub3A_336 : vector<16xi32>
        %shift_right_arithmetic3A_338 = arith.constant 1 : i32
        %shift_right_arithmetic3A_339 = vector.broadcast %shift_right_arithmetic3A_338 : i32 to vector<16xi32>
        %shift_right_arithmetic3A_340 = arith.shrsi %sub3A_336, %shift_right_arithmetic3A_339 : vector<16xi32>
        %add3A_341 = arith.addi %add3A_325, %shift_right_arithmetic3A_340 : vector<16xi32>
        %mul3A_342 = arith.constant 43691 : i32
        %mul3A_343 = vector.broadcast %mul3A_342 : i32 to vector<16xi32>
        %mul3A_344 = arith.muli %shift_right_logical3A_331, %mul3A_343 : vector<16xi32>
        %shift_right_logical3A_345 = arith.constant 17 : i32
        %shift_right_logical3A_346 = vector.broadcast %shift_right_logical3A_345 : i32 to vector<16xi32>
        %shift_right_logical3A_347 = arith.shrui %mul3A_344, %shift_right_logical3A_346 : vector<16xi32>
        %shift_left3A_348 = arith.constant 1 : i32
        %shift_left3A_349 = vector.broadcast %shift_left3A_348 : i32 to vector<16xi32>
        %shift_left3A_350 = arith.shli %shift_right_logical3A_347, %shift_left3A_349 : vector<16xi32>
        %add3A_351 = arith.addi %shift_right_logical3A_347, %shift_left3A_350 : vector<16xi32>
        %sub3A_352 = arith.subi %shift_right_logical3A_331, %add3A_351 : vector<16xi32>
        %add3A_353 = arith.addi %add3A_337, %sub3A_352 : vector<16xi32>
        %shift_right_arithmetic3A_354 = arith.constant 1 : i32
        %shift_right_arithmetic3A_355 = vector.broadcast %shift_right_arithmetic3A_354 : i32 to vector<16xi32>
        %shift_right_arithmetic3A_356 = arith.shrsi %sub3A_352, %shift_right_arithmetic3A_355 : vector<16xi32>
        %add3A_357 = arith.addi %add3A_341, %shift_right_arithmetic3A_356 : vector<16xi32>
        %mul3A_358 = arith.constant 43691 : i32
        %mul3A_359 = vector.broadcast %mul3A_358 : i32 to vector<16xi32>
        %mul3A_360 = arith.muli %shift_right_logical3A_347, %mul3A_359 : vector<16xi32>
        %shift_right_logical3A_361 = arith.constant 17 : i32
        %shift_right_logical3A_362 = vector.broadcast %shift_right_logical3A_361 : i32 to vector<16xi32>
        %shift_right_logical3A_363 = arith.shrui %mul3A_360, %shift_right_logical3A_362 : vector<16xi32>
        %shift_left3A_364 = arith.constant 1 : i32
        %shift_left3A_365 = vector.broadcast %shift_left3A_364 : i32 to vector<16xi32>
        %shift_left3A_366 = arith.shli %shift_right_logical3A_363, %shift_left3A_365 : vector<16xi32>
        %add3A_367 = arith.addi %shift_right_logical3A_363, %shift_left3A_366 : vector<16xi32>
        %sub3A_368 = arith.subi %shift_right_logical3A_347, %add3A_367 : vector<16xi32>
        %add3A_369 = arith.addi %add3A_353, %sub3A_368 : vector<16xi32>
        %shift_right_arithmetic3A_370 = arith.constant 1 : i32
        %shift_right_arithmetic3A_371 = vector.broadcast %shift_right_arithmetic3A_370 : i32 to vector<16xi32>
        %shift_right_arithmetic3A_372 = arith.shrsi %sub3A_368, %shift_right_arithmetic3A_371 : vector<16xi32>
        %add3A_373 = arith.addi %add3A_357, %shift_right_arithmetic3A_372 : vector<16xi32>
        %mul3A_374 = arith.constant 43691 : i32
        %mul3A_375 = vector.broadcast %mul3A_374 : i32 to vector<16xi32>
        %mul3A_376 = arith.muli %shift_right_logical3A_363, %mul3A_375 : vector<16xi32>
        %shift_right_logical3A_377 = arith.constant 17 : i32
        %shift_right_logical3A_378 = vector.broadcast %shift_right_logical3A_377 : i32 to vector<16xi32>
        %shift_right_logical3A_379 = arith.shrui %mul3A_376, %shift_right_logical3A_378 : vector<16xi32>
        %shift_left3A_380 = arith.constant 1 : i32
        %shift_left3A_381 = vector.broadcast %shift_left3A_380 : i32 to vector<16xi32>
        %shift_left3A_382 = arith.shli %shift_right_logical3A_379, %shift_left3A_381 : vector<16xi32>
        %add3A_383 = arith.addi %shift_right_logical3A_379, %shift_left3A_382 : vector<16xi32>
        %sub3A_384 = arith.subi %shift_right_logical3A_363, %add3A_383 : vector<16xi32>
        %add3A_385 = arith.addi %add3A_369, %sub3A_384 : vector<16xi32>
        %shift_right_arithmetic3A_386 = arith.constant 1 : i32
        %shift_right_arithmetic3A_387 = vector.broadcast %shift_right_arithmetic3A_386 : i32 to vector<16xi32>
        %shift_right_arithmetic3A_388 = arith.shrsi %sub3A_384, %shift_right_arithmetic3A_387 : vector<16xi32>
        %add3A_389 = arith.addi %add3A_373, %shift_right_arithmetic3A_388 : vector<16xi32>
        %mul3A_390 = arith.constant 43691 : i32
        %mul3A_391 = vector.broadcast %mul3A_390 : i32 to vector<16xi32>
        %mul3A_392 = arith.muli %shift_right_logical3A_379, %mul3A_391 : vector<16xi32>
        %shift_right_logical3A_393 = arith.constant 17 : i32
        %shift_right_logical3A_394 = vector.broadcast %shift_right_logical3A_393 : i32 to vector<16xi32>
        %shift_right_logical3A_395 = arith.shrui %mul3A_392, %shift_right_logical3A_394 : vector<16xi32>
        %shift_left3A_396 = arith.constant 1 : i32
        %shift_left3A_397 = vector.broadcast %shift_left3A_396 : i32 to vector<16xi32>
        %shift_left3A_398 = arith.shli %shift_right_logical3A_395, %shift_left3A_397 : vector<16xi32>
        %add3A_399 = arith.addi %shift_right_logical3A_395, %shift_left3A_398 : vector<16xi32>
        %sub3A_400 = arith.subi %shift_right_logical3A_379, %add3A_399 : vector<16xi32>
        %add3A_401 = arith.addi %add3A_385, %sub3A_400 : vector<16xi32>
        %shift_right_arithmetic3A_402 = arith.constant 1 : i32
        %shift_right_arithmetic3A_403 = vector.broadcast %shift_right_arithmetic3A_402 : i32 to vector<16xi32>
        %shift_right_arithmetic3A_404 = arith.shrsi %sub3A_400, %shift_right_arithmetic3A_403 : vector<16xi32>
        %add3A_405 = arith.addi %add3A_389, %shift_right_arithmetic3A_404 : vector<16xi32>
        %mul3A_406 = arith.constant 43691 : i32
        %mul3A_407 = vector.broadcast %mul3A_406 : i32 to vector<16xi32>
        %mul3A_408 = arith.muli %shift_right_logical3A_395, %mul3A_407 : vector<16xi32>
        %shift_right_logical3A_409 = arith.constant 17 : i32
        %shift_right_logical3A_410 = vector.broadcast %shift_right_logical3A_409 : i32 to vector<16xi32>
        %shift_right_logical3A_411 = arith.shrui %mul3A_408, %shift_right_logical3A_410 : vector<16xi32>
        %shift_left3A_412 = arith.constant 1 : i32
        %shift_left3A_413 = vector.broadcast %shift_left3A_412 : i32 to vector<16xi32>
        %shift_left3A_414 = arith.shli %shift_right_logical3A_411, %shift_left3A_413 : vector<16xi32>
        %add3A_415 = arith.addi %shift_right_logical3A_411, %shift_left3A_414 : vector<16xi32>
        %sub3A_416 = arith.subi %shift_right_logical3A_395, %add3A_415 : vector<16xi32>
        %add3A_417 = arith.addi %add3A_401, %sub3A_416 : vector<16xi32>
        %shift_right_arithmetic3A_418 = arith.constant 1 : i32
        %shift_right_arithmetic3A_419 = vector.broadcast %shift_right_arithmetic3A_418 : i32 to vector<16xi32>
        %shift_right_arithmetic3A_420 = arith.shrsi %sub3A_416, %shift_right_arithmetic3A_419 : vector<16xi32>
        %add3A_421 = arith.addi %add3A_405, %shift_right_arithmetic3A_420 : vector<16xi32>
        %mul3A_422 = arith.constant 43691 : i32
        %mul3A_423 = vector.broadcast %mul3A_422 : i32 to vector<16xi32>
        %mul3A_424 = arith.muli %shift_right_logical3A_411, %mul3A_423 : vector<16xi32>
        %shift_right_logical3A_425 = arith.constant 17 : i32
        %shift_right_logical3A_426 = vector.broadcast %shift_right_logical3A_425 : i32 to vector<16xi32>
        %shift_right_logical3A_427 = arith.shrui %mul3A_424, %shift_right_logical3A_426 : vector<16xi32>
        %shift_left3A_428 = arith.constant 1 : i32
        %shift_left3A_429 = vector.broadcast %shift_left3A_428 : i32 to vector<16xi32>
        %shift_left3A_430 = arith.shli %shift_right_logical3A_427, %shift_left3A_429 : vector<16xi32>
        %add3A_431 = arith.addi %shift_right_logical3A_427, %shift_left3A_430 : vector<16xi32>
        %sub3A_432 = arith.subi %shift_right_logical3A_411, %add3A_431 : vector<16xi32>
        %add3A_433 = arith.addi %add3A_417, %sub3A_432 : vector<16xi32>
        %shift_right_arithmetic3A_434 = arith.constant 1 : i32
        %shift_right_arithmetic3A_435 = vector.broadcast %shift_right_arithmetic3A_434 : i32 to vector<16xi32>
        %shift_right_arithmetic3A_436 = arith.shrsi %sub3A_432, %shift_right_arithmetic3A_435 : vector<16xi32>
        %add3A_437 = arith.addi %add3A_421, %shift_right_arithmetic3A_436 : vector<16xi32>
        %mul3A_438 = arith.constant 43691 : i32
        %mul3A_439 = vector.broadcast %mul3A_438 : i32 to vector<16xi32>
        %mul3A_440 = arith.muli %shift_right_logical3A_427, %mul3A_439 : vector<16xi32>
        %shift_right_logical3A_441 = arith.constant 17 : i32
        %shift_right_logical3A_442 = vector.broadcast %shift_right_logical3A_441 : i32 to vector<16xi32>
        %shift_right_logical3A_443 = arith.shrui %mul3A_440, %shift_right_logical3A_442 : vector<16xi32>
        %shift_left3A_444 = arith.constant 1 : i32
        %shift_left3A_445 = vector.broadcast %shift_left3A_444 : i32 to vector<16xi32>
        %shift_left3A_446 = arith.shli %shift_right_logical3A_443, %shift_left3A_445 : vector<16xi32>
        %add3A_447 = arith.addi %shift_right_logical3A_443, %shift_left3A_446 : vector<16xi32>
        %sub3A_448 = arith.subi %shift_right_logical3A_427, %add3A_447 : vector<16xi32>
        %add3A_449 = arith.addi %add3A_433, %sub3A_448 : vector<16xi32>
        %shift_right_arithmetic3A_450 = arith.constant 1 : i32
        %shift_right_arithmetic3A_451 = vector.broadcast %shift_right_arithmetic3A_450 : i32 to vector<16xi32>
        %shift_right_arithmetic3A_452 = arith.shrsi %sub3A_448, %shift_right_arithmetic3A_451 : vector<16xi32>
        %add3A_453 = arith.addi %add3A_437, %shift_right_arithmetic3A_452 : vector<16xi32>
        %mul3A_454 = arith.constant 43691 : i32
        %mul3A_455 = vector.broadcast %mul3A_454 : i32 to vector<16xi32>
        %mul3A_456 = arith.muli %shift_right_logical3A_443, %mul3A_455 : vector<16xi32>
        %shift_right_logical3A_457 = arith.constant 17 : i32
        %shift_right_logical3A_458 = vector.broadcast %shift_right_logical3A_457 : i32 to vector<16xi32>
        %shift_right_logical3A_459 = arith.shrui %mul3A_456, %shift_right_logical3A_458 : vector<16xi32>
        %shift_left3A_460 = arith.constant 1 : i32
        %shift_left3A_461 = vector.broadcast %shift_left3A_460 : i32 to vector<16xi32>
        %shift_left3A_462 = arith.shli %shift_right_logical3A_459, %shift_left3A_461 : vector<16xi32>
        %add3A_463 = arith.addi %shift_right_logical3A_459, %shift_left3A_462 : vector<16xi32>
        %sub3A_464 = arith.subi %shift_right_logical3A_443, %add3A_463 : vector<16xi32>
        %add3A_465 = arith.addi %add3A_449, %sub3A_464 : vector<16xi32>
        %shift_right_arithmetic3A_466 = arith.constant 1 : i32
        %shift_right_arithmetic3A_467 = vector.broadcast %shift_right_arithmetic3A_466 : i32 to vector<16xi32>
        %shift_right_arithmetic3A_468 = arith.shrsi %sub3A_464, %shift_right_arithmetic3A_467 : vector<16xi32>
        %add3A_469 = arith.addi %add3A_453, %shift_right_arithmetic3A_468 : vector<16xi32>
        %mul3A_470 = arith.constant 43691 : i32
        %mul3A_471 = vector.broadcast %mul3A_470 : i32 to vector<16xi32>
        %mul3A_472 = arith.muli %shift_right_logical3A_459, %mul3A_471 : vector<16xi32>
        %shift_right_logical3A_473 = arith.constant 17 : i32
        %shift_right_logical3A_474 = vector.broadcast %shift_right_logical3A_473 : i32 to vector<16xi32>
        %shift_right_logical3A_475 = arith.shrui %mul3A_472, %shift_right_logical3A_474 : vector<16xi32>
        %shift_left3A_476 = arith.constant 1 : i32
        %shift_left3A_477 = vector.broadcast %shift_left3A_476 : i32 to vector<16xi32>
        %shift_left3A_478 = arith.shli %shift_right_logical3A_475, %shift_left3A_477 : vector<16xi32>
        %add3A_479 = arith.addi %shift_right_logical3A_475, %shift_left3A_478 : vector<16xi32>
        %sub3A_480 = arith.subi %shift_right_logical3A_459, %add3A_479 : vector<16xi32>
        %add3A_481 = arith.addi %add3A_465, %sub3A_480 : vector<16xi32>
        %shift_right_arithmetic3A_482 = arith.constant 1 : i32
        %shift_right_arithmetic3A_483 = vector.broadcast %shift_right_arithmetic3A_482 : i32 to vector<16xi32>
        %shift_right_arithmetic3A_484 = arith.shrsi %sub3A_480, %shift_right_arithmetic3A_483 : vector<16xi32>
        %add3A_485 = arith.addi %add3A_469, %shift_right_arithmetic3A_484 : vector<16xi32>
        %shift_left3A_486 = arith.constant 1 : i32
        %shift_left3A_487 = vector.broadcast %shift_left3A_486 : i32 to vector<16xi32>
        %shift_left3A_488 = arith.shli %add3A_485, %shift_left3A_487 : vector<16xi32>
        %sub3A_489 = arith.subi %add3A_481, %shift_left3A_488 : vector<16xi32>
        %mul3A_490 = arith.constant 289 : i32
        %mul3A_491 = vector.broadcast %mul3A_490 : i32 to vector<16xi32>
        %mul3A_492 = arith.muli %and3A_309, %mul3A_491 : vector<16xi32>
        %mul3A_493 = arith.constant 17 : i32
        %mul3A_494 = vector.broadcast %mul3A_493 : i32 to vector<16xi32>
        %mul3A_495 = arith.muli %sub3A_489, %mul3A_494 : vector<16xi32>
        %add3A_496 = arith.addi %mul3A_492, %mul3A_495 : vector<16xi32>
        %add3A_497 = arith.addi %add3A_496, %add3A_485 : vector<16xi32>
        %mul3A_498 = arith.constant 16 : i32
        %mul3A_499 = arith.muli %scan3A_261, %mul3A_498 : i32
        %swap3A = arith.index_cast %mul3A_499 : i32 to index
        %swap3A_500 = tpu.vector_load %arg9[%swap3A] {strides = array<i32>} : memref<128xi32, #tpu.memory_space<vmem>>, vector<16xi32>,
        %swap3A_501 = vector.shape_cast %swap3A_500 : vector<16xi32> to vector<16xi32>
        %swap3A_502 = vector.shape_cast %add3A_497 : vector<16xi32> to vector<16xi32>
        tpu.vector_store %arg9[%swap3A], %swap3A_502 {strides = array<i32>} : memref<128xi32, #tpu.memory_space<vmem>>, vector<16xi32>,
        %scan3A_503 = arith.constant 0 : i32
        scf.yield %scan3A_503 : i32
      }
      %scan3A_160 = arith.constant 8 : i32
      %dma_start3A = arith.constant 0 : i32
      %dma_start3A_161 = arith.constant 0 : i32
      %dma_start3A_162 = tpu.memref_slice %arg13[%dma_start3A, %dma_start3A_161] : memref<256x128xf32, #tpu.memory_space<vmem>> -> memref<128x128xf32, #tpu.memory_space<vmem>>
      %dma_start3A_163 = arith.constant 0 : i32
      %dma_start3A_164 = arith.constant 0 : i32
      %dma_start3A_165 = tpu.memref_slice %arg15[%dma_start3A_163, %dma_start3A_164] : memref<5120x128xf32, #tpu.memory_space<vmem_shared>> -> memref<5120x128xf32, #tpu.memory_space<vmem_shared>>
      tpu.enqueue_indirect_dma source(%dma_start3A_165 : memref<5120x128xf32, #tpu.memory_space<vmem_shared>>) target(%dma_start3A_162 : memref<128x128xf32, #tpu.memory_space<vmem>>) offsets(%arg9 : memref<128xi32, #tpu.memory_space<vmem>>) semaphore(%arg16 : memref<!tpu.dma_semaphore, #tpu.memory_space<semaphore_mem>>)
      %mul3A_166 = arith.constant 26 : i32
      %mul3A_167 = arith.muli %mul3A_149, %mul3A_166 : i32
      %scan3A_168 = arith.constant 0 : i32
      %scan3A_169 = arith.constant 0 : i32
      %scan3A_170 = arith.constant 8 : i32
      %scan3A_171 = arith.addi %scan3A_169, %scan3A_170 : i32
      %scan3A_172 = arith.constant 1 : i32
      %scan3A_173 = scf.for %scan3A_261 = %scan3A_169 to %scan3A_171 step %scan3A_172 iter_args(%scan3A_262 = %scan3A_168) -> (i32)  : i32 {
        %add3A_263 = arith.constant 8 : i32
        %add3A_264 = arith.addi %add3A_263, %scan3A_261 : i32
        %shift_right_arithmetic3A = arith.constant 1 : i32
        %shift_right_arithmetic3A_265 = arith.shrsi %add3A_264, %shift_right_arithmetic3A : i32
        %and3A = arith.constant 1 : i32
        %and3A_266 = arith.andi %add3A_264, %and3A : i32
        %mul3A_267 = arith.constant 16 : i32
        %mul3A_268 = arith.muli %and3A_266, %mul3A_267 : i32
        %mul3A_269 = arith.constant 26 : i32
        %mul3A_270 = arith.muli %shift_right_arithmetic3A_265, %mul3A_269 : i32
        %add3A_271 = arith.addi %mul3A_167, %mul3A_270 : i32
        %add3A_272 = arith.addi %add3A_271, %mul3A_268 : i32
        %get3A_273 = arith.index_cast %add3A_272 : i32 to index
        %get3A_274 = tpu.vector_load %arg6[%get3A_273] {strides = array<i32>} : memref<13328xi32, #tpu.memory_space<vmem>>, vector<16xi32>,
        %get3A_275 = vector.shape_cast %get3A_274 : vector<16xi32> to vector<16xi32>
        %and3A_276 = arith.constant 65535 : i32
        %and3A_277 = vector.broadcast %and3A_276 : i32 to vector<16xi32>
        %and3A_278 = arith.andi %get3A_275, %and3A_277 : vector<16xi32>
        %shift_right_arithmetic3A_279 = arith.constant 1 : i32
        %shift_right_arithmetic3A_280 = vector.broadcast %shift_right_arithmetic3A_279 : i32 to vector<16xi32>
        %shift_right_arithmetic3A_281 = arith.shrsi %and3A_278, %shift_right_arithmetic3A_280 : vector<16xi32>
        %and3A_282 = arith.constant 21845 : i32
        %and3A_283 = vector.broadcast %and3A_282 : i32 to vector<16xi32>
        %and3A_284 = arith.andi %shift_right_arithmetic3A_281, %and3A_283 : vector<16xi32>
        %sub3A_285 = arith.subi %and3A_278, %and3A_284 : vector<16xi32>
        %and3A_286 = arith.constant 13107 : i32
        %and3A_287 = vector.broadcast %and3A_286 : i32 to vector<16xi32>
        %and3A_288 = arith.andi %sub3A_285, %and3A_287 : vector<16xi32>
        %shift_right_arithmetic3A_289 = arith.constant 2 : i32
        %shift_right_arithmetic3A_290 = vector.broadcast %shift_right_arithmetic3A_289 : i32 to vector<16xi32>
        %shift_right_arithmetic3A_291 = arith.shrsi %sub3A_285, %shift_right_arithmetic3A_290 : vector<16xi32>
        %and3A_292 = arith.constant 13107 : i32
        %and3A_293 = vector.broadcast %and3A_292 : i32 to vector<16xi32>
        %and3A_294 = arith.andi %shift_right_arithmetic3A_291, %and3A_293 : vector<16xi32>
        %add3A_295 = arith.addi %and3A_288, %and3A_294 : vector<16xi32>
        %shift_right_arithmetic3A_296 = arith.constant 4 : i32
        %shift_right_arithmetic3A_297 = vector.broadcast %shift_right_arithmetic3A_296 : i32 to vector<16xi32>
        %shift_right_arithmetic3A_298 = arith.shrsi %add3A_295, %shift_right_arithmetic3A_297 : vector<16xi32>
        %add3A_299 = arith.addi %add3A_295, %shift_right_arithmetic3A_298 : vector<16xi32>
        %and3A_300 = arith.constant 3855 : i32
        %and3A_301 = vector.broadcast %and3A_300 : i32 to vector<16xi32>
        %and3A_302 = arith.andi %add3A_299, %and3A_301 : vector<16xi32>
        %shift_right_arithmetic3A_303 = arith.constant 8 : i32
        %shift_right_arithmetic3A_304 = vector.broadcast %shift_right_arithmetic3A_303 : i32 to vector<16xi32>
        %shift_right_arithmetic3A_305 = arith.shrsi %and3A_302, %shift_right_arithmetic3A_304 : vector<16xi32>
        %add3A_306 = arith.addi %and3A_302, %shift_right_arithmetic3A_305 : vector<16xi32>
        %and3A_307 = arith.constant 31 : i32
        %and3A_308 = vector.broadcast %and3A_307 : i32 to vector<16xi32>
        %and3A_309 = arith.andi %add3A_306, %and3A_308 : vector<16xi32>
        %sub3A_310 = arith.subi %and3A_278, %and3A_278 : vector<16xi32>
        %sub3A_311 = arith.subi %and3A_278, %and3A_278 : vector<16xi32>
        %mul3A_312 = arith.constant 43691 : i32
        %mul3A_313 = vector.broadcast %mul3A_312 : i32 to vector<16xi32>
        %mul3A_314 = arith.muli %and3A_278, %mul3A_313 : vector<16xi32>
        %shift_right_logical3A = arith.constant 17 : i32
        %shift_right_logical3A_315 = vector.broadcast %shift_right_logical3A : i32 to vector<16xi32>
        %shift_right_logical3A_316 = arith.shrui %mul3A_314, %shift_right_logical3A_315 : vector<16xi32>
        %shift_left3A = arith.constant 1 : i32
        %shift_left3A_317 = vector.broadcast %shift_left3A : i32 to vector<16xi32>
        %shift_left3A_318 = arith.shli %shift_right_logical3A_316, %shift_left3A_317 : vector<16xi32>
        %add3A_319 = arith.addi %shift_right_logical3A_316, %shift_left3A_318 : vector<16xi32>
        %sub3A_320 = arith.subi %and3A_278, %add3A_319 : vector<16xi32>
        %add3A_321 = arith.addi %sub3A_310, %sub3A_320 : vector<16xi32>
        %shift_right_arithmetic3A_322 = arith.constant 1 : i32
        %shift_right_arithmetic3A_323 = vector.broadcast %shift_right_arithmetic3A_322 : i32 to vector<16xi32>
        %shift_right_arithmetic3A_324 = arith.shrsi %sub3A_320, %shift_right_arithmetic3A_323 : vector<16xi32>
        %add3A_325 = arith.addi %sub3A_311, %shift_right_arithmetic3A_324 : vector<16xi32>
        %mul3A_326 = arith.constant 43691 : i32
        %mul3A_327 = vector.broadcast %mul3A_326 : i32 to vector<16xi32>
        %mul3A_328 = arith.muli %shift_right_logical3A_316, %mul3A_327 : vector<16xi32>
        %shift_right_logical3A_329 = arith.constant 17 : i32
        %shift_right_logical3A_330 = vector.broadcast %shift_right_logical3A_329 : i32 to vector<16xi32>
        %shift_right_logical3A_331 = arith.shrui %mul3A_328, %shift_right_logical3A_330 : vector<16xi32>
        %shift_left3A_332 = arith.constant 1 : i32
        %shift_left3A_333 = vector.broadcast %shift_left3A_332 : i32 to vector<16xi32>
        %shift_left3A_334 = arith.shli %shift_right_logical3A_331, %shift_left3A_333 : vector<16xi32>
        %add3A_335 = arith.addi %shift_right_logical3A_331, %shift_left3A_334 : vector<16xi32>
        %sub3A_336 = arith.subi %shift_right_logical3A_316, %add3A_335 : vector<16xi32>
        %add3A_337 = arith.addi %add3A_321, %sub3A_336 : vector<16xi32>
        %shift_right_arithmetic3A_338 = arith.constant 1 : i32
        %shift_right_arithmetic3A_339 = vector.broadcast %shift_right_arithmetic3A_338 : i32 to vector<16xi32>
        %shift_right_arithmetic3A_340 = arith.shrsi %sub3A_336, %shift_right_arithmetic3A_339 : vector<16xi32>
        %add3A_341 = arith.addi %add3A_325, %shift_right_arithmetic3A_340 : vector<16xi32>
        %mul3A_342 = arith.constant 43691 : i32
        %mul3A_343 = vector.broadcast %mul3A_342 : i32 to vector<16xi32>
        %mul3A_344 = arith.muli %shift_right_logical3A_331, %mul3A_343 : vector<16xi32>
        %shift_right_logical3A_345 = arith.constant 17 : i32
        %shift_right_logical3A_346 = vector.broadcast %shift_right_logical3A_345 : i32 to vector<16xi32>
        %shift_right_logical3A_347 = arith.shrui %mul3A_344, %shift_right_logical3A_346 : vector<16xi32>
        %shift_left3A_348 = arith.constant 1 : i32
        %shift_left3A_349 = vector.broadcast %shift_left3A_348 : i32 to vector<16xi32>
        %shift_left3A_350 = arith.shli %shift_right_logical3A_347, %shift_left3A_349 : vector<16xi32>
        %add3A_351 = arith.addi %shift_right_logical3A_347, %shift_left3A_350 : vector<16xi32>
        %sub3A_352 = arith.subi %shift_right_logical3A_331, %add3A_351 : vector<16xi32>
        %add3A_353 = arith.addi %add3A_337, %sub3A_352 : vector<16xi32>
        %shift_right_arithmetic3A_354 = arith.constant 1 : i32
        %shift_right_arithmetic3A_355 = vector.broadcast %shift_right_arithmetic3A_354 : i32 to vector<16xi32>
        %shift_right_arithmetic3A_356 = arith.shrsi %sub3A_352, %shift_right_arithmetic3A_355 : vector<16xi32>
        %add3A_357 = arith.addi %add3A_341, %shift_right_arithmetic3A_356 : vector<16xi32>
        %mul3A_358 = arith.constant 43691 : i32
        %mul3A_359 = vector.broadcast %mul3A_358 : i32 to vector<16xi32>
        %mul3A_360 = arith.muli %shift_right_logical3A_347, %mul3A_359 : vector<16xi32>
        %shift_right_logical3A_361 = arith.constant 17 : i32
        %shift_right_logical3A_362 = vector.broadcast %shift_right_logical3A_361 : i32 to vector<16xi32>
        %shift_right_logical3A_363 = arith.shrui %mul3A_360, %shift_right_logical3A_362 : vector<16xi32>
        %shift_left3A_364 = arith.constant 1 : i32
        %shift_left3A_365 = vector.broadcast %shift_left3A_364 : i32 to vector<16xi32>
        %shift_left3A_366 = arith.shli %shift_right_logical3A_363, %shift_left3A_365 : vector<16xi32>
        %add3A_367 = arith.addi %shift_right_logical3A_363, %shift_left3A_366 : vector<16xi32>
        %sub3A_368 = arith.subi %shift_right_logical3A_347, %add3A_367 : vector<16xi32>
        %add3A_369 = arith.addi %add3A_353, %sub3A_368 : vector<16xi32>
        %shift_right_arithmetic3A_370 = arith.constant 1 : i32
        %shift_right_arithmetic3A_371 = vector.broadcast %shift_right_arithmetic3A_370 : i32 to vector<16xi32>
        %shift_right_arithmetic3A_372 = arith.shrsi %sub3A_368, %shift_right_arithmetic3A_371 : vector<16xi32>
        %add3A_373 = arith.addi %add3A_357, %shift_right_arithmetic3A_372 : vector<16xi32>
        %mul3A_374 = arith.constant 43691 : i32
        %mul3A_375 = vector.broadcast %mul3A_374 : i32 to vector<16xi32>
        %mul3A_376 = arith.muli %shift_right_logical3A_363, %mul3A_375 : vector<16xi32>
        %shift_right_logical3A_377 = arith.constant 17 : i32
        %shift_right_logical3A_378 = vector.broadcast %shift_right_logical3A_377 : i32 to vector<16xi32>
        %shift_right_logical3A_379 = arith.shrui %mul3A_376, %shift_right_logical3A_378 : vector<16xi32>
        %shift_left3A_380 = arith.constant 1 : i32
        %shift_left3A_381 = vector.broadcast %shift_left3A_380 : i32 to vector<16xi32>
        %shift_left3A_382 = arith.shli %shift_right_logical3A_379, %shift_left3A_381 : vector<16xi32>
        %add3A_383 = arith.addi %shift_right_logical3A_379, %shift_left3A_382 : vector<16xi32>
        %sub3A_384 = arith.subi %shift_right_logical3A_363, %add3A_383 : vector<16xi32>
        %add3A_385 = arith.addi %add3A_369, %sub3A_384 : vector<16xi32>
        %shift_right_arithmetic3A_386 = arith.constant 1 : i32
        %shift_right_arithmetic3A_387 = vector.broadcast %shift_right_arithmetic3A_386 : i32 to vector<16xi32>
        %shift_right_arithmetic3A_388 = arith.shrsi %sub3A_384, %shift_right_arithmetic3A_387 : vector<16xi32>
        %add3A_389 = arith.addi %add3A_373, %shift_right_arithmetic3A_388 : vector<16xi32>
        %mul3A_390 = arith.constant 43691 : i32
        %mul3A_391 = vector.broadcast %mul3A_390 : i32 to vector<16xi32>
        %mul3A_392 = arith.muli %shift_right_logical3A_379, %mul3A_391 : vector<16xi32>
        %shift_right_logical3A_393 = arith.constant 17 : i32
        %shift_right_logical3A_394 = vector.broadcast %shift_right_logical3A_393 : i32 to vector<16xi32>
        %shift_right_logical3A_395 = arith.shrui %mul3A_392, %shift_right_logical3A_394 : vector<16xi32>
        %shift_left3A_396 = arith.constant 1 : i32
        %shift_left3A_397 = vector.broadcast %shift_left3A_396 : i32 to vector<16xi32>
        %shift_left3A_398 = arith.shli %shift_right_logical3A_395, %shift_left3A_397 : vector<16xi32>
        %add3A_399 = arith.addi %shift_right_logical3A_395, %shift_left3A_398 : vector<16xi32>
        %sub3A_400 = arith.subi %shift_right_logical3A_379, %add3A_399 : vector<16xi32>
        %add3A_401 = arith.addi %add3A_385, %sub3A_400 : vector<16xi32>
        %shift_right_arithmetic3A_402 = arith.constant 1 : i32
        %shift_right_arithmetic3A_403 = vector.broadcast %shift_right_arithmetic3A_402 : i32 to vector<16xi32>
        %shift_right_arithmetic3A_404 = arith.shrsi %sub3A_400, %shift_right_arithmetic3A_403 : vector<16xi32>
        %add3A_405 = arith.addi %add3A_389, %shift_right_arithmetic3A_404 : vector<16xi32>
        %mul3A_406 = arith.constant 43691 : i32
        %mul3A_407 = vector.broadcast %mul3A_406 : i32 to vector<16xi32>
        %mul3A_408 = arith.muli %shift_right_logical3A_395, %mul3A_407 : vector<16xi32>
        %shift_right_logical3A_409 = arith.constant 17 : i32
        %shift_right_logical3A_410 = vector.broadcast %shift_right_logical3A_409 : i32 to vector<16xi32>
        %shift_right_logical3A_411 = arith.shrui %mul3A_408, %shift_right_logical3A_410 : vector<16xi32>
        %shift_left3A_412 = arith.constant 1 : i32
        %shift_left3A_413 = vector.broadcast %shift_left3A_412 : i32 to vector<16xi32>
        %shift_left3A_414 = arith.shli %shift_right_logical3A_411, %shift_left3A_413 : vector<16xi32>
        %add3A_415 = arith.addi %shift_right_logical3A_411, %shift_left3A_414 : vector<16xi32>
        %sub3A_416 = arith.subi %shift_right_logical3A_395, %add3A_415 : vector<16xi32>
        %add3A_417 = arith.addi %add3A_401, %sub3A_416 : vector<16xi32>
        %shift_right_arithmetic3A_418 = arith.constant 1 : i32
        %shift_right_arithmetic3A_419 = vector.broadcast %shift_right_arithmetic3A_418 : i32 to vector<16xi32>
        %shift_right_arithmetic3A_420 = arith.shrsi %sub3A_416, %shift_right_arithmetic3A_419 : vector<16xi32>
        %add3A_421 = arith.addi %add3A_405, %shift_right_arithmetic3A_420 : vector<16xi32>
        %mul3A_422 = arith.constant 43691 : i32
        %mul3A_423 = vector.broadcast %mul3A_422 : i32 to vector<16xi32>
        %mul3A_424 = arith.muli %shift_right_logical3A_411, %mul3A_423 : vector<16xi32>
        %shift_right_logical3A_425 = arith.constant 17 : i32
        %shift_right_logical3A_426 = vector.broadcast %shift_right_logical3A_425 : i32 to vector<16xi32>
        %shift_right_logical3A_427 = arith.shrui %mul3A_424, %shift_right_logical3A_426 : vector<16xi32>
        %shift_left3A_428 = arith.constant 1 : i32
        %shift_left3A_429 = vector.broadcast %shift_left3A_428 : i32 to vector<16xi32>
        %shift_left3A_430 = arith.shli %shift_right_logical3A_427, %shift_left3A_429 : vector<16xi32>
        %add3A_431 = arith.addi %shift_right_logical3A_427, %shift_left3A_430 : vector<16xi32>
        %sub3A_432 = arith.subi %shift_right_logical3A_411, %add3A_431 : vector<16xi32>
        %add3A_433 = arith.addi %add3A_417, %sub3A_432 : vector<16xi32>
        %shift_right_arithmetic3A_434 = arith.constant 1 : i32
        %shift_right_arithmetic3A_435 = vector.broadcast %shift_right_arithmetic3A_434 : i32 to vector<16xi32>
        %shift_right_arithmetic3A_436 = arith.shrsi %sub3A_432, %shift_right_arithmetic3A_435 : vector<16xi32>
        %add3A_437 = arith.addi %add3A_421, %shift_right_arithmetic3A_436 : vector<16xi32>
        %mul3A_438 = arith.constant 43691 : i32
        %mul3A_439 = vector.broadcast %mul3A_438 : i32 to vector<16xi32>
        %mul3A_440 = arith.muli %shift_right_logical3A_427, %mul3A_439 : vector<16xi32>
        %shift_right_logical3A_441 = arith.constant 17 : i32
        %shift_right_logical3A_442 = vector.broadcast %shift_right_logical3A_441 : i32 to vector<16xi32>
        %shift_right_logical3A_443 = arith.shrui %mul3A_440, %shift_right_logical3A_442 : vector<16xi32>
        %shift_left3A_444 = arith.constant 1 : i32
        %shift_left3A_445 = vector.broadcast %shift_left3A_444 : i32 to vector<16xi32>
        %shift_left3A_446 = arith.shli %shift_right_logical3A_443, %shift_left3A_445 : vector<16xi32>
        %add3A_447 = arith.addi %shift_right_logical3A_443, %shift_left3A_446 : vector<16xi32>
        %sub3A_448 = arith.subi %shift_right_logical3A_427, %add3A_447 : vector<16xi32>
        %add3A_449 = arith.addi %add3A_433, %sub3A_448 : vector<16xi32>
        %shift_right_arithmetic3A_450 = arith.constant 1 : i32
        %shift_right_arithmetic3A_451 = vector.broadcast %shift_right_arithmetic3A_450 : i32 to vector<16xi32>
        %shift_right_arithmetic3A_452 = arith.shrsi %sub3A_448, %shift_right_arithmetic3A_451 : vector<16xi32>
        %add3A_453 = arith.addi %add3A_437, %shift_right_arithmetic3A_452 : vector<16xi32>
        %mul3A_454 = arith.constant 43691 : i32
        %mul3A_455 = vector.broadcast %mul3A_454 : i32 to vector<16xi32>
        %mul3A_456 = arith.muli %shift_right_logical3A_443, %mul3A_455 : vector<16xi32>
        %shift_right_logical3A_457 = arith.constant 17 : i32
        %shift_right_logical3A_458 = vector.broadcast %shift_right_logical3A_457 : i32 to vector<16xi32>
        %shift_right_logical3A_459 = arith.shrui %mul3A_456, %shift_right_logical3A_458 : vector<16xi32>
        %shift_left3A_460 = arith.constant 1 : i32
        %shift_left3A_461 = vector.broadcast %shift_left3A_460 : i32 to vector<16xi32>
        %shift_left3A_462 = arith.shli %shift_right_logical3A_459, %shift_left3A_461 : vector<16xi32>
        %add3A_463 = arith.addi %shift_right_logical3A_459, %shift_left3A_462 : vector<16xi32>
        %sub3A_464 = arith.subi %shift_right_logical3A_443, %add3A_463 : vector<16xi32>
        %add3A_465 = arith.addi %add3A_449, %sub3A_464 : vector<16xi32>
        %shift_right_arithmetic3A_466 = arith.constant 1 : i32
        %shift_right_arithmetic3A_467 = vector.broadcast %shift_right_arithmetic3A_466 : i32 to vector<16xi32>
        %shift_right_arithmetic3A_468 = arith.shrsi %sub3A_464, %shift_right_arithmetic3A_467 : vector<16xi32>
        %add3A_469 = arith.addi %add3A_453, %shift_right_arithmetic3A_468 : vector<16xi32>
        %mul3A_470 = arith.constant 43691 : i32
        %mul3A_471 = vector.broadcast %mul3A_470 : i32 to vector<16xi32>
        %mul3A_472 = arith.muli %shift_right_logical3A_459, %mul3A_471 : vector<16xi32>
        %shift_right_logical3A_473 = arith.constant 17 : i32
        %shift_right_logical3A_474 = vector.broadcast %shift_right_logical3A_473 : i32 to vector<16xi32>
        %shift_right_logical3A_475 = arith.shrui %mul3A_472, %shift_right_logical3A_474 : vector<16xi32>
        %shift_left3A_476 = arith.constant 1 : i32
        %shift_left3A_477 = vector.broadcast %shift_left3A_476 : i32 to vector<16xi32>
        %shift_left3A_478 = arith.shli %shift_right_logical3A_475, %shift_left3A_477 : vector<16xi32>
        %add3A_479 = arith.addi %shift_right_logical3A_475, %shift_left3A_478 : vector<16xi32>
        %sub3A_480 = arith.subi %shift_right_logical3A_459, %add3A_479 : vector<16xi32>
        %add3A_481 = arith.addi %add3A_465, %sub3A_480 : vector<16xi32>
        %shift_right_arithmetic3A_482 = arith.constant 1 : i32
        %shift_right_arithmetic3A_483 = vector.broadcast %shift_right_arithmetic3A_482 : i32 to vector<16xi32>
        %shift_right_arithmetic3A_484 = arith.shrsi %sub3A_480, %shift_right_arithmetic3A_483 : vector<16xi32>
        %add3A_485 = arith.addi %add3A_469, %shift_right_arithmetic3A_484 : vector<16xi32>
        %shift_left3A_486 = arith.constant 1 : i32
        %shift_left3A_487 = vector.broadcast %shift_left3A_486 : i32 to vector<16xi32>
        %shift_left3A_488 = arith.shli %add3A_485, %shift_left3A_487 : vector<16xi32>
        %sub3A_489 = arith.subi %add3A_481, %shift_left3A_488 : vector<16xi32>
        %mul3A_490 = arith.constant 289 : i32
        %mul3A_491 = vector.broadcast %mul3A_490 : i32 to vector<16xi32>
        %mul3A_492 = arith.muli %and3A_309, %mul3A_491 : vector<16xi32>
        %mul3A_493 = arith.constant 17 : i32
        %mul3A_494 = vector.broadcast %mul3A_493 : i32 to vector<16xi32>
        %mul3A_495 = arith.muli %sub3A_489, %mul3A_494 : vector<16xi32>
        %add3A_496 = arith.addi %mul3A_492, %mul3A_495 : vector<16xi32>
        %add3A_497 = arith.addi %add3A_496, %add3A_485 : vector<16xi32>
        %mul3A_498 = arith.constant 16 : i32
        %mul3A_499 = arith.muli %scan3A_261, %mul3A_498 : i32
        %swap3A = arith.index_cast %mul3A_499 : i32 to index
        %swap3A_500 = tpu.vector_load %arg10[%swap3A] {strides = array<i32>} : memref<128xi32, #tpu.memory_space<vmem>>, vector<16xi32>,
        %swap3A_501 = vector.shape_cast %swap3A_500 : vector<16xi32> to vector<16xi32>
        %swap3A_502 = vector.shape_cast %add3A_497 : vector<16xi32> to vector<16xi32>
        tpu.vector_store %arg10[%swap3A], %swap3A_502 {strides = array<i32>} : memref<128xi32, #tpu.memory_space<vmem>>, vector<16xi32>,
        %scan3A_503 = arith.constant 0 : i32
        scf.yield %scan3A_503 : i32
      }
      %scan3A_174 = arith.constant 8 : i32
      %dma_start3A_175 = arith.constant 128 : i32
      %dma_start3A_176 = arith.constant 0 : i32
      %dma_start3A_177 = tpu.memref_slice %arg13[%dma_start3A_175, %dma_start3A_176] : memref<256x128xf32, #tpu.memory_space<vmem>> -> memref<128x128xf32, #tpu.memory_space<vmem>>
      %dma_start3A_178 = arith.constant 0 : i32
      %dma_start3A_179 = arith.constant 0 : i32
      %dma_start3A_180 = tpu.memref_slice %arg15[%dma_start3A_178, %dma_start3A_179] : memref<5120x128xf32, #tpu.memory_space<vmem_shared>> -> memref<5120x128xf32, #tpu.memory_space<vmem_shared>>
      tpu.enqueue_indirect_dma source(%dma_start3A_180 : memref<5120x128xf32, #tpu.memory_space<vmem_shared>>) target(%dma_start3A_177 : memref<128x128xf32, #tpu.memory_space<vmem>>) offsets(%arg10 : memref<128xi32, #tpu.memory_space<vmem>>) semaphore(%arg16 : memref<!tpu.dma_semaphore, #tpu.memory_space<semaphore_mem>>)
      %dma_wait3A_181 = arith.constant 0 : i32
      %dma_wait3A_182 = arith.constant 0 : i32
      %dma_wait3A_183 = tpu.memref_slice %arg13[%dma_wait3A_181, %dma_wait3A_182] : memref<256x128xf32, #tpu.memory_space<vmem>> -> memref<128x128xf32, #tpu.memory_space<vmem>>
      %dma_wait3A_184 = arith.constant 0 : i32
      %dma_wait3A_185 = arith.constant 0 : i32
      %dma_wait3A_186 = tpu.memref_slice %arg15[%dma_wait3A_184, %dma_wait3A_185] : memref<5120x128xf32, #tpu.memory_space<vmem_shared>> -> memref<5120x128xf32, #tpu.memory_space<vmem_shared>>
      tpu.wait_indirect_dma semaphore(%arg16 : memref<!tpu.dma_semaphore, #tpu.memory_space<semaphore_mem>>) src(%dma_wait3A_186 : memref<5120x128xf32, #tpu.memory_space<vmem_shared>>) dst(%dma_wait3A_183 : memref<128x128xf32, #tpu.memory_space<vmem>>)
      %dma_wait3A_187 = arith.constant 128 : i32
      %dma_wait3A_188 = arith.constant 0 : i32
      %dma_wait3A_189 = tpu.memref_slice %arg13[%dma_wait3A_187, %dma_wait3A_188] : memref<256x128xf32, #tpu.memory_space<vmem>> -> memref<128x128xf32, #tpu.memory_space<vmem>>
      %dma_wait3A_190 = arith.constant 0 : i32
      %dma_wait3A_191 = arith.constant 0 : i32
      %dma_wait3A_192 = tpu.memref_slice %arg15[%dma_wait3A_190, %dma_wait3A_191] : memref<5120x128xf32, #tpu.memory_space<vmem_shared>> -> memref<5120x128xf32, #tpu.memory_space<vmem_shared>>
      tpu.wait_indirect_dma semaphore(%arg16 : memref<!tpu.dma_semaphore, #tpu.memory_space<semaphore_mem>>) src(%dma_wait3A_192 : memref<5120x128xf32, #tpu.memory_space<vmem_shared>>) dst(%dma_wait3A_189 : memref<128x128xf32, #tpu.memory_space<vmem>>)
      %mul3A_193 = arith.constant 32 : i32
      %mul3A_194 = arith.muli %mul3A_149, %mul3A_193 : i32
      %add3A_195 = arith.addi %mul3A_8, %mul3A_194 : i32
      %dma_start3A_196 = arith.constant 0 : i32
      %dma_start3A_197 = tpu.memref_slice %arg5[%add3A_195, %dma_start3A_196] : memref<524288x128xf32, #tpu.memory_space<hbm>> -> memref<256x128xf32, #tpu.memory_space<hbm>>
      %dma_start3A_198 = arith.constant 0 : i32
      %dma_start3A_199 = tpu.memref_slice %arg5[%add3A_195, %dma_start3A_198] : memref<524288x128xf32, #tpu.memory_space<hbm>> -> memref<256x128xf32, #tpu.memory_space<hbm>>
      tpu.enqueue_dma source(%arg13 : memref<256x128xf32, #tpu.memory_space<vmem>>) target(%dma_start3A_199 : memref<256x128xf32, #tpu.memory_space<hbm>>) target_semaphore(%arg18 : memref<!tpu.dma_semaphore, #tpu.memory_space<semaphore_mem>>)
      %mul3A_200 = arith.constant 2 : i32
      %mul3A_201 = arith.muli %mul3A_200, %scan3A_142 : i32
      %add3A_202 = arith.constant 1 : i32
      %add3A_203 = arith.addi %mul3A_201, %add3A_202 : i32
      %mul3A_204 = arith.constant 8 : i32
      %mul3A_205 = arith.muli %add3A_203, %mul3A_204 : i32
      %gt3A_206 = arith.constant 0 : i32
      %gt3A_207 = arith.cmpi sgt, %scan3A_142, %gt3A_206 : i32
      %convert_element_type3A_208 = arith.extui %gt3A_207 : i1 to i32
      %cond3A_209 = arith.constant 0 : i32
      %cond3A_210 = arith.cmpi ne, %convert_element_type3A_208, %cond3A_209 : i32
      scf.if %cond3A_210 {
        %dma_wait3A_261 = arith.constant 0 : i32
        %dma_wait3A_262 = arith.constant 0 : i32
        %dma_wait3A_263 = tpu.memref_slice %arg5[%dma_wait3A_261, %dma_wait3A_262] : memref<524288x128xf32, #tpu.memory_space<hbm>> -> memref<256x128xf32, #tpu.memory_space<hbm>>
        %dma_wait3A_264 = arith.constant 0 : i32
        %dma_wait3A_265 = arith.constant 0 : i32
        %dma_wait3A_266 = tpu.memref_slice %arg5[%dma_wait3A_264, %dma_wait3A_265] : memref<524288x128xf32, #tpu.memory_space<hbm>> -> memref<256x128xf32, #tpu.memory_space<hbm>>
        tpu.wait_dma2 semaphore(%arg19 : memref<!tpu.dma_semaphore, #tpu.memory_space<semaphore_mem>>) src(%arg14 : memref<256x128xf32, #tpu.memory_space<vmem>>) dst(%dma_wait3A_266 : memref<256x128xf32, #tpu.memory_space<hbm>>)
      } else {
      }
      %mul3A_211 = arith.constant 26 : i32
      %mul3A_212 = arith.muli %mul3A_205, %mul3A_211 : i32
      %scan3A_213 = arith.constant 0 : i32
      %scan3A_214 = arith.constant 0 : i32
      %scan3A_215 = arith.constant 8 : i32
      %scan3A_216 = arith.addi %scan3A_214, %scan3A_215 : i32
      %scan3A_217 = arith.constant 1 : i32
      %scan3A_218 = scf.for %scan3A_261 = %scan3A_214 to %scan3A_216 step %scan3A_217 iter_args(%scan3A_262 = %scan3A_213) -> (i32)  : i32 {
        %add3A_263 = arith.constant 0 : i32
        %add3A_264 = arith.addi %add3A_263, %scan3A_261 : i32
        %shift_right_arithmetic3A = arith.constant 1 : i32
        %shift_right_arithmetic3A_265 = arith.shrsi %add3A_264, %shift_right_arithmetic3A : i32
        %and3A = arith.constant 1 : i32
        %and3A_266 = arith.andi %add3A_264, %and3A : i32
        %mul3A_267 = arith.constant 16 : i32
        %mul3A_268 = arith.muli %and3A_266, %mul3A_267 : i32
        %mul3A_269 = arith.constant 26 : i32
        %mul3A_270 = arith.muli %shift_right_arithmetic3A_265, %mul3A_269 : i32
        %add3A_271 = arith.addi %mul3A_212, %mul3A_270 : i32
        %add3A_272 = arith.addi %add3A_271, %mul3A_268 : i32
        %get3A_273 = arith.index_cast %add3A_272 : i32 to index
        %get3A_274 = tpu.vector_load %arg6[%get3A_273] {strides = array<i32>} : memref<13328xi32, #tpu.memory_space<vmem>>, vector<16xi32>,
        %get3A_275 = vector.shape_cast %get3A_274 : vector<16xi32> to vector<16xi32>
        %and3A_276 = arith.constant 65535 : i32
        %and3A_277 = vector.broadcast %and3A_276 : i32 to vector<16xi32>
        %and3A_278 = arith.andi %get3A_275, %and3A_277 : vector<16xi32>
        %shift_right_arithmetic3A_279 = arith.constant 1 : i32
        %shift_right_arithmetic3A_280 = vector.broadcast %shift_right_arithmetic3A_279 : i32 to vector<16xi32>
        %shift_right_arithmetic3A_281 = arith.shrsi %and3A_278, %shift_right_arithmetic3A_280 : vector<16xi32>
        %and3A_282 = arith.constant 21845 : i32
        %and3A_283 = vector.broadcast %and3A_282 : i32 to vector<16xi32>
        %and3A_284 = arith.andi %shift_right_arithmetic3A_281, %and3A_283 : vector<16xi32>
        %sub3A_285 = arith.subi %and3A_278, %and3A_284 : vector<16xi32>
        %and3A_286 = arith.constant 13107 : i32
        %and3A_287 = vector.broadcast %and3A_286 : i32 to vector<16xi32>
        %and3A_288 = arith.andi %sub3A_285, %and3A_287 : vector<16xi32>
        %shift_right_arithmetic3A_289 = arith.constant 2 : i32
        %shift_right_arithmetic3A_290 = vector.broadcast %shift_right_arithmetic3A_289 : i32 to vector<16xi32>
        %shift_right_arithmetic3A_291 = arith.shrsi %sub3A_285, %shift_right_arithmetic3A_290 : vector<16xi32>
        %and3A_292 = arith.constant 13107 : i32
        %and3A_293 = vector.broadcast %and3A_292 : i32 to vector<16xi32>
        %and3A_294 = arith.andi %shift_right_arithmetic3A_291, %and3A_293 : vector<16xi32>
        %add3A_295 = arith.addi %and3A_288, %and3A_294 : vector<16xi32>
        %shift_right_arithmetic3A_296 = arith.constant 4 : i32
        %shift_right_arithmetic3A_297 = vector.broadcast %shift_right_arithmetic3A_296 : i32 to vector<16xi32>
        %shift_right_arithmetic3A_298 = arith.shrsi %add3A_295, %shift_right_arithmetic3A_297 : vector<16xi32>
        %add3A_299 = arith.addi %add3A_295, %shift_right_arithmetic3A_298 : vector<16xi32>
        %and3A_300 = arith.constant 3855 : i32
        %and3A_301 = vector.broadcast %and3A_300 : i32 to vector<16xi32>
        %and3A_302 = arith.andi %add3A_299, %and3A_301 : vector<16xi32>
        %shift_right_arithmetic3A_303 = arith.constant 8 : i32
        %shift_right_arithmetic3A_304 = vector.broadcast %shift_right_arithmetic3A_303 : i32 to vector<16xi32>
        %shift_right_arithmetic3A_305 = arith.shrsi %and3A_302, %shift_right_arithmetic3A_304 : vector<16xi32>
        %add3A_306 = arith.addi %and3A_302, %shift_right_arithmetic3A_305 : vector<16xi32>
        %and3A_307 = arith.constant 31 : i32
        %and3A_308 = vector.broadcast %and3A_307 : i32 to vector<16xi32>
        %and3A_309 = arith.andi %add3A_306, %and3A_308 : vector<16xi32>
        %sub3A_310 = arith.subi %and3A_278, %and3A_278 : vector<16xi32>
        %sub3A_311 = arith.subi %and3A_278, %and3A_278 : vector<16xi32>
        %mul3A_312 = arith.constant 43691 : i32
        %mul3A_313 = vector.broadcast %mul3A_312 : i32 to vector<16xi32>
        %mul3A_314 = arith.muli %and3A_278, %mul3A_313 : vector<16xi32>
        %shift_right_logical3A = arith.constant 17 : i32
        %shift_right_logical3A_315 = vector.broadcast %shift_right_logical3A : i32 to vector<16xi32>
        %shift_right_logical3A_316 = arith.shrui %mul3A_314, %shift_right_logical3A_315 : vector<16xi32>
        %shift_left3A = arith.constant 1 : i32
        %shift_left3A_317 = vector.broadcast %shift_left3A : i32 to vector<16xi32>
        %shift_left3A_318 = arith.shli %shift_right_logical3A_316, %shift_left3A_317 : vector<16xi32>
        %add3A_319 = arith.addi %shift_right_logical3A_316, %shift_left3A_318 : vector<16xi32>
        %sub3A_320 = arith.subi %and3A_278, %add3A_319 : vector<16xi32>
        %add3A_321 = arith.addi %sub3A_310, %sub3A_320 : vector<16xi32>
        %shift_right_arithmetic3A_322 = arith.constant 1 : i32
        %shift_right_arithmetic3A_323 = vector.broadcast %shift_right_arithmetic3A_322 : i32 to vector<16xi32>
        %shift_right_arithmetic3A_324 = arith.shrsi %sub3A_320, %shift_right_arithmetic3A_323 : vector<16xi32>
        %add3A_325 = arith.addi %sub3A_311, %shift_right_arithmetic3A_324 : vector<16xi32>
        %mul3A_326 = arith.constant 43691 : i32
        %mul3A_327 = vector.broadcast %mul3A_326 : i32 to vector<16xi32>
        %mul3A_328 = arith.muli %shift_right_logical3A_316, %mul3A_327 : vector<16xi32>
        %shift_right_logical3A_329 = arith.constant 17 : i32
        %shift_right_logical3A_330 = vector.broadcast %shift_right_logical3A_329 : i32 to vector<16xi32>
        %shift_right_logical3A_331 = arith.shrui %mul3A_328, %shift_right_logical3A_330 : vector<16xi32>
        %shift_left3A_332 = arith.constant 1 : i32
        %shift_left3A_333 = vector.broadcast %shift_left3A_332 : i32 to vector<16xi32>
        %shift_left3A_334 = arith.shli %shift_right_logical3A_331, %shift_left3A_333 : vector<16xi32>
        %add3A_335 = arith.addi %shift_right_logical3A_331, %shift_left3A_334 : vector<16xi32>
        %sub3A_336 = arith.subi %shift_right_logical3A_316, %add3A_335 : vector<16xi32>
        %add3A_337 = arith.addi %add3A_321, %sub3A_336 : vector<16xi32>
        %shift_right_arithmetic3A_338 = arith.constant 1 : i32
        %shift_right_arithmetic3A_339 = vector.broadcast %shift_right_arithmetic3A_338 : i32 to vector<16xi32>
        %shift_right_arithmetic3A_340 = arith.shrsi %sub3A_336, %shift_right_arithmetic3A_339 : vector<16xi32>
        %add3A_341 = arith.addi %add3A_325, %shift_right_arithmetic3A_340 : vector<16xi32>
        %mul3A_342 = arith.constant 43691 : i32
        %mul3A_343 = vector.broadcast %mul3A_342 : i32 to vector<16xi32>
        %mul3A_344 = arith.muli %shift_right_logical3A_331, %mul3A_343 : vector<16xi32>
        %shift_right_logical3A_345 = arith.constant 17 : i32
        %shift_right_logical3A_346 = vector.broadcast %shift_right_logical3A_345 : i32 to vector<16xi32>
        %shift_right_logical3A_347 = arith.shrui %mul3A_344, %shift_right_logical3A_346 : vector<16xi32>
        %shift_left3A_348 = arith.constant 1 : i32
        %shift_left3A_349 = vector.broadcast %shift_left3A_348 : i32 to vector<16xi32>
        %shift_left3A_350 = arith.shli %shift_right_logical3A_347, %shift_left3A_349 : vector<16xi32>
        %add3A_351 = arith.addi %shift_right_logical3A_347, %shift_left3A_350 : vector<16xi32>
        %sub3A_352 = arith.subi %shift_right_logical3A_331, %add3A_351 : vector<16xi32>
        %add3A_353 = arith.addi %add3A_337, %sub3A_352 : vector<16xi32>
        %shift_right_arithmetic3A_354 = arith.constant 1 : i32
        %shift_right_arithmetic3A_355 = vector.broadcast %shift_right_arithmetic3A_354 : i32 to vector<16xi32>
        %shift_right_arithmetic3A_356 = arith.shrsi %sub3A_352, %shift_right_arithmetic3A_355 : vector<16xi32>
        %add3A_357 = arith.addi %add3A_341, %shift_right_arithmetic3A_356 : vector<16xi32>
        %mul3A_358 = arith.constant 43691 : i32
        %mul3A_359 = vector.broadcast %mul3A_358 : i32 to vector<16xi32>
        %mul3A_360 = arith.muli %shift_right_logical3A_347, %mul3A_359 : vector<16xi32>
        %shift_right_logical3A_361 = arith.constant 17 : i32
        %shift_right_logical3A_362 = vector.broadcast %shift_right_logical3A_361 : i32 to vector<16xi32>
        %shift_right_logical3A_363 = arith.shrui %mul3A_360, %shift_right_logical3A_362 : vector<16xi32>
        %shift_left3A_364 = arith.constant 1 : i32
        %shift_left3A_365 = vector.broadcast %shift_left3A_364 : i32 to vector<16xi32>
        %shift_left3A_366 = arith.shli %shift_right_logical3A_363, %shift_left3A_365 : vector<16xi32>
        %add3A_367 = arith.addi %shift_right_logical3A_363, %shift_left3A_366 : vector<16xi32>
        %sub3A_368 = arith.subi %shift_right_logical3A_347, %add3A_367 : vector<16xi32>
        %add3A_369 = arith.addi %add3A_353, %sub3A_368 : vector<16xi32>
        %shift_right_arithmetic3A_370 = arith.constant 1 : i32
        %shift_right_arithmetic3A_371 = vector.broadcast %shift_right_arithmetic3A_370 : i32 to vector<16xi32>
        %shift_right_arithmetic3A_372 = arith.shrsi %sub3A_368, %shift_right_arithmetic3A_371 : vector<16xi32>
        %add3A_373 = arith.addi %add3A_357, %shift_right_arithmetic3A_372 : vector<16xi32>
        %mul3A_374 = arith.constant 43691 : i32
        %mul3A_375 = vector.broadcast %mul3A_374 : i32 to vector<16xi32>
        %mul3A_376 = arith.muli %shift_right_logical3A_363, %mul3A_375 : vector<16xi32>
        %shift_right_logical3A_377 = arith.constant 17 : i32
        %shift_right_logical3A_378 = vector.broadcast %shift_right_logical3A_377 : i32 to vector<16xi32>
        %shift_right_logical3A_379 = arith.shrui %mul3A_376, %shift_right_logical3A_378 : vector<16xi32>
        %shift_left3A_380 = arith.constant 1 : i32
        %shift_left3A_381 = vector.broadcast %shift_left3A_380 : i32 to vector<16xi32>
        %shift_left3A_382 = arith.shli %shift_right_logical3A_379, %shift_left3A_381 : vector<16xi32>
        %add3A_383 = arith.addi %shift_right_logical3A_379, %shift_left3A_382 : vector<16xi32>
        %sub3A_384 = arith.subi %shift_right_logical3A_363, %add3A_383 : vector<16xi32>
        %add3A_385 = arith.addi %add3A_369, %sub3A_384 : vector<16xi32>
        %shift_right_arithmetic3A_386 = arith.constant 1 : i32
        %shift_right_arithmetic3A_387 = vector.broadcast %shift_right_arithmetic3A_386 : i32 to vector<16xi32>
        %shift_right_arithmetic3A_388 = arith.shrsi %sub3A_384, %shift_right_arithmetic3A_387 : vector<16xi32>
        %add3A_389 = arith.addi %add3A_373, %shift_right_arithmetic3A_388 : vector<16xi32>
        %mul3A_390 = arith.constant 43691 : i32
        %mul3A_391 = vector.broadcast %mul3A_390 : i32 to vector<16xi32>
        %mul3A_392 = arith.muli %shift_right_logical3A_379, %mul3A_391 : vector<16xi32>
        %shift_right_logical3A_393 = arith.constant 17 : i32
        %shift_right_logical3A_394 = vector.broadcast %shift_right_logical3A_393 : i32 to vector<16xi32>
        %shift_right_logical3A_395 = arith.shrui %mul3A_392, %shift_right_logical3A_394 : vector<16xi32>
        %shift_left3A_396 = arith.constant 1 : i32
        %shift_left3A_397 = vector.broadcast %shift_left3A_396 : i32 to vector<16xi32>
        %shift_left3A_398 = arith.shli %shift_right_logical3A_395, %shift_left3A_397 : vector<16xi32>
        %add3A_399 = arith.addi %shift_right_logical3A_395, %shift_left3A_398 : vector<16xi32>
        %sub3A_400 = arith.subi %shift_right_logical3A_379, %add3A_399 : vector<16xi32>
        %add3A_401 = arith.addi %add3A_385, %sub3A_400 : vector<16xi32>
        %shift_right_arithmetic3A_402 = arith.constant 1 : i32
        %shift_right_arithmetic3A_403 = vector.broadcast %shift_right_arithmetic3A_402 : i32 to vector<16xi32>
        %shift_right_arithmetic3A_404 = arith.shrsi %sub3A_400, %shift_right_arithmetic3A_403 : vector<16xi32>
        %add3A_405 = arith.addi %add3A_389, %shift_right_arithmetic3A_404 : vector<16xi32>
        %mul3A_406 = arith.constant 43691 : i32
        %mul3A_407 = vector.broadcast %mul3A_406 : i32 to vector<16xi32>
        %mul3A_408 = arith.muli %shift_right_logical3A_395, %mul3A_407 : vector<16xi32>
        %shift_right_logical3A_409 = arith.constant 17 : i32
        %shift_right_logical3A_410 = vector.broadcast %shift_right_logical3A_409 : i32 to vector<16xi32>
        %shift_right_logical3A_411 = arith.shrui %mul3A_408, %shift_right_logical3A_410 : vector<16xi32>
        %shift_left3A_412 = arith.constant 1 : i32
        %shift_left3A_413 = vector.broadcast %shift_left3A_412 : i32 to vector<16xi32>
        %shift_left3A_414 = arith.shli %shift_right_logical3A_411, %shift_left3A_413 : vector<16xi32>
        %add3A_415 = arith.addi %shift_right_logical3A_411, %shift_left3A_414 : vector<16xi32>
        %sub3A_416 = arith.subi %shift_right_logical3A_395, %add3A_415 : vector<16xi32>
        %add3A_417 = arith.addi %add3A_401, %sub3A_416 : vector<16xi32>
        %shift_right_arithmetic3A_418 = arith.constant 1 : i32
        %shift_right_arithmetic3A_419 = vector.broadcast %shift_right_arithmetic3A_418 : i32 to vector<16xi32>
        %shift_right_arithmetic3A_420 = arith.shrsi %sub3A_416, %shift_right_arithmetic3A_419 : vector<16xi32>
        %add3A_421 = arith.addi %add3A_405, %shift_right_arithmetic3A_420 : vector<16xi32>
        %mul3A_422 = arith.constant 43691 : i32
        %mul3A_423 = vector.broadcast %mul3A_422 : i32 to vector<16xi32>
        %mul3A_424 = arith.muli %shift_right_logical3A_411, %mul3A_423 : vector<16xi32>
        %shift_right_logical3A_425 = arith.constant 17 : i32
        %shift_right_logical3A_426 = vector.broadcast %shift_right_logical3A_425 : i32 to vector<16xi32>
        %shift_right_logical3A_427 = arith.shrui %mul3A_424, %shift_right_logical3A_426 : vector<16xi32>
        %shift_left3A_428 = arith.constant 1 : i32
        %shift_left3A_429 = vector.broadcast %shift_left3A_428 : i32 to vector<16xi32>
        %shift_left3A_430 = arith.shli %shift_right_logical3A_427, %shift_left3A_429 : vector<16xi32>
        %add3A_431 = arith.addi %shift_right_logical3A_427, %shift_left3A_430 : vector<16xi32>
        %sub3A_432 = arith.subi %shift_right_logical3A_411, %add3A_431 : vector<16xi32>
        %add3A_433 = arith.addi %add3A_417, %sub3A_432 : vector<16xi32>
        %shift_right_arithmetic3A_434 = arith.constant 1 : i32
        %shift_right_arithmetic3A_435 = vector.broadcast %shift_right_arithmetic3A_434 : i32 to vector<16xi32>
        %shift_right_arithmetic3A_436 = arith.shrsi %sub3A_432, %shift_right_arithmetic3A_435 : vector<16xi32>
        %add3A_437 = arith.addi %add3A_421, %shift_right_arithmetic3A_436 : vector<16xi32>
        %mul3A_438 = arith.constant 43691 : i32
        %mul3A_439 = vector.broadcast %mul3A_438 : i32 to vector<16xi32>
        %mul3A_440 = arith.muli %shift_right_logical3A_427, %mul3A_439 : vector<16xi32>
        %shift_right_logical3A_441 = arith.constant 17 : i32
        %shift_right_logical3A_442 = vector.broadcast %shift_right_logical3A_441 : i32 to vector<16xi32>
        %shift_right_logical3A_443 = arith.shrui %mul3A_440, %shift_right_logical3A_442 : vector<16xi32>
        %shift_left3A_444 = arith.constant 1 : i32
        %shift_left3A_445 = vector.broadcast %shift_left3A_444 : i32 to vector<16xi32>
        %shift_left3A_446 = arith.shli %shift_right_logical3A_443, %shift_left3A_445 : vector<16xi32>
        %add3A_447 = arith.addi %shift_right_logical3A_443, %shift_left3A_446 : vector<16xi32>
        %sub3A_448 = arith.subi %shift_right_logical3A_427, %add3A_447 : vector<16xi32>
        %add3A_449 = arith.addi %add3A_433, %sub3A_448 : vector<16xi32>
        %shift_right_arithmetic3A_450 = arith.constant 1 : i32
        %shift_right_arithmetic3A_451 = vector.broadcast %shift_right_arithmetic3A_450 : i32 to vector<16xi32>
        %shift_right_arithmetic3A_452 = arith.shrsi %sub3A_448, %shift_right_arithmetic3A_451 : vector<16xi32>
        %add3A_453 = arith.addi %add3A_437, %shift_right_arithmetic3A_452 : vector<16xi32>
        %mul3A_454 = arith.constant 43691 : i32
        %mul3A_455 = vector.broadcast %mul3A_454 : i32 to vector<16xi32>
        %mul3A_456 = arith.muli %shift_right_logical3A_443, %mul3A_455 : vector<16xi32>
        %shift_right_logical3A_457 = arith.constant 17 : i32
        %shift_right_logical3A_458 = vector.broadcast %shift_right_logical3A_457 : i32 to vector<16xi32>
        %shift_right_logical3A_459 = arith.shrui %mul3A_456, %shift_right_logical3A_458 : vector<16xi32>
        %shift_left3A_460 = arith.constant 1 : i32
        %shift_left3A_461 = vector.broadcast %shift_left3A_460 : i32 to vector<16xi32>
        %shift_left3A_462 = arith.shli %shift_right_logical3A_459, %shift_left3A_461 : vector<16xi32>
        %add3A_463 = arith.addi %shift_right_logical3A_459, %shift_left3A_462 : vector<16xi32>
        %sub3A_464 = arith.subi %shift_right_logical3A_443, %add3A_463 : vector<16xi32>
        %add3A_465 = arith.addi %add3A_449, %sub3A_464 : vector<16xi32>
        %shift_right_arithmetic3A_466 = arith.constant 1 : i32
        %shift_right_arithmetic3A_467 = vector.broadcast %shift_right_arithmetic3A_466 : i32 to vector<16xi32>
        %shift_right_arithmetic3A_468 = arith.shrsi %sub3A_464, %shift_right_arithmetic3A_467 : vector<16xi32>
        %add3A_469 = arith.addi %add3A_453, %shift_right_arithmetic3A_468 : vector<16xi32>
        %mul3A_470 = arith.constant 43691 : i32
        %mul3A_471 = vector.broadcast %mul3A_470 : i32 to vector<16xi32>
        %mul3A_472 = arith.muli %shift_right_logical3A_459, %mul3A_471 : vector<16xi32>
        %shift_right_logical3A_473 = arith.constant 17 : i32
        %shift_right_logical3A_474 = vector.broadcast %shift_right_logical3A_473 : i32 to vector<16xi32>
        %shift_right_logical3A_475 = arith.shrui %mul3A_472, %shift_right_logical3A_474 : vector<16xi32>
        %shift_left3A_476 = arith.constant 1 : i32
        %shift_left3A_477 = vector.broadcast %shift_left3A_476 : i32 to vector<16xi32>
        %shift_left3A_478 = arith.shli %shift_right_logical3A_475, %shift_left3A_477 : vector<16xi32>
        %add3A_479 = arith.addi %shift_right_logical3A_475, %shift_left3A_478 : vector<16xi32>
        %sub3A_480 = arith.subi %shift_right_logical3A_459, %add3A_479 : vector<16xi32>
        %add3A_481 = arith.addi %add3A_465, %sub3A_480 : vector<16xi32>
        %shift_right_arithmetic3A_482 = arith.constant 1 : i32
        %shift_right_arithmetic3A_483 = vector.broadcast %shift_right_arithmetic3A_482 : i32 to vector<16xi32>
        %shift_right_arithmetic3A_484 = arith.shrsi %sub3A_480, %shift_right_arithmetic3A_483 : vector<16xi32>
        %add3A_485 = arith.addi %add3A_469, %shift_right_arithmetic3A_484 : vector<16xi32>
        %shift_left3A_486 = arith.constant 1 : i32
        %shift_left3A_487 = vector.broadcast %shift_left3A_486 : i32 to vector<16xi32>
        %shift_left3A_488 = arith.shli %add3A_485, %shift_left3A_487 : vector<16xi32>
        %sub3A_489 = arith.subi %add3A_481, %shift_left3A_488 : vector<16xi32>
        %mul3A_490 = arith.constant 289 : i32
        %mul3A_491 = vector.broadcast %mul3A_490 : i32 to vector<16xi32>
        %mul3A_492 = arith.muli %and3A_309, %mul3A_491 : vector<16xi32>
        %mul3A_493 = arith.constant 17 : i32
        %mul3A_494 = vector.broadcast %mul3A_493 : i32 to vector<16xi32>
        %mul3A_495 = arith.muli %sub3A_489, %mul3A_494 : vector<16xi32>
        %add3A_496 = arith.addi %mul3A_492, %mul3A_495 : vector<16xi32>
        %add3A_497 = arith.addi %add3A_496, %add3A_485 : vector<16xi32>
        %mul3A_498 = arith.constant 16 : i32
        %mul3A_499 = arith.muli %scan3A_261, %mul3A_498 : i32
        %swap3A = arith.index_cast %mul3A_499 : i32 to index
        %swap3A_500 = tpu.vector_load %arg11[%swap3A] {strides = array<i32>} : memref<128xi32, #tpu.memory_space<vmem>>, vector<16xi32>,
        %swap3A_501 = vector.shape_cast %swap3A_500 : vector<16xi32> to vector<16xi32>
        %swap3A_502 = vector.shape_cast %add3A_497 : vector<16xi32> to vector<16xi32>
        tpu.vector_store %arg11[%swap3A], %swap3A_502 {strides = array<i32>} : memref<128xi32, #tpu.memory_space<vmem>>, vector<16xi32>,
        %scan3A_503 = arith.constant 0 : i32
        scf.yield %scan3A_503 : i32
      }
      %scan3A_219 = arith.constant 8 : i32
      %dma_start3A_220 = arith.constant 0 : i32
      %dma_start3A_221 = arith.constant 0 : i32
      %dma_start3A_222 = tpu.memref_slice %arg14[%dma_start3A_220, %dma_start3A_221] : memref<256x128xf32, #tpu.memory_space<vmem>> -> memref<128x128xf32, #tpu.memory_space<vmem>>
      %dma_start3A_223 = arith.constant 0 : i32
      %dma_start3A_224 = arith.constant 0 : i32
      %dma_start3A_225 = tpu.memref_slice %arg15[%dma_start3A_223, %dma_start3A_224] : memref<5120x128xf32, #tpu.memory_space<vmem_shared>> -> memref<5120x128xf32, #tpu.memory_space<vmem_shared>>
      tpu.enqueue_indirect_dma source(%dma_start3A_225 : memref<5120x128xf32, #tpu.memory_space<vmem_shared>>) target(%dma_start3A_222 : memref<128x128xf32, #tpu.memory_space<vmem>>) offsets(%arg11 : memref<128xi32, #tpu.memory_space<vmem>>) semaphore(%arg17 : memref<!tpu.dma_semaphore, #tpu.memory_space<semaphore_mem>>)
      %mul3A_226 = arith.constant 26 : i32
      %mul3A_227 = arith.muli %mul3A_205, %mul3A_226 : i32
      %scan3A_228 = arith.constant 0 : i32
      %scan3A_229 = arith.constant 0 : i32
      %scan3A_230 = arith.constant 8 : i32
      %scan3A_231 = arith.addi %scan3A_229, %scan3A_230 : i32
      %scan3A_232 = arith.constant 1 : i32
      %scan3A_233 = scf.for %scan3A_261 = %scan3A_229 to %scan3A_231 step %scan3A_232 iter_args(%scan3A_262 = %scan3A_228) -> (i32)  : i32 {
        %add3A_263 = arith.constant 8 : i32
        %add3A_264 = arith.addi %add3A_263, %scan3A_261 : i32
        %shift_right_arithmetic3A = arith.constant 1 : i32
        %shift_right_arithmetic3A_265 = arith.shrsi %add3A_264, %shift_right_arithmetic3A : i32
        %and3A = arith.constant 1 : i32
        %and3A_266 = arith.andi %add3A_264, %and3A : i32
        %mul3A_267 = arith.constant 16 : i32
        %mul3A_268 = arith.muli %and3A_266, %mul3A_267 : i32
        %mul3A_269 = arith.constant 26 : i32
        %mul3A_270 = arith.muli %shift_right_arithmetic3A_265, %mul3A_269 : i32
        %add3A_271 = arith.addi %mul3A_227, %mul3A_270 : i32
        %add3A_272 = arith.addi %add3A_271, %mul3A_268 : i32
        %get3A_273 = arith.index_cast %add3A_272 : i32 to index
        %get3A_274 = tpu.vector_load %arg6[%get3A_273] {strides = array<i32>} : memref<13328xi32, #tpu.memory_space<vmem>>, vector<16xi32>,
        %get3A_275 = vector.shape_cast %get3A_274 : vector<16xi32> to vector<16xi32>
        %and3A_276 = arith.constant 65535 : i32
        %and3A_277 = vector.broadcast %and3A_276 : i32 to vector<16xi32>
        %and3A_278 = arith.andi %get3A_275, %and3A_277 : vector<16xi32>
        %shift_right_arithmetic3A_279 = arith.constant 1 : i32
        %shift_right_arithmetic3A_280 = vector.broadcast %shift_right_arithmetic3A_279 : i32 to vector<16xi32>
        %shift_right_arithmetic3A_281 = arith.shrsi %and3A_278, %shift_right_arithmetic3A_280 : vector<16xi32>
        %and3A_282 = arith.constant 21845 : i32
        %and3A_283 = vector.broadcast %and3A_282 : i32 to vector<16xi32>
        %and3A_284 = arith.andi %shift_right_arithmetic3A_281, %and3A_283 : vector<16xi32>
        %sub3A_285 = arith.subi %and3A_278, %and3A_284 : vector<16xi32>
        %and3A_286 = arith.constant 13107 : i32
        %and3A_287 = vector.broadcast %and3A_286 : i32 to vector<16xi32>
        %and3A_288 = arith.andi %sub3A_285, %and3A_287 : vector<16xi32>
        %shift_right_arithmetic3A_289 = arith.constant 2 : i32
        %shift_right_arithmetic3A_290 = vector.broadcast %shift_right_arithmetic3A_289 : i32 to vector<16xi32>
        %shift_right_arithmetic3A_291 = arith.shrsi %sub3A_285, %shift_right_arithmetic3A_290 : vector<16xi32>
        %and3A_292 = arith.constant 13107 : i32
        %and3A_293 = vector.broadcast %and3A_292 : i32 to vector<16xi32>
        %and3A_294 = arith.andi %shift_right_arithmetic3A_291, %and3A_293 : vector<16xi32>
        %add3A_295 = arith.addi %and3A_288, %and3A_294 : vector<16xi32>
        %shift_right_arithmetic3A_296 = arith.constant 4 : i32
        %shift_right_arithmetic3A_297 = vector.broadcast %shift_right_arithmetic3A_296 : i32 to vector<16xi32>
        %shift_right_arithmetic3A_298 = arith.shrsi %add3A_295, %shift_right_arithmetic3A_297 : vector<16xi32>
        %add3A_299 = arith.addi %add3A_295, %shift_right_arithmetic3A_298 : vector<16xi32>
        %and3A_300 = arith.constant 3855 : i32
        %and3A_301 = vector.broadcast %and3A_300 : i32 to vector<16xi32>
        %and3A_302 = arith.andi %add3A_299, %and3A_301 : vector<16xi32>
        %shift_right_arithmetic3A_303 = arith.constant 8 : i32
        %shift_right_arithmetic3A_304 = vector.broadcast %shift_right_arithmetic3A_303 : i32 to vector<16xi32>
        %shift_right_arithmetic3A_305 = arith.shrsi %and3A_302, %shift_right_arithmetic3A_304 : vector<16xi32>
        %add3A_306 = arith.addi %and3A_302, %shift_right_arithmetic3A_305 : vector<16xi32>
        %and3A_307 = arith.constant 31 : i32
        %and3A_308 = vector.broadcast %and3A_307 : i32 to vector<16xi32>
        %and3A_309 = arith.andi %add3A_306, %and3A_308 : vector<16xi32>
        %sub3A_310 = arith.subi %and3A_278, %and3A_278 : vector<16xi32>
        %sub3A_311 = arith.subi %and3A_278, %and3A_278 : vector<16xi32>
        %mul3A_312 = arith.constant 43691 : i32
        %mul3A_313 = vector.broadcast %mul3A_312 : i32 to vector<16xi32>
        %mul3A_314 = arith.muli %and3A_278, %mul3A_313 : vector<16xi32>
        %shift_right_logical3A = arith.constant 17 : i32
        %shift_right_logical3A_315 = vector.broadcast %shift_right_logical3A : i32 to vector<16xi32>
        %shift_right_logical3A_316 = arith.shrui %mul3A_314, %shift_right_logical3A_315 : vector<16xi32>
        %shift_left3A = arith.constant 1 : i32
        %shift_left3A_317 = vector.broadcast %shift_left3A : i32 to vector<16xi32>
        %shift_left3A_318 = arith.shli %shift_right_logical3A_316, %shift_left3A_317 : vector<16xi32>
        %add3A_319 = arith.addi %shift_right_logical3A_316, %shift_left3A_318 : vector<16xi32>
        %sub3A_320 = arith.subi %and3A_278, %add3A_319 : vector<16xi32>
        %add3A_321 = arith.addi %sub3A_310, %sub3A_320 : vector<16xi32>
        %shift_right_arithmetic3A_322 = arith.constant 1 : i32
        %shift_right_arithmetic3A_323 = vector.broadcast %shift_right_arithmetic3A_322 : i32 to vector<16xi32>
        %shift_right_arithmetic3A_324 = arith.shrsi %sub3A_320, %shift_right_arithmetic3A_323 : vector<16xi32>
        %add3A_325 = arith.addi %sub3A_311, %shift_right_arithmetic3A_324 : vector<16xi32>
        %mul3A_326 = arith.constant 43691 : i32
        %mul3A_327 = vector.broadcast %mul3A_326 : i32 to vector<16xi32>
        %mul3A_328 = arith.muli %shift_right_logical3A_316, %mul3A_327 : vector<16xi32>
        %shift_right_logical3A_329 = arith.constant 17 : i32
        %shift_right_logical3A_330 = vector.broadcast %shift_right_logical3A_329 : i32 to vector<16xi32>
        %shift_right_logical3A_331 = arith.shrui %mul3A_328, %shift_right_logical3A_330 : vector<16xi32>
        %shift_left3A_332 = arith.constant 1 : i32
        %shift_left3A_333 = vector.broadcast %shift_left3A_332 : i32 to vector<16xi32>
        %shift_left3A_334 = arith.shli %shift_right_logical3A_331, %shift_left3A_333 : vector<16xi32>
        %add3A_335 = arith.addi %shift_right_logical3A_331, %shift_left3A_334 : vector<16xi32>
        %sub3A_336 = arith.subi %shift_right_logical3A_316, %add3A_335 : vector<16xi32>
        %add3A_337 = arith.addi %add3A_321, %sub3A_336 : vector<16xi32>
        %shift_right_arithmetic3A_338 = arith.constant 1 : i32
        %shift_right_arithmetic3A_339 = vector.broadcast %shift_right_arithmetic3A_338 : i32 to vector<16xi32>
        %shift_right_arithmetic3A_340 = arith.shrsi %sub3A_336, %shift_right_arithmetic3A_339 : vector<16xi32>
        %add3A_341 = arith.addi %add3A_325, %shift_right_arithmetic3A_340 : vector<16xi32>
        %mul3A_342 = arith.constant 43691 : i32
        %mul3A_343 = vector.broadcast %mul3A_342 : i32 to vector<16xi32>
        %mul3A_344 = arith.muli %shift_right_logical3A_331, %mul3A_343 : vector<16xi32>
        %shift_right_logical3A_345 = arith.constant 17 : i32
        %shift_right_logical3A_346 = vector.broadcast %shift_right_logical3A_345 : i32 to vector<16xi32>
        %shift_right_logical3A_347 = arith.shrui %mul3A_344, %shift_right_logical3A_346 : vector<16xi32>
        %shift_left3A_348 = arith.constant 1 : i32
        %shift_left3A_349 = vector.broadcast %shift_left3A_348 : i32 to vector<16xi32>
        %shift_left3A_350 = arith.shli %shift_right_logical3A_347, %shift_left3A_349 : vector<16xi32>
        %add3A_351 = arith.addi %shift_right_logical3A_347, %shift_left3A_350 : vector<16xi32>
        %sub3A_352 = arith.subi %shift_right_logical3A_331, %add3A_351 : vector<16xi32>
        %add3A_353 = arith.addi %add3A_337, %sub3A_352 : vector<16xi32>
        %shift_right_arithmetic3A_354 = arith.constant 1 : i32
        %shift_right_arithmetic3A_355 = vector.broadcast %shift_right_arithmetic3A_354 : i32 to vector<16xi32>
        %shift_right_arithmetic3A_356 = arith.shrsi %sub3A_352, %shift_right_arithmetic3A_355 : vector<16xi32>
        %add3A_357 = arith.addi %add3A_341, %shift_right_arithmetic3A_356 : vector<16xi32>
        %mul3A_358 = arith.constant 43691 : i32
        %mul3A_359 = vector.broadcast %mul3A_358 : i32 to vector<16xi32>
        %mul3A_360 = arith.muli %shift_right_logical3A_347, %mul3A_359 : vector<16xi32>
        %shift_right_logical3A_361 = arith.constant 17 : i32
        %shift_right_logical3A_362 = vector.broadcast %shift_right_logical3A_361 : i32 to vector<16xi32>
        %shift_right_logical3A_363 = arith.shrui %mul3A_360, %shift_right_logical3A_362 : vector<16xi32>
        %shift_left3A_364 = arith.constant 1 : i32
        %shift_left3A_365 = vector.broadcast %shift_left3A_364 : i32 to vector<16xi32>
        %shift_left3A_366 = arith.shli %shift_right_logical3A_363, %shift_left3A_365 : vector<16xi32>
        %add3A_367 = arith.addi %shift_right_logical3A_363, %shift_left3A_366 : vector<16xi32>
        %sub3A_368 = arith.subi %shift_right_logical3A_347, %add3A_367 : vector<16xi32>
        %add3A_369 = arith.addi %add3A_353, %sub3A_368 : vector<16xi32>
        %shift_right_arithmetic3A_370 = arith.constant 1 : i32
        %shift_right_arithmetic3A_371 = vector.broadcast %shift_right_arithmetic3A_370 : i32 to vector<16xi32>
        %shift_right_arithmetic3A_372 = arith.shrsi %sub3A_368, %shift_right_arithmetic3A_371 : vector<16xi32>
        %add3A_373 = arith.addi %add3A_357, %shift_right_arithmetic3A_372 : vector<16xi32>
        %mul3A_374 = arith.constant 43691 : i32
        %mul3A_375 = vector.broadcast %mul3A_374 : i32 to vector<16xi32>
        %mul3A_376 = arith.muli %shift_right_logical3A_363, %mul3A_375 : vector<16xi32>
        %shift_right_logical3A_377 = arith.constant 17 : i32
        %shift_right_logical3A_378 = vector.broadcast %shift_right_logical3A_377 : i32 to vector<16xi32>
        %shift_right_logical3A_379 = arith.shrui %mul3A_376, %shift_right_logical3A_378 : vector<16xi32>
        %shift_left3A_380 = arith.constant 1 : i32
        %shift_left3A_381 = vector.broadcast %shift_left3A_380 : i32 to vector<16xi32>
        %shift_left3A_382 = arith.shli %shift_right_logical3A_379, %shift_left3A_381 : vector<16xi32>
        %add3A_383 = arith.addi %shift_right_logical3A_379, %shift_left3A_382 : vector<16xi32>
        %sub3A_384 = arith.subi %shift_right_logical3A_363, %add3A_383 : vector<16xi32>
        %add3A_385 = arith.addi %add3A_369, %sub3A_384 : vector<16xi32>
        %shift_right_arithmetic3A_386 = arith.constant 1 : i32
        %shift_right_arithmetic3A_387 = vector.broadcast %shift_right_arithmetic3A_386 : i32 to vector<16xi32>
        %shift_right_arithmetic3A_388 = arith.shrsi %sub3A_384, %shift_right_arithmetic3A_387 : vector<16xi32>
        %add3A_389 = arith.addi %add3A_373, %shift_right_arithmetic3A_388 : vector<16xi32>
        %mul3A_390 = arith.constant 43691 : i32
        %mul3A_391 = vector.broadcast %mul3A_390 : i32 to vector<16xi32>
        %mul3A_392 = arith.muli %shift_right_logical3A_379, %mul3A_391 : vector<16xi32>
        %shift_right_logical3A_393 = arith.constant 17 : i32
        %shift_right_logical3A_394 = vector.broadcast %shift_right_logical3A_393 : i32 to vector<16xi32>
        %shift_right_logical3A_395 = arith.shrui %mul3A_392, %shift_right_logical3A_394 : vector<16xi32>
        %shift_left3A_396 = arith.constant 1 : i32
        %shift_left3A_397 = vector.broadcast %shift_left3A_396 : i32 to vector<16xi32>
        %shift_left3A_398 = arith.shli %shift_right_logical3A_395, %shift_left3A_397 : vector<16xi32>
        %add3A_399 = arith.addi %shift_right_logical3A_395, %shift_left3A_398 : vector<16xi32>
        %sub3A_400 = arith.subi %shift_right_logical3A_379, %add3A_399 : vector<16xi32>
        %add3A_401 = arith.addi %add3A_385, %sub3A_400 : vector<16xi32>
        %shift_right_arithmetic3A_402 = arith.constant 1 : i32
        %shift_right_arithmetic3A_403 = vector.broadcast %shift_right_arithmetic3A_402 : i32 to vector<16xi32>
        %shift_right_arithmetic3A_404 = arith.shrsi %sub3A_400, %shift_right_arithmetic3A_403 : vector<16xi32>
        %add3A_405 = arith.addi %add3A_389, %shift_right_arithmetic3A_404 : vector<16xi32>
        %mul3A_406 = arith.constant 43691 : i32
        %mul3A_407 = vector.broadcast %mul3A_406 : i32 to vector<16xi32>
        %mul3A_408 = arith.muli %shift_right_logical3A_395, %mul3A_407 : vector<16xi32>
        %shift_right_logical3A_409 = arith.constant 17 : i32
        %shift_right_logical3A_410 = vector.broadcast %shift_right_logical3A_409 : i32 to vector<16xi32>
        %shift_right_logical3A_411 = arith.shrui %mul3A_408, %shift_right_logical3A_410 : vector<16xi32>
        %shift_left3A_412 = arith.constant 1 : i32
        %shift_left3A_413 = vector.broadcast %shift_left3A_412 : i32 to vector<16xi32>
        %shift_left3A_414 = arith.shli %shift_right_logical3A_411, %shift_left3A_413 : vector<16xi32>
        %add3A_415 = arith.addi %shift_right_logical3A_411, %shift_left3A_414 : vector<16xi32>
        %sub3A_416 = arith.subi %shift_right_logical3A_395, %add3A_415 : vector<16xi32>
        %add3A_417 = arith.addi %add3A_401, %sub3A_416 : vector<16xi32>
        %shift_right_arithmetic3A_418 = arith.constant 1 : i32
        %shift_right_arithmetic3A_419 = vector.broadcast %shift_right_arithmetic3A_418 : i32 to vector<16xi32>
        %shift_right_arithmetic3A_420 = arith.shrsi %sub3A_416, %shift_right_arithmetic3A_419 : vector<16xi32>
        %add3A_421 = arith.addi %add3A_405, %shift_right_arithmetic3A_420 : vector<16xi32>
        %mul3A_422 = arith.constant 43691 : i32
        %mul3A_423 = vector.broadcast %mul3A_422 : i32 to vector<16xi32>
        %mul3A_424 = arith.muli %shift_right_logical3A_411, %mul3A_423 : vector<16xi32>
        %shift_right_logical3A_425 = arith.constant 17 : i32
        %shift_right_logical3A_426 = vector.broadcast %shift_right_logical3A_425 : i32 to vector<16xi32>
        %shift_right_logical3A_427 = arith.shrui %mul3A_424, %shift_right_logical3A_426 : vector<16xi32>
        %shift_left3A_428 = arith.constant 1 : i32
        %shift_left3A_429 = vector.broadcast %shift_left3A_428 : i32 to vector<16xi32>
        %shift_left3A_430 = arith.shli %shift_right_logical3A_427, %shift_left3A_429 : vector<16xi32>
        %add3A_431 = arith.addi %shift_right_logical3A_427, %shift_left3A_430 : vector<16xi32>
        %sub3A_432 = arith.subi %shift_right_logical3A_411, %add3A_431 : vector<16xi32>
        %add3A_433 = arith.addi %add3A_417, %sub3A_432 : vector<16xi32>
        %shift_right_arithmetic3A_434 = arith.constant 1 : i32
        %shift_right_arithmetic3A_435 = vector.broadcast %shift_right_arithmetic3A_434 : i32 to vector<16xi32>
        %shift_right_arithmetic3A_436 = arith.shrsi %sub3A_432, %shift_right_arithmetic3A_435 : vector<16xi32>
        %add3A_437 = arith.addi %add3A_421, %shift_right_arithmetic3A_436 : vector<16xi32>
        %mul3A_438 = arith.constant 43691 : i32
        %mul3A_439 = vector.broadcast %mul3A_438 : i32 to vector<16xi32>
        %mul3A_440 = arith.muli %shift_right_logical3A_427, %mul3A_439 : vector<16xi32>
        %shift_right_logical3A_441 = arith.constant 17 : i32
        %shift_right_logical3A_442 = vector.broadcast %shift_right_logical3A_441 : i32 to vector<16xi32>
        %shift_right_logical3A_443 = arith.shrui %mul3A_440, %shift_right_logical3A_442 : vector<16xi32>
        %shift_left3A_444 = arith.constant 1 : i32
        %shift_left3A_445 = vector.broadcast %shift_left3A_444 : i32 to vector<16xi32>
        %shift_left3A_446 = arith.shli %shift_right_logical3A_443, %shift_left3A_445 : vector<16xi32>
        %add3A_447 = arith.addi %shift_right_logical3A_443, %shift_left3A_446 : vector<16xi32>
        %sub3A_448 = arith.subi %shift_right_logical3A_427, %add3A_447 : vector<16xi32>
        %add3A_449 = arith.addi %add3A_433, %sub3A_448 : vector<16xi32>
        %shift_right_arithmetic3A_450 = arith.constant 1 : i32
        %shift_right_arithmetic3A_451 = vector.broadcast %shift_right_arithmetic3A_450 : i32 to vector<16xi32>
        %shift_right_arithmetic3A_452 = arith.shrsi %sub3A_448, %shift_right_arithmetic3A_451 : vector<16xi32>
        %add3A_453 = arith.addi %add3A_437, %shift_right_arithmetic3A_452 : vector<16xi32>
        %mul3A_454 = arith.constant 43691 : i32
        %mul3A_455 = vector.broadcast %mul3A_454 : i32 to vector<16xi32>
        %mul3A_456 = arith.muli %shift_right_logical3A_443, %mul3A_455 : vector<16xi32>
        %shift_right_logical3A_457 = arith.constant 17 : i32
        %shift_right_logical3A_458 = vector.broadcast %shift_right_logical3A_457 : i32 to vector<16xi32>
        %shift_right_logical3A_459 = arith.shrui %mul3A_456, %shift_right_logical3A_458 : vector<16xi32>
        %shift_left3A_460 = arith.constant 1 : i32
        %shift_left3A_461 = vector.broadcast %shift_left3A_460 : i32 to vector<16xi32>
        %shift_left3A_462 = arith.shli %shift_right_logical3A_459, %shift_left3A_461 : vector<16xi32>
        %add3A_463 = arith.addi %shift_right_logical3A_459, %shift_left3A_462 : vector<16xi32>
        %sub3A_464 = arith.subi %shift_right_logical3A_443, %add3A_463 : vector<16xi32>
        %add3A_465 = arith.addi %add3A_449, %sub3A_464 : vector<16xi32>
        %shift_right_arithmetic3A_466 = arith.constant 1 : i32
        %shift_right_arithmetic3A_467 = vector.broadcast %shift_right_arithmetic3A_466 : i32 to vector<16xi32>
        %shift_right_arithmetic3A_468 = arith.shrsi %sub3A_464, %shift_right_arithmetic3A_467 : vector<16xi32>
        %add3A_469 = arith.addi %add3A_453, %shift_right_arithmetic3A_468 : vector<16xi32>
        %mul3A_470 = arith.constant 43691 : i32
        %mul3A_471 = vector.broadcast %mul3A_470 : i32 to vector<16xi32>
        %mul3A_472 = arith.muli %shift_right_logical3A_459, %mul3A_471 : vector<16xi32>
        %shift_right_logical3A_473 = arith.constant 17 : i32
        %shift_right_logical3A_474 = vector.broadcast %shift_right_logical3A_473 : i32 to vector<16xi32>
        %shift_right_logical3A_475 = arith.shrui %mul3A_472, %shift_right_logical3A_474 : vector<16xi32>
        %shift_left3A_476 = arith.constant 1 : i32
        %shift_left3A_477 = vector.broadcast %shift_left3A_476 : i32 to vector<16xi32>
        %shift_left3A_478 = arith.shli %shift_right_logical3A_475, %shift_left3A_477 : vector<16xi32>
        %add3A_479 = arith.addi %shift_right_logical3A_475, %shift_left3A_478 : vector<16xi32>
        %sub3A_480 = arith.subi %shift_right_logical3A_459, %add3A_479 : vector<16xi32>
        %add3A_481 = arith.addi %add3A_465, %sub3A_480 : vector<16xi32>
        %shift_right_arithmetic3A_482 = arith.constant 1 : i32
        %shift_right_arithmetic3A_483 = vector.broadcast %shift_right_arithmetic3A_482 : i32 to vector<16xi32>
        %shift_right_arithmetic3A_484 = arith.shrsi %sub3A_480, %shift_right_arithmetic3A_483 : vector<16xi32>
        %add3A_485 = arith.addi %add3A_469, %shift_right_arithmetic3A_484 : vector<16xi32>
        %shift_left3A_486 = arith.constant 1 : i32
        %shift_left3A_487 = vector.broadcast %shift_left3A_486 : i32 to vector<16xi32>
        %shift_left3A_488 = arith.shli %add3A_485, %shift_left3A_487 : vector<16xi32>
        %sub3A_489 = arith.subi %add3A_481, %shift_left3A_488 : vector<16xi32>
        %mul3A_490 = arith.constant 289 : i32
        %mul3A_491 = vector.broadcast %mul3A_490 : i32 to vector<16xi32>
        %mul3A_492 = arith.muli %and3A_309, %mul3A_491 : vector<16xi32>
        %mul3A_493 = arith.constant 17 : i32
        %mul3A_494 = vector.broadcast %mul3A_493 : i32 to vector<16xi32>
        %mul3A_495 = arith.muli %sub3A_489, %mul3A_494 : vector<16xi32>
        %add3A_496 = arith.addi %mul3A_492, %mul3A_495 : vector<16xi32>
        %add3A_497 = arith.addi %add3A_496, %add3A_485 : vector<16xi32>
        %mul3A_498 = arith.constant 16 : i32
        %mul3A_499 = arith.muli %scan3A_261, %mul3A_498 : i32
        %swap3A = arith.index_cast %mul3A_499 : i32 to index
        %swap3A_500 = tpu.vector_load %arg12[%swap3A] {strides = array<i32>} : memref<128xi32, #tpu.memory_space<vmem>>, vector<16xi32>,
        %swap3A_501 = vector.shape_cast %swap3A_500 : vector<16xi32> to vector<16xi32>
        %swap3A_502 = vector.shape_cast %add3A_497 : vector<16xi32> to vector<16xi32>
        tpu.vector_store %arg12[%swap3A], %swap3A_502 {strides = array<i32>} : memref<128xi32, #tpu.memory_space<vmem>>, vector<16xi32>,
        %scan3A_503 = arith.constant 0 : i32
        scf.yield %scan3A_503 : i32
      }
      %scan3A_234 = arith.constant 8 : i32
      %dma_start3A_235 = arith.constant 128 : i32
      %dma_start3A_236 = arith.constant 0 : i32
      %dma_start3A_237 = tpu.memref_slice %arg14[%dma_start3A_235, %dma_start3A_236] : memref<256x128xf32, #tpu.memory_space<vmem>> -> memref<128x128xf32, #tpu.memory_space<vmem>>
      %dma_start3A_238 = arith.constant 0 : i32
      %dma_start3A_239 = arith.constant 0 : i32
      %dma_start3A_240 = tpu.memref_slice %arg15[%dma_start3A_238, %dma_start3A_239] : memref<5120x128xf32, #tpu.memory_space<vmem_shared>> -> memref<5120x128xf32, #tpu.memory_space<vmem_shared>>
      tpu.enqueue_indirect_dma source(%dma_start3A_240 : memref<5120x128xf32, #tpu.memory_space<vmem_shared>>) target(%dma_start3A_237 : memref<128x128xf32, #tpu.memory_space<vmem>>) offsets(%arg12 : memref<128xi32, #tpu.memory_space<vmem>>) semaphore(%arg17 : memref<!tpu.dma_semaphore, #tpu.memory_space<semaphore_mem>>)
      %dma_wait3A_241 = arith.constant 0 : i32
      %dma_wait3A_242 = arith.constant 0 : i32
      %dma_wait3A_243 = tpu.memref_slice %arg14[%dma_wait3A_241, %dma_wait3A_242] : memref<256x128xf32, #tpu.memory_space<vmem>> -> memref<128x128xf32, #tpu.memory_space<vmem>>
      %dma_wait3A_244 = arith.constant 0 : i32
      %dma_wait3A_245 = arith.constant 0 : i32
      %dma_wait3A_246 = tpu.memref_slice %arg15[%dma_wait3A_244, %dma_wait3A_245] : memref<5120x128xf32, #tpu.memory_space<vmem_shared>> -> memref<5120x128xf32, #tpu.memory_space<vmem_shared>>
      tpu.wait_indirect_dma semaphore(%arg17 : memref<!tpu.dma_semaphore, #tpu.memory_space<semaphore_mem>>) src(%dma_wait3A_246 : memref<5120x128xf32, #tpu.memory_space<vmem_shared>>) dst(%dma_wait3A_243 : memref<128x128xf32, #tpu.memory_space<vmem>>)
      %dma_wait3A_247 = arith.constant 128 : i32
      %dma_wait3A_248 = arith.constant 0 : i32
      %dma_wait3A_249 = tpu.memref_slice %arg14[%dma_wait3A_247, %dma_wait3A_248] : memref<256x128xf32, #tpu.memory_space<vmem>> -> memref<128x128xf32, #tpu.memory_space<vmem>>
      %dma_wait3A_250 = arith.constant 0 : i32
      %dma_wait3A_251 = arith.constant 0 : i32
      %dma_wait3A_252 = tpu.memref_slice %arg15[%dma_wait3A_250, %dma_wait3A_251] : memref<5120x128xf32, #tpu.memory_space<vmem_shared>> -> memref<5120x128xf32, #tpu.memory_space<vmem_shared>>
      tpu.wait_indirect_dma semaphore(%arg17 : memref<!tpu.dma_semaphore, #tpu.memory_space<semaphore_mem>>) src(%dma_wait3A_252 : memref<5120x128xf32, #tpu.memory_space<vmem_shared>>) dst(%dma_wait3A_249 : memref<128x128xf32, #tpu.memory_space<vmem>>)
      %mul3A_253 = arith.constant 32 : i32
      %mul3A_254 = arith.muli %mul3A_205, %mul3A_253 : i32
      %add3A_255 = arith.addi %mul3A_8, %mul3A_254 : i32
      %dma_start3A_256 = arith.constant 0 : i32
      %dma_start3A_257 = tpu.memref_slice %arg5[%add3A_255, %dma_start3A_256] : memref<524288x128xf32, #tpu.memory_space<hbm>> -> memref<256x128xf32, #tpu.memory_space<hbm>>
      %dma_start3A_258 = arith.constant 0 : i32
      %dma_start3A_259 = tpu.memref_slice %arg5[%add3A_255, %dma_start3A_258] : memref<524288x128xf32, #tpu.memory_space<hbm>> -> memref<256x128xf32, #tpu.memory_space<hbm>>
      tpu.enqueue_dma source(%arg14 : memref<256x128xf32, #tpu.memory_space<vmem>>) target(%dma_start3A_259 : memref<256x128xf32, #tpu.memory_space<hbm>>) target_semaphore(%arg19 : memref<!tpu.dma_semaphore, #tpu.memory_space<semaphore_mem>>)
      %scan3A_260 = arith.constant 0 : i32
      scf.yield %scan3A_260 : i32
    }
    %scan3A_130 = arith.constant 32 : i32
    %dma_wait3A = arith.constant 0 : i32
    %dma_wait3A_131 = arith.constant 0 : i32
    %dma_wait3A_132 = tpu.memref_slice %arg5[%dma_wait3A, %dma_wait3A_131] : memref<524288x128xf32, #tpu.memory_space<hbm>> -> memref<256x128xf32, #tpu.memory_space<hbm>>
    %dma_wait3A_133 = arith.constant 0 : i32
    %dma_wait3A_134 = arith.constant 0 : i32
    %dma_wait3A_135 = tpu.memref_slice %arg5[%dma_wait3A_133, %dma_wait3A_134] : memref<524288x128xf32, #tpu.memory_space<hbm>> -> memref<256x128xf32, #tpu.memory_space<hbm>>
    tpu.wait_dma2 semaphore(%arg18 : memref<!tpu.dma_semaphore, #tpu.memory_space<semaphore_mem>>) src(%arg13 : memref<256x128xf32, #tpu.memory_space<vmem>>) dst(%dma_wait3A_135 : memref<256x128xf32, #tpu.memory_space<hbm>>)
    %dma_wait3A_136 = arith.constant 0 : i32
    %dma_wait3A_137 = arith.constant 0 : i32
    %dma_wait3A_138 = tpu.memref_slice %arg5[%dma_wait3A_136, %dma_wait3A_137] : memref<524288x128xf32, #tpu.memory_space<hbm>> -> memref<256x128xf32, #tpu.memory_space<hbm>>
    %dma_wait3A_139 = arith.constant 0 : i32
    %dma_wait3A_140 = arith.constant 0 : i32
    %dma_wait3A_141 = tpu.memref_slice %arg5[%dma_wait3A_139, %dma_wait3A_140] : memref<524288x128xf32, #tpu.memory_space<hbm>> -> memref<256x128xf32, #tpu.memory_space<hbm>>
    tpu.wait_dma2 semaphore(%arg19 : memref<!tpu.dma_semaphore, #tpu.memory_space<semaphore_mem>>) src(%arg14 : memref<256x128xf32, #tpu.memory_space<vmem>>) dst(%dma_wait3A_141 : memref<256x128xf32, #tpu.memory_space<hbm>>)
    return
  }
}

</mosaic_0001>

<sc_bundles>
// kernel: kernel.3.cloned.1.call-start
scs
__scs_entry_jumppad:
0x0: {  	(pc) =	sbr.rel $0x88, $3  }
0x1: {  	(tag) =	ssettag $0x0;
	lr =	simm.s32 $0x1  }
0x2: {  	[smem:$0x3F9E] =	sst lr;
	_ =	strace $0xD0000000  }
0x3: {  	_ = 	snop  }
0x4: {  	_ = 	snop  }
0x5: {  	_ = 	snop  }
0x6: {  	_ = 	snop  }
0x7: {  	_ = 	snop  }
__scs_overlays_trampoline_lowered:
0x8: {  	[smem:$0x3FAD] =	sst s0  }
0x9: {  	[smem:$0x3FAE] =	sst s1  }
0xa: {  	[smem:$0x3FAF] =	sst s2  }
0xb: {  	[smem:$0x3FB0] =	sst s3  }
0xc: {  	[smem:$0x3FB1] =	sst s4  }
0xd: {  	[smem:$0x3FB2] =	sst s5  }
0xe: {  	[smem:$0x3FB3] =	sst s6  }
0xf: {  	[smem:$0x3FB4] =	sst s7  }
0x10: {  	[smem:$0x3FB5] =	sst s8  }
0x11: {  	[smem:$0x3FB6] =	sst s9;
	s0 =	simm.s32 @!p0 $0x0  }
0x12: {  	s1 =	sld [smem:$0x3F9C];
	s0 =	simm.s32 @p0 $0x1  }
0x13: {  	[smem:$0x3FB7] =	sst s0;
	s0 =	simm.s32 @!p1 $0x0  }
0x14: {  	s2 =	sld [smem:$0x3F9B];
	s0 =	simm.s32 @p1 $0x1  }
0x15: {  	[smem:$0x3FB8] =	sst s0;
	s0 =	simm.s32 @!p2 $0x0  }
0x16: {  	s3 =	sld [smem:$0x3FDB];
	s0 =	simm.s32 @p2 $0x1  }
0x17: {  	s4 =	simm.s32 $0x1BF5;
	[smem:$0x3FBA] =	sst s0  }
0x18: {  	s0 =	sld [smem:$0x3F9D];
	_ =	swait.ge [sflag:s4], $0x0  }
0x19: {  	s7 =	sld [smem:$0x3F9E]  }
0x1a: {  	s8 =	sadd.s32 $0xFFFFE003, lr  }
0x1b: {  	s9 =	sadd.s32 $0xFFFFFEF7, lr;
	s5 =	simm.s32 $0xFFFFFFFF;
	p2 =	slt.u32 s8, $0xFFFFF086  }
0x1c: {  	p1 =	slt.u32 s9, $0xF7A;
	s5 =	simm.s32 @!p2 $0x0  }
0x1d: {  	s5 =	simm.s32 @p1 $0x1;
	p0 =	seq.s32 s7, s2  }
0x1e: {  	s7 =	smul.u32 @!p0 $0xF7A, s2;
	p2 =	seq.s32 @!p0 s5, $0x0  }
0x1f: {  	s9 =	smul.u32 $0xF7A, s1;
	s8 =	simm.s32 @!p0 $0x1BF5;
	p2 =	por !p2, p0  }
0x20: {  	[sflag:s8] =	ssyncset.s32 @!p0 $0xFFFFF086;
	s6 =	sadd.s32 @!p0 s3, s7;
	s7 =	simm.s32 @!p0 $0x108  }
0x21: {  	s3 =	sadd.s32 s3, s9;
	s6 =	sadd.s32 @!p0 $0x88, s6;
	s7 =	simm.s32 @p2 $0x1082  }
0x22: {  	[simem:s7], [sflag:s8] =	dma.local @!p0 [hbm:s6], $0xF7A  }
0x23: {  	s9 =	sor.u32 $0xD0000000, s2;
	s6 =	simm.s32 $0x108;
	_ =	swait.ge @!p0 [sflag:s8], $0x0  }
0x24: {  	s3 =	sadd.s32 $0x88, s3;
	s6 =	simm.s32 @!p1 $0x1082;
	[sflag:s4] =	ssyncset.s32 $0xFFFFF086  }
0x25: {  	[simem:s6], [sflag:s4] =	dma.local [hbm:s3], $0xF7A  }
0x26: {  	[smem:$0x3F9E] =	sst s1;
	(tag) =	ssettag s2;
	_ =	strace s9  }
0x27: {  	s1 =	sld [smem:$0x3FAE]  }
0x28: {  	s2 =	sld [smem:$0x3FAF]  }
0x29: {  	s4 =	sld [smem:$0x3FB1]  }
0x2a: {  	p0 =	seq.s32 s5, $0x0;
	s5 =	sld [smem:$0x3FB2]  }
0x2b: {  	s6 =	sld [smem:$0x3FB3]  }
0x2c: {  	s7 =	sld [smem:$0x3FB4]  }
0x2d: {  	s3 =	simm.s32 $0x108;
	s8 =	sld [smem:$0x3FB5]  }
0x2e: {  	s3 =	simm.s32 @!p0 $0x1082;
	s9 =	sld [smem:$0x3FB6]  }
0x2f: {  	lr =	sadd.s32 s0, s3;
	s0 =	sld [smem:$0x3FAD]  }
0x30: {  	s3 =	sld [smem:$0x3FB0]  }
0x31: {  	[smem:$0x3FB9] =	sst s10  }
0x32: {  	s10 =	sld [smem:$0x3FB7];
	_ =	sdelay $0x3  }
0x33: {  	p0 =	seq.s32 s10, $0x1;
	s10 =	sld [smem:$0x3FB9];
	_ =	sdelay $0x3  }
0x34: {  	[smem:$0x3FB9] =	sst s10  }
0x35: {  	s10 =	sld [smem:$0x3FB8];
	_ =	sdelay $0x3  }
0x36: {  	p1 =	seq.s32 s10, $0x1;
	s10 =	sld [smem:$0x3FB9];
	_ =	sdelay $0x3  }
0x37: {  	[smem:$0x3FB9] =	sst s10  }
0x38: {  	s10 =	sld [smem:$0x3FBA]  }
0x39: {  	_ = 	snop;
	(pc) =	sbr.ind lr, $3  }
0x3a: {  	_ = 	snop  }
0x3b: {  	_ = 	snop  }
0x3c: {  	p2 =	seq.s32 s10, $0x1;
	s10 =	sld [smem:$0x3FB9]  }
0x3d: {  	_ =	shalt  }
0x3e: {  	_ =	shalt  }
0x3f: {  	_ =	shalt  }
0x40: {  	_ =	shalt  }
0x41: {  	_ =	shalt  }
0x42: {  	_ =	shalt  }
0x43: {  	_ =	shalt  }
0x44: {  	_ =	shalt  }
0x45: {  	_ =	shalt  }
0x46: {  	_ =	shalt  }
0x47: {  	_ =	shalt  }
0x48: {  	_ =	shalt  }
0x49: {  	_ =	shalt  }
0x4a: {  	_ =	shalt  }
0x4b: {  	_ =	shalt  }
0x4c: {  	_ =	shalt  }
0x4d: {  	_ =	shalt  }
0x4e: {  	_ =	shalt  }
0x4f: {  	_ =	shalt  }
0x50: {  	_ =	shalt  }
0x51: {  	_ =	shalt  }
0x52: {  	_ =	shalt  }
0x53: {  	_ =	shalt  }
0x54: {  	_ =	shalt  }
0x55: {  	_ =	shalt  }
0x56: {  	_ =	shalt  }
0x57: {  	_ =	shalt  }
0x58: {  	_ =	shalt  }
0x59: {  	_ =	shalt  }
0x5a: {  	_ =	shalt  }
0x5b: {  	_ =	shalt  }
0x5c: {  	_ =	shalt  }
0x5d: {  	_ =	shalt  }
0x5e: {  	_ =	shalt  }
0x5f: {  	_ =	shalt  }
0x60: {  	_ =	shalt  }
0x61: {  	_ =	shalt  }
0x62: {  	_ =	shalt  }
0x63: {  	_ =	shalt  }
0x64: {  	_ =	shalt  }
0x65: {  	_ =	shalt  }
0x66: {  	_ =	shalt  }
0x67: {  	_ =	shalt  }
0x68: {  	_ =	shalt  }
0x69: {  	_ =	shalt  }
0x6a: {  	_ =	shalt  }
0x6b: {  	_ =	shalt  }
0x6c: {  	_ =	shalt  }
0x6d: {  	_ =	shalt  }
0x6e: {  	_ =	shalt  }
0x6f: {  	_ =	shalt  }
0x70: {  	_ =	shalt  }
0x71: {  	_ =	shalt  }
0x72: {  	_ =	shalt  }
0x73: {  	_ =	shalt  }
0x74: {  	_ =	shalt  }
0x75: {  	_ =	shalt  }
0x76: {  	_ =	shalt  }
0x77: {  	_ =	shalt  }
0x78: {  	_ =	shalt  }
0x79: {  	_ =	shalt  }
0x7a: {  	_ =	shalt  }
0x7b: {  	_ =	shalt  }
0x7c: {  	_ =	shalt  }
0x7d: {  	_ =	shalt  }
0x7e: {  	_ =	shalt  }
0x7f: {  	_ =	shalt  }
0x80: {  	_ =	shalt  }
0x81: {  	_ =	shalt  }
0x82: {  	_ =	shalt  }
0x83: {  	_ =	shalt  }
0x84: {  	_ =	shalt  }
0x85: {  	_ =	shalt  }
0x86: {  	_ =	shalt  }
0x87: {  	_ =	shalt  }
.Lfunc_end0:
.L_simem_size_0:
called_computation.1_lowered:
.L_overlay_start_0:
0x88: {  	s2 =	sld [smem:$0x3FD9]  }
0x89: {  	s3 =	sld [smem:$0x3FFE];
	_ =	sdelay $0x1  }
0x8a: {  	s1 =	srdreg.scid  }
0x8b: {  	s0 =	sand.u32 $0x1, s1  }
0x8c: {  	s17 =	sshll.u32 s0, $0xA;
	s2 =	sadd.s32 s3, s2  }
0x8d: {  	s2 =	sadd.s32 s2, s17  }
0x8e: {  	[smem:$0x3FC5] =	sst s2  }
0x8f: {  	_ = 	snop  }
0x90: {  	s2 =	sld [smem:$0x3FD0];
	(tm) =	ssettm $0x1  }
0x91: {  	s18 =	sld [smem:$0x3FFB];
	_ =	sdelay $0x3  }
0x92: {  	_ =	strace s18  }
0x93: {  	s3 =	sld [smem:$0x3FFC];
	_ =	sdelay $0x3  }
0x94: {  	_ =	strace s3  }
0x95: {  	s3 =	sld [smem:$0x3FFD];
	_ =	sdelay $0x3  }
0x96: {  	_ =	strace s3  }
0x97: {  	_ =	strace $0x8FFFFFFF  }
0x98: {  	s19 =	sld [smem:$0x3FDB];
	_ =	sdelay $0x1  }
0x99: {  	s4 =	simm.s32 $_scs_section_size  }
0x9a: {  	s5 =	simm.s32 $_size__tile_overlayer_lowered;
	s6 =	simm.s32 $_tile_overlayer_lowered  }
0x9b: {  	s22 =	simm.s32 $0x1BFF;
	s21 =	sshll.u32 s6, $0x1;
	s3 =	sadd.s32 s4, s19  }
0x9c: {  	s7 =	simm.s32 $0x0;
	s20 =	sshll.u32 s5, $0x1;
	s5 =	sadd.s32 s21, s3  }
0x9d: {  	[timem:s7], [sflag:s22] =	dma.local [hbm:s5], s20  }
0x9e: {  	_ =	swait.ge [sflag:s22], s20  }
0x9f: {  	s4 =	ssub.s32 $0x0, s20;
	[sflag:s22] =	ssyncset.done $0x0  }
0xa0: {  	[sflag:s22] =	ssyncadd.s32 s4;
	_ =	sdelay $0x1  }
0xa1: {  	s23 =	simm.s32 $0x1B8B  }
0xa2: {  	_ =	swait.ge [sflag:s23], $0x1  }
0xa3: {  	[sflag:s23] =	ssyncset.done $0x0  }
0xa4: {  	s25 =	simm.s32 $0x1B8E;
	s24 =	sld [smem:$0x3FFE];
	[sflag:s23] =	ssyncadd.s32 $0xFFFFFFFF  }
0xa5: {  	s26 =	simm.s32 $execute0_lowered;
	[smem:$0x3FD2] =	sst s25  }
0xa6: {  	s5 =	sshll.u32 s26, $0x1;
	_ =	strace $0x80000046;
	[dreg:$0x1] =	wrdreg $0xFFFFFFFF  }
0xa7: {  	s28 =	simm.s32 $_size_execute0_lowered;
	s3 =	sadd.s32 s3, s5;
	[dreg:$0x0] =	wrdreg $0x0  }
0xa8: {  	s5 =	sshll.u32 s28, $0x1;
	[dreg:$0x2] =	wrdreg s3  }
0xa9: {  	[dreg:$0x3] =	wrdreg s5  }
0xaa: {  	[dreg:$0x4] =	wrdreg $0xC0  }
0xab: {  	_ =	task [dreg:s7], $0x5FFFF  }
0xac: {  	[dreg:$0x1] =	wrdreg $0xFFFFFFFF  }
0xad: {  	[dreg:$0x0] =	wrdreg $0x60  }
0xae: {  	[dreg:$0x2] =	wrdreg s2  }
0xaf: {  	[dreg:$0x3] =	wrdreg s24  }
0xb0: {  	[dreg:$0x4] =	wrdreg $0x138000  }
0xb1: {  	[dreg:$0x5] =	wrdreg $0x9  }
0xb2: {  	_ =	task.clear_ibuf [dreg:s7], $0x6FFFF;
	_ =	strace $0x90000046  }
0xb3: {  	s29 =	simm.s32 $0x9;
	_ =	strace $0x80000048  }
0xb4: {  	_ =	swait.ge [sflag:s29], $0x1  }
0xb5: {  	[sflag:s29] =	ssyncadd.s32 $0xFFFFFFFF  }
0xb6: {  	_ =	strace $0x90000048  }
0xb7: {  	_ =	sfence  }
0xb8: {  	s30 =	sld [smem:$0x0];
	_ =	sdelay $0x2  }
0xb9: {  	s31 =	sshll.u32 s1, $0xD;
	s1 =	sshrl.u32 s1, $0x2  }
0xba: {  	s3 =	sand.u32 $0x4000, s31;
	s1 =	sadd.s32 s1, s30  }
0xbb: {  	s0 =	sor.u32 s3, s0;
	s1 =	sshll.u32 s1, $0x11  }
0xbc: {  	s0 =	sor.u32 s1, s0  }
0xbd: {  	s0 =	sadd.s32 $0x8F2B, s0  }
0xbe: {  	[sflag:s0] =	ssyncadd.remote.s32 $0x1  }
0xbf: {  	_ =	sfence.sel $0xFFFF  }
0xc0: {  	[dreg:$0x0] =	wrdreg $0xFFFFFFFF;
	(pc) =	sbr.abs _section_cstart, $3  }
0xc1: {  	[dreg:$0x1] =	wrdreg $0xFFFFFFFF  }
0xc2: {  	_ =	task.clear_ibuf [dreg:s7], $0x2FFFF;
	_ =	strace $0x9FFFFFFF  }
0xc3: {  	(tm) =	ssettm $0x7FFFFFFF  }
tec
execute0_lowered:
.L_overlay_start_1:
0x0: {  	(tag) =	ssettag $0x1  }
0x1: {  	s0 =	rddreg [dreg:$0x0]  }
0x2: {  	s2 =	rddreg [dreg:$0x1]  }
0x3: {  	s1 =	rddreg [dreg:$0x2];
	s3 =	simm.s32 $0x0  }
0x4: {  	s4 =	srdreg.scid;
	s8 =	stileid.u32;
	s17 =	simm.s32 $0x5  }
0x5: {  	s28 =	simm.s32 $0xB800;
	s29 =	simm.s32 $0x3780;
	s30 =	simm.s32 $0xF800  }
0x6: {  	s31 =	simm.s32 $0x2;
	[smem:$0x7FF] =	sst s3;
	s7 =	smul.u32 $0x28000, s8  }
0x7: {  	s4 =	sand.u32 $0x1, s4;
	s5 =	sshll.u32 s8, $0x1;
	s21 =	smul.u32 $0x140, s8  }
0x8: {  	s6 =	sadd.s32 $0x800, s2;
	s18 =	sadd.s32 $0xA00, s2;
	s23 =	smul.u32 $0x12D2D40, s8  }
0x9: {  	s12 =	smul.u32 $0x11B7640, s8;
	_ =	strace $0x80000047;
	[dreg:$0x4] =	wrdreg s6  }
0xa: {  	[dreg:$0x5] =	wrdreg s18;
	s5 =	sor.u32 s4, s5;
	s4 =	ssub.s32 $0x2, s4  }
0xb: {  	s18 =	simm.s32 $0x0;
	s19 =	sshll.u32 s5, $0x12;
	s20 =	sshrl.u32 s4, $0x1  }
0xc: {  	s5 =	smul.u32 $0x680, s5;
	s7 =	sshrl.u32 s7, $0x2;
	[dreg:$0x6] =	wrdreg s21  }
0xd: {  	s25 =	sadd.s32 $0xA0, s21;
	[dreg:$0x9] =	wrdreg s23;
	s26 =	sadd.s32 $0x9696A0, s23  }
0xe: {  	s16 =	sadd.s32 $0x8DBB20, s12;
	s21 =	simm.s32 $0x80;
	s23 =	simm.s32 $0x3680  }
0xf: {  	s2 =	sadd.s32 s19, s2;
	s4 =	ssub.s32 s4, s20;
	[dreg:$0xc] =	wrdreg s25  }
0x10: {  	s22 =	sadd.s32 s7, s1;
	[dreg:$0xd] =	wrdreg s26;
	s20 =	simm.s32 $0x3800  }
0x11: {  	s25 =	simm.s32 $0x1;
	s0 =	sadd.s32 s0, s5;
	[dreg:$0x8] =	wrdreg s22  }
0x12: {  	s26 =	simm.s32 $0x3700;
	s24 =	smax.u32 s4, $0x1;
	[dreg:$0x7] =	wrdreg s0  }
0x13: {  	s11 =	sadd.s32 $0xC00, s2;
	s0 =	sadd.s32 $0x5000, s22;
	[dreg:$0xb] =	wrdreg s24  }
0x14: {  	s22 =	simm.s32 $0x3600;
	s24 =	simm.s32 $0x7800;
	[dreg:$0xa] =	wrdreg s0  }
.LBB2_1:
0x15: {  	s0 =	rddreg [dreg:$0x7]  }
0x16: {  	[tilespmem:s3], [sflag:$0x5] =	stream.linear.gather [hbm4b:s0+s3], $0x3400, $0x38;
	[tilespmem:$0x1D800] =	vst v63  }
0x17: {  	_ =	swait.ge [sflag:s17], $0x3400  }
0x18: {  	[sflag:s17] =	ssyncset.done $0x0  }
0x19: {  	s2 =	simm.s32 $0x3480;
	s9 =	rddreg [dreg:$0x4];
	[sflag:s17] =	ssyncadd.s32 $0xFFFFCC00  }
0x1a: {  	[tilespmem:s2], [sflag:$0x5] =	stream.linear.gather [hbm4b:s9+s3], $0x80, $0x38;
	[tilespmem:$0x1D800] =	vst v63  }
0x1b: {  	_ =	swait.ge [sflag:s17], $0x80  }
0x1c: {  	[sflag:s17] =	ssyncset.done $0x0  }
0x1d: {  	s13 =	simm.s32 $0x3500;
	s10 =	rddreg [dreg:$0x5];
	[sflag:s17] =	ssyncadd.s32 $0xFFFFFF80  }
0x1e: {  	[tilespmem:s13], [sflag:$0x5] =	stream.linear.gather [hbm4b:s10+s3], $0x100, $0x38;
	[tilespmem:$0x1D800] =	vst v63  }
0x1f: {  	_ =	swait.ge [sflag:s17], $0x100  }
0x20: {  	[sflag:s17] =	ssyncset.done $0x0  }
0x21: {  	[sflag:s17] =	ssyncadd.s32 $0xFFFFFF00  }
0x22: {  	v1 =	vld [tilespmem:$0x3480]  }
0x23: {  	v2 =	vld [tilespmem:$0x34C0]  }
0x24: {  	v3 =	vld [tilespmem:$0x3500]  }
0x25: {  	v4 =	vld [tilespmem:$0x3540]  }
0x26: {  	v5 =	vld [tilespmem:$0x3580]  }
0x27: {  	v6 =	vld [tilespmem:$0x3490]  }
0x28: {  	v9 =	vld [tilespmem:$0x34D0]  }
0x29: {  	v10 =	vld [tilespmem:$0x3510]  }
0x2a: {  	v11 =	vld [tilespmem:$0x3550]  }
0x2b: {  	v12 =	vld [tilespmem:$0x3590]  }
0x2c: {  	v14 =	vld [tilespmem:$0x34A0]  }
0x2d: {  	v16 =	vld [tilespmem:$0x34E0]  }
0x2e: {  	v17 =	vld [tilespmem:$0x3520]  }
0x2f: {  	v18 =	vld [tilespmem:$0x3560]  }
0x30: {  	s14 =	sshrl.u32 s12, $0x18;
	v19 =	vld [tilespmem:$0x35A0]  }
0x31: {  	s15 =	smul.u32 $0x1100011, s14;
	v20 =	vld [tilespmem:$0x3530]  }
0x32: {  	s8 =	rddreg [dreg:$0x9];
	v21 =	vld [tilespmem:$0x3570]  }
0x33: {  	s2 =	ssub.s32 s8, s15;
	v22 =	vld [tilespmem:$0x34B0];
	v0 =	vmul.f32 $1.600000000e+01, v1;
	v2 =	vsub.f32 v2, v1;
	v7 =	vmul.f32 $1.600000000e+01, v3  }
0x34: {  	v23 =	vld [tilespmem:$0x35B0];
	s2 =	sshrl.u32 s2, $0x14;
	v13 =	vsub.f32 v4, v3;
	v8 =	vsub.f32 v5, v3;
	v1 =	vmul.f32 $1.600000000e+01, v6  }
0x35: {  	v24 =	vld [tilespmem:$0x34F0];
	s4 =	smul.u32 $0x11, s2;
	v4 =	vsub.f32 v9, v6;
	v9 =	vmul.f32 $1.600000000e+01, v10;
	v15 =	vsub.f32 v11, v10  }
0x36: {  	s0 =	smul.u32 $0x121, s14;
	s6 =	rddreg [dreg:$0x6];
	v11 =	vsub.f32 v12, v10;
	v3 =	vmul.f32 $1.600000000e+01, v14;
	v5 =	vsub.f32 v16, v14  }
0x37: {  	s10 =	sadd.s32 $0xE2C5, s12;
	s2 =	scvt.s32.f32 s2;
	s4 =	ssub.s32 s6, s4;
	v10 =	vmul.f32 $1.600000000e+01, v17;
	v16 =	vsub.f32 v18, v17;
	v18 =	vsub.f32 v21, v20  }
0x38: {  	s7 =	sshrl.u32 s10, $0x18;
	s0 =	ssub.s32 s4, s0;
	v14 =	vsub.f32 v19, v17;
	v6 =	vmul.f32 $1.600000000e+01, v22;
	v17 =	vmul.f32 $1.600000000e+01, v20  }
0x39: {  	s19 =	sadd.s32 $0x0, s12;
	s5 =	smul.u32 $0x1100011, s7;
	v19 =	vsub.f32 v23, v20;
	s0 =	scvt.s32.f32 s0;
	v20 =	vmul.f32 s2, v13;
	v21 =	vmul.f32 s2, v18  }
0x3a: {  	s8 =	sadd.s32 $0xF0F1, s8;
	s4 =	sshrl.u32 s19, $0x18;
	v12 =	vsub.f32 v24, v22;
	v22 =	vmul.f32 s2, v15;
	v23 =	vmul.f32 s2, v16  }
0x3b: {  	s9 =	ssub.s32 s8, s5;
	s15 =	scvt.s32.f32 s4;
	v24 =	vmul.f32 s0, v8;
	v25 =	vmul.f32 s0, v19;
	v21 =	vadd.f32 v21, v17  }
0x3c: {  	s14 =	smul.u32 $0x121, s7;
	s2 =	sshrl.u32 s9, $0x14;
	v26 =	vmul.f32 s0, v11;
	v27 =	vmul.f32 s0, v14;
	v20 =	vadd.f32 v20, v7  }
0x3d: {  	s7 =	sadd.s32 $0x1, s6;
	v28 =	vmul.f32 s15, v2;
	s13 =	smul.u32 $0x11, s2;
	v22 =	vadd.f32 v22, v9;
	v21 =	vadd.f32 v25, v21  }
0x3e: {  	s5 =	simm.s32 $0x3840;
	s19 =	sadd.s32 $0xE2C5, s12;
	s4 =	simm.s32 $0x1C58A;
	v29 =	vadd.f32 v23, v10;
	v24 =	vadd.f32 v24, v20;
	v25 =	vmul.f32 s15, v4  }
0x3f: {  	s2 =	scvt.s32.f32 s2;
	v23 =	vmul.f32 s15, v5;
	s6 =	ssub.s32 s7, s13;
	s13 =	sadd.s32 $0xE2C5, s10;
	v20 =	vadd.f32 v28, v0;
	v22 =	vadd.f32 v26, v22;
	[tilespmem:s5+$0x30] =	vst v21  }
0x40: {  	s0 =	simm.s32 $0x2A84F;
	s10 =	sshrl.u32 s13, $0x18;
	s14 =	ssub.s32 s6, s14;
	[tilespmem:s5+$0x0] =	vst v24;
	v21 =	vadd.f32 v25, v1;
	v25 =	vadd.f32 v27, v29;
	v24 =	vmul.f32 s15, v12  }
.LBB2_2:
0x41: {  	p0 =	sne.s32 s0, $0x8CD85B;
	s6 =	smul.u32 $0x1100011, s10;
	s14 =	scvt.s32.f32 s14;
	v26 =	vmul.f32 s2, v13;
	v27 =	vmul.f32 s2, v18;
	[tilespmem:s5+$0x10] =	vst v22;
	v22 =	vadd.f32 v23, v3  }
0x42: {  	s15 =	sshrl.u32 s19, $0x18;
	v23 =	vmul.f32 s2, v15;
	v28 =	vmul.f32 s2, v16;
	s8 =	sadd.s32 $0xF0F1, s8;
	[tilespmem:s5+$0x20] =	vst v25;
	v24 =	vadd.f32 v24, v6  }
0x43: {  	s2 =	ssub.s32 s8, s6;
	s6 =	scvt.s32.f32 s15;
	v25 =	vmul.f32 s14, v8;
	v27 =	vadd.f32 v27, v17;
	v29 =	vmul.f32 s14, v19;
	[tilespmem:s5+$0xFFFFFFC0] =	vst v20  }
.Ltmp0:
0x44: {  	v20 =	vadd.f32 v26, v7;
	v26 =	vmul.f32 s14, v11;
	v30 =	vmul.f32 s14, v14;
	s2 =	sshrl.u32 s2, $0x14;
	[tilespmem:s5+$0xFFFFFFD0] =	vst v21;
	(pc) =	sbr.rel @p0 .LBB2_2-.Ltmp0, $4  }
0x45: {  	s19 =	sadd.s32 s4, s12;
	s4 =	smov.u32 s0;
	v23 =	vadd.f32 v23, v9;
	s14 =	smul.u32 $0x11, s2;
	v21 =	vmul.f32 s6, v2;
	v27 =	vadd.f32 v29, v27;
	[tilespmem:s5+$0xFFFFFFE0] =	vst v22  }
0x46: {  	s7 =	sadd.s32 $0x1, s7;
	s15 =	smul.u32 $0x121, s10;
	v28 =	vadd.f32 v28, v10;
	v25 =	vadd.f32 v25, v20;
	v29 =	vmul.f32 s6, v4;
	[tilespmem:s5+$0xFFFFFFF0] =	vst v24;
	s5 =	sadd.s32 $0x80, s5  }
0x47: {  	s13 =	sadd.s32 $0xE2C5, s13;
	s2 =	scvt.s32.f32 s2;
	v22 =	vadd.f32 v26, v23;
	v23 =	vmul.f32 s6, v5;
	s14 =	ssub.s32 s7, s14;
	v20 =	vadd.f32 v21, v0;
	[tilespmem:s5+$0x30] =	vst v27  }
0x48: {  	s0 =	sadd.s32 $0xE2C5, s0;
	s10 =	sshrl.u32 s13, $0x18;
	v24 =	vmul.f32 s6, v12;
	v21 =	vadd.f32 v29, v1;
	s14 =	ssub.s32 s14, s15;
	[tilespmem:s5+$0x0] =	vst v25;
	v25 =	vadd.f32 v30, v28  }
0x49: {  	s0 =	smul.u32 $0x1100011, s10;
	s6 =	scvt.s32.f32 s14;
	v26 =	vmul.f32 s2, v13;
	v27 =	vmul.f32 s2, v18;
	[tilespmem:s5+$0x10] =	vst v22  }
0x4a: {  	v22 =	vadd.f32 v23, v3;
	v23 =	vmul.f32 s2, v15;
	v28 =	vmul.f32 s2, v16;
	s15 =	sadd.s32 $0xF0F1, s8;
	[tilespmem:s5+$0xFFFFFFC0] =	vst v20  }
0x4b: {  	s19 =	sshrl.u32 s19, $0x18;
	[tilespmem:s5+$0x20] =	vst v25;
	v24 =	vadd.f32 v24, v6;
	s0 =	ssub.s32 s15, s0;
	v25 =	vadd.f32 v27, v17;
	v27 =	vmul.f32 s6, v19  }
0x4c: {  	s9 =	scvt.s32.f32 s19;
	[tilespmem:s5+$0xFFFFFFD0] =	vst v21;
	v20 =	vmul.f32 s6, v8;
	v26 =	vadd.f32 v26, v7;
	v29 =	vmul.f32 s6, v11;
	s0 =	sshrl.u32 s0, $0x14  }
0x4d: {  	v21 =	vmul.f32 s6, v14;
	v23 =	vadd.f32 v23, v9;
	[tilespmem:s5+$0xFFFFFFE0] =	vst v22;
	s13 =	smul.u32 $0x11, s0;
	v25 =	vadd.f32 v27, v25  }
0x4e: {  	s14 =	smul.u32 $0x121, s10;
	s7 =	sadd.s32 $0x1, s7;
	s15 =	sadd.s32 $0x80, s5;
	v22 =	vmul.f32 s9, v2;
	[tilespmem:s5+$0xFFFFFFF0] =	vst v24;
	v20 =	vadd.f32 v20, v26;
	v26 =	vadd.f32 v28, v10  }
0x4f: {  	v24 =	vmul.f32 s9, v4;
	s0 =	scvt.s32.f32 s0;
	v23 =	vadd.f32 v29, v23;
	s6 =	ssub.s32 s7, s13;
	[tilespmem:s15+$0x30] =	vst v25  }
0x50: {  	v22 =	vadd.f32 v22, v0;
	v25 =	vmul.f32 s9, v5;
	[tilespmem:s15+$0x0] =	vst v20;
	v20 =	vadd.f32 v21, v26;
	s6 =	ssub.s32 s6, s14  }
0x51: {  	v21 =	vadd.f32 v24, v1;
	v24 =	vmul.f32 s9, v12;
	v26 =	vmul.f32 s0, v18;
	[tilespmem:s15+$0x10] =	vst v23;
	s19 =	scvt.s32.f32 s6  }
0x52: {  	v23 =	vmul.f32 s0, v13;
	v27 =	vmul.f32 s0, v15;
	[tilespmem:s15+$0xFFFFFFC0] =	vst v22;
	v25 =	vadd.f32 v25, v3  }
0x53: {  	s4 =	sadd.s32 s4, s12;
	[tilespmem:s15+$0x20] =	vst v20;
	v20 =	vmul.f32 s0, v16;
	v26 =	vadd.f32 v26, v17;
	v61 =	vmul.f32 s19, v19  }
0x54: {  	s4 =	sshrl.u32 s4, $0x18;
	v22 =	vadd.f32 v24, v6;
	v23 =	vadd.f32 v23, v7;
	[tilespmem:s15+$0xFFFFFFD0] =	vst v21;
	v24 =	vmul.f32 s19, v8  }
0x55: {  	s0 =	scvt.s32.f32 s4;
	v27 =	vadd.f32 v27, v9;
	v21 =	vmul.f32 s19, v11;
	[tilespmem:s15+$0xFFFFFFE0] =	vst v25;
	v26 =	vadd.f32 v61, v26  }
0x56: {  	s6 =	sadd.s32 $0x80, s15;
	v25 =	vmul.f32 s19, v14;
	v20 =	vadd.f32 v20, v10;
	[tilespmem:s15+$0xFFFFFFF0] =	vst v22;
	v23 =	vadd.f32 v24, v23  }
0x57: {  	v22 =	vmul.f32 s0, v2;
	v21 =	vadd.f32 v21, v27;
	[tilespmem:s6+$0x30] =	vst v26  }
0x58: {  	v24 =	vmul.f32 s0, v4;
	v20 =	vadd.f32 v25, v20;
	[tilespmem:s6+$0x0] =	vst v23  }
0x59: {  	s7 =	sshrl.u32 s16, $0x18;
	v22 =	vadd.f32 v22, v0;
	v23 =	vmul.f32 s0, v5;
	[tilespmem:s6+$0x10] =	vst v21  }
0x5a: {  	s8 =	smul.u32 $0x1100011, s7;
	v21 =	vadd.f32 v24, v1;
	v24 =	vmul.f32 s0, v12;
	[tilespmem:s6+$0x20] =	vst v20  }
0x5b: {  	s10 =	rddreg [dreg:$0xd];
	[tilespmem:s6+$0xFFFFFFC0] =	vst v22;
	v20 =	vadd.f32 v23, v3  }
0x5c: {  	s2 =	ssub.s32 s10, s8;
	v22 =	vadd.f32 v24, v6;
	[tilespmem:s6+$0xFFFFFFD0] =	vst v21  }
0x5d: {  	s2 =	sshrl.u32 s2, $0x14;
	[tilespmem:s6+$0xFFFFFFE0] =	vst v20  }
0x5e: {  	s9 =	rddreg [dreg:$0x8];
	s13 =	smul.u32 $0x11, s2;
	[tilespmem:s6+$0xFFFFFFF0] =	vst v22  }
0x5f: {  	[spmem:s9] =	stream.linear.scatter [tilespmem:s20], [sflag:$0x5], $0x5000, $0x38;
	[tilespmem:$0x1D800] =	vst v63  }
0x60: {  	s0 =	smul.u32 $0x121, s7;
	s9 =	rddreg [dreg:$0xc]  }
0x61: {  	s2 =	scvt.s32.f32 s2;
	s6 =	sadd.s32 $0xE2C5, s16;
	s4 =	ssub.s32 s9, s13  }
0x62: {  	s14 =	sshrl.u32 s6, $0x18;
	s0 =	ssub.s32 s4, s0  }
0x63: {  	s15 =	sadd.s32 $0x0, s16;
	v21 =	vmul.f32 s2, v18;
	v23 =	vmul.f32 s2, v16;
	s19 =	smul.u32 $0x1100011, s14;
	s0 =	scvt.s32.f32 s0  }
0x64: {  	s7 =	sadd.s32 $0xF0F1, s10;
	v20 =	vmul.f32 s2, v13;
	v22 =	vmul.f32 s2, v15;
	s4 =	sshrl.u32 s15, $0x18  }
0x65: {  	s5 =	simm.s32 $0x3840;
	v21 =	vadd.f32 v21, v17;
	v63 =	vadd.f32 v23, v10;
	s10 =	ssub.s32 s7, s19;
	s15 =	scvt.s32.f32 s4;
	v25 =	vmul.f32 s0, v19  }
0x66: {  	_ =	swait.ge [sflag:s17], $0x5000;
	v20 =	vadd.f32 v20, v7;
	v22 =	vadd.f32 v22, v9;
	s14 =	smul.u32 $0x121, s14;
	s2 =	sshrl.u32 s10, $0x14;
	v24 =	vmul.f32 s0, v8  }
0x67: {  	s8 =	sadd.s32 $0x1, s9;
	[sflag:s17] =	ssyncset.done $0x0;
	v26 =	vmul.f32 s0, v11;
	s13 =	smul.u32 $0x11, s2;
	v62 =	vmul.f32 s15, v2;
	v21 =	vadd.f32 v25, v21  }
0x68: {  	[sflag:s17] =	ssyncadd.s32 $0xFFFFB000;
	s4 =	simm.s32 $0x1C58A;
	s19 =	sadd.s32 $0xE2C5, s16;
	v27 =	vmul.f32 s0, v14;
	v24 =	vadd.f32 v24, v20;
	v25 =	vmul.f32 s15, v4  }
0x69: {  	s2 =	scvt.s32.f32 s2;
	v23 =	vmul.f32 s15, v5;
	s9 =	ssub.s32 s8, s13;
	s13 =	sadd.s32 $0xE2C5, s6;
	v20 =	vadd.f32 v62, v0;
	v22 =	vadd.f32 v26, v22;
	[tilespmem:s5+$0x30] =	vst v21  }
0x6a: {  	s0 =	simm.s32 $0x2A84F;
	s10 =	sshrl.u32 s13, $0x18;
	s14 =	ssub.s32 s9, s14;
	[tilespmem:s5+$0x0] =	vst v24;
	v21 =	vadd.f32 v25, v1;
	v25 =	vadd.f32 v27, v63;
	v24 =	vmul.f32 s15, v12  }
.LBB2_4:
0x6b: {  	p0 =	sne.s32 s0, $0x8CD85B;
	s6 =	smul.u32 $0x1100011, s10;
	s9 =	scvt.s32.f32 s14;
	v26 =	vmul.f32 s2, v13;
	v27 =	vmul.f32 s2, v18;
	[tilespmem:s5+$0x10] =	vst v22;
	v22 =	vadd.f32 v23, v3  }
0x6c: {  	s14 =	sshrl.u32 s19, $0x18;
	v23 =	vmul.f32 s2, v15;
	v28 =	vmul.f32 s2, v16;
	s7 =	sadd.s32 $0xF0F1, s7;
	[tilespmem:s5+$0x20] =	vst v25;
	v24 =	vadd.f32 v24, v6  }
0x6d: {  	s2 =	ssub.s32 s7, s6;
	s6 =	scvt.s32.f32 s14;
	v25 =	vmul.f32 s9, v8;
	v27 =	vadd.f32 v27, v17;
	v29 =	vmul.f32 s9, v19;
	[tilespmem:s5+$0xFFFFFFC0] =	vst v20  }
.Ltmp1:
0x6e: {  	v20 =	vadd.f32 v26, v7;
	v26 =	vmul.f32 s9, v11;
	v30 =	vmul.f32 s9, v14;
	s2 =	sshrl.u32 s2, $0x14;
	[tilespmem:s5+$0xFFFFFFD0] =	vst v21;
	(pc) =	sbr.rel @p0 .LBB2_4-.Ltmp1, $4  }
0x6f: {  	s19 =	sadd.s32 s4, s16;
	s4 =	smov.u32 s0;
	v23 =	vadd.f32 v23, v9;
	s9 =	smul.u32 $0x11, s2;
	v21 =	vmul.f32 s6, v2;
	v27 =	vadd.f32 v29, v27;
	[tilespmem:s5+$0xFFFFFFE0] =	vst v22  }
0x70: {  	s8 =	sadd.s32 $0x1, s8;
	s14 =	smul.u32 $0x121, s10;
	v28 =	vadd.f32 v28, v10;
	v25 =	vadd.f32 v25, v20;
	v29 =	vmul.f32 s6, v4;
	[tilespmem:s5+$0xFFFFFFF0] =	vst v24;
	s5 =	sadd.s32 $0x80, s5  }
0x71: {  	s13 =	sadd.s32 $0xE2C5, s13;
	s2 =	scvt.s32.f32 s2;
	v22 =	vadd.f32 v26, v23;
	v23 =	vmul.f32 s6, v5;
	s9 =	ssub.s32 s8, s9;
	v20 =	vadd.f32 v21, v0;
	[tilespmem:s5+$0x30] =	vst v27  }
0x72: {  	s0 =	sadd.s32 $0xE2C5, s0;
	s10 =	sshrl.u32 s13, $0x18;
	v24 =	vmul.f32 s6, v12;
	v21 =	vadd.f32 v29, v1;
	s14 =	ssub.s32 s9, s14;
	[tilespmem:s5+$0x0] =	vst v25;
	v25 =	vadd.f32 v30, v28  }
0x73: {  	s6 =	scvt.s32.f32 s14;
	v26 =	vmul.f32 s2, v13;
	v27 =	vmul.f32 s2, v18;
	[tilespmem:s5+$0x10] =	vst v22  }
0x74: {  	s0 =	smul.u32 $0x1100011, s10;
	v60 =	vadd.f32 v23, v3;
	v61 =	vmul.f32 s2, v15;
	v28 =	vmul.f32 s2, v16;
	[tilespmem:s5+$0xFFFFFFC0] =	vst v20  }
0x75: {  	s14 =	sadd.s32 $0xF0F1, s7;
	s15 =	sshrl.u32 s19, $0x18;
	[tilespmem:s5+$0x20] =	vst v25;
	v24 =	vadd.f32 v24, v6;
	v62 =	vadd.f32 v27, v17;
	v63 =	vmul.f32 s6, v19  }
0x76: {  	s19 =	scvt.s32.f32 s15;
	[tilespmem:s5+$0xFFFFFFD0] =	vst v21;
	s0 =	ssub.s32 s14, s0;
	v32 =	vmul.f32 s6, v8;
	v26 =	vadd.f32 v26, v7;
	v29 =	vmul.f32 s6, v11  }
0x77: {  	s9 =	smul.u32 $0x121, s10;
	v33 =	vmul.f32 s6, v14;
	v23 =	vadd.f32 v61, v9;
	[tilespmem:s5+$0xFFFFFFE0] =	vst v60;
	s0 =	sshrl.u32 s0, $0x14;
	v25 =	vadd.f32 v63, v62  }
0x78: {  	s10 =	sadd.s32 $0x80, s5;
	v35 =	vadd.f32 v28, v10;
	v34 =	vmul.f32 s19, v2;
	[tilespmem:s5+$0xFFFFFFF0] =	vst v24;
	s7 =	smul.u32 $0x11, s0;
	v20 =	vadd.f32 v32, v26;
	s0 =	scvt.s32.f32 s0  }
0x79: {  	s4 =	sadd.s32 s4, s16;
	v36 =	vmul.f32 s19, v4;
	v37 =	vmul.f32 s19, v5;
	v23 =	vadd.f32 v29, v23;
	[tilespmem:s10+$0x30] =	vst v25  }
0x7a: {  	s14 =	sshrl.u32 s4, $0x18;
	v38 =	vadd.f32 v33, v35;
	[tilespmem:s10+$0x0] =	vst v20;
	v41 =	vmul.f32 s0, v18;
	v42 =	vmul.f32 s0, v13  }
0x7b: {  	v22 =	vadd.f32 v34, v0;
	[tilespmem:s10+$0x10] =	vst v23;
	v44 =	vmul.f32 s0, v15;
	v45 =	vmul.f32 s0, v16;
	s0 =	scvt.s32.f32 s14  }
0x7c: {  	s8 =	sadd.s32 $0x1, s8;
	v40 =	vmul.f32 s19, v12;
	v39 =	vadd.f32 v36, v1;
	[tilespmem:s10+$0x20] =	vst v38  }
0x7d: {  	v43 =	vadd.f32 v37, v3;
	s6 =	ssub.s32 s8, s7;
	[tilespmem:s10+$0xFFFFFFC0] =	vst v22;
	v56 =	vmul.f32 s0, v2  }
0x7e: {  	v48 =	vadd.f32 v40, v6;
	s6 =	ssub.s32 s6, s9;
	[tilespmem:s10+$0xFFFFFFD0] =	vst v39;
	v57 =	vmul.f32 s0, v4  }
0x7f: {  	[tilespmem:s10+$0xFFFFFFE0] =	vst v43;
	s13 =	scvt.s32.f32 s6;
	v60 =	vmul.f32 s0, v5;
	v59 =	vadd.f32 v56, v0  }
0x80: {  	s15 =	sadd.s32 $0x80, s10;
	[tilespmem:s10+$0xFFFFFFF0] =	vst v48;
	v62 =	vmul.f32 s0, v12;
	v61 =	vadd.f32 v57, v1  }
0x81: {  	v46 =	vadd.f32 v41, v17;
	v47 =	vmul.f32 s13, v19;
	v2 =	vadd.f32 v60, v3;
	[tilespmem:s15+$0xFFFFFFC0] =	vst v59  }
0x82: {  	v50 =	vadd.f32 v42, v7;
	v49 =	vmul.f32 s13, v8;
	v63 =	vadd.f32 v62, v6;
	[tilespmem:s15+$0xFFFFFFD0] =	vst v61  }
0x83: {  	v52 =	vadd.f32 v44, v9;
	v51 =	vmul.f32 s13, v11;
	v53 =	vadd.f32 v47, v46;
	[tilespmem:s15+$0xFFFFFFE0] =	vst v2  }
0x84: {  	v55 =	vadd.f32 v45, v10;
	v54 =	vmul.f32 s13, v14;
	v7 =	vadd.f32 v49, v50;
	[tilespmem:s15+$0xFFFFFFF0] =	vst v63  }
0x85: {  	v9 =	vadd.f32 v51, v52;
	[tilespmem:s15+$0x30] =	vst v53  }
0x86: {  	v58 =	vadd.f32 v54, v55;
	[tilespmem:s15+$0x0] =	vst v7  }
0x87: {  	[tilespmem:s15+$0x10] =	vst v9  }
0x88: {  	s19 =	rddreg [dreg:$0xa];
	[tilespmem:s15+$0x20] =	vst v58  }
0x89: {  	[spmem:s19] =	stream.linear.scatter [tilespmem:s20], [sflag:$0x5], $0x5000, $0x38;
	[tilespmem:$0x1D800] =	vst v63  }
0x8a: {  	_ =	swait.ge [sflag:s17], $0x5000  }
0x8b: {  	[sflag:s17] =	ssyncset.done $0x0  }
0x8c: {  	[sflag:s17] =	ssyncadd.s32 $0xFFFFB000  }
0x8d: {  	s4 =	simm.s32 $0x0;
	s19 =	simm.s32 $0x0;
	[bflag:$0x0] =	sbarrier.arrive $0xFFFF  }
.LBB2_6:
0x8e: {  	s0 =	smul.u32 $0x680, s4;
	s2 =	simm.s32 $0x0  }
0x8f: {  	p0 =	seq.s32 s4, $0x0;
	s2 =	smul.u32 $0x68, s2  }
0x90: {  	s6 =	simm.s32 @!p0 $0x3  }
0x91: {  	_ =	swait.ge @!p0 [sflag:s6], $0x8000;
	s5 =	sshra.s32 s0, $0x2;
	s10 =	sshra.s32 s2, $0x2  }
0x92: {  	s13 =	sand.u32 $0x10, s19;
	[sflag:s6] =	ssyncset.done @!p0 $0x0;
	s0 =	sadd.s32 s10, s5  }
0x93: {  	[sflag:s6] =	ssyncadd.s32 @!p0 $0xFFFF8000;
	s0 =	sadd.s32 s13, s0  }
0x94: {  	v0 =	vld [tilespmem:s0+$0x0];
	_ =	sdelay $0x4  }
0x95: {  	v1 =	vand.u32 $0xFFFF, v0  }
0x96: {  	v2 =	vmul.u32 $0xAAAB, v1;
	_ =	sdelay $0x1  }
0x97: {  	v2 =	vshrl.u32 v2, $0x11  }
0x98: {  	v3 =	vmul.u32 $0xAAAB, v2;
	_ =	sdelay $0x1  }
0x99: {  	v3 =	vshrl.u32 v3, $0x11  }
0x9a: {  	v4 =	vmul.u32 $0xAAAB, v3  }
0x9b: {  	v0 =	vshrl.u32 v0, $0x1  }
0x9c: {  	v0 =	vand.u32 $0x5555, v0;
	v4 =	vshrl.u32 v4, $0x11  }
0x9d: {  	v0 =	vsub.s32 v1, v0;
	v5 =	vmul.u32 $0xAAAB, v4  }
0x9e: {  	v6 =	vshrl.u32 v0, $0x2  }
0x9f: {  	v0 =	vand.u32 $0x3333, v0;
	v6 =	vand.u32 $0x3333, v6;
	v5 =	vshrl.u32 v5, $0x11  }
0xa0: {  	v34 =	vmul.u32 $0xFFFFFFFD, v2;
	v0 =	vadd.s32 v0, v6;
	v7 =	vmul.u32 $0xAAAB, v5  }
0xa1: {  	v8 =	vshrl.u32 v0, $0x4  }
0xa2: {  	v1 =	vadd.s32 v1, v34;
	v0 =	vadd.s32 v0, v8;
	v35 =	vshrl.u32 v7, $0x11  }
0xa3: {  	v36 =	vmul.u32 $0xFFFFFFFD, v3;
	v0 =	vand.u32 $0xF0F, v0;
	v37 =	vmul.u32 $0xAAAB, v35  }
0xa4: {  	v10 =	vshra.s32 v1, $0x1;
	v9 =	vshrl.u32 v0, $0x8  }
0xa5: {  	v2 =	vadd.s32 v2, v36;
	v38 =	vmul.u32 $0xFFFFFFFD, v4;
	v8 =	vshrl.u32 v37, $0x11  }
0xa6: {  	v1 =	vadd.s32 v1, v2;
	v2 =	vshra.s32 v2, $0x1;
	v11 =	vmul.u32 $0xAAAB, v8  }
0xa7: {  	v2 =	vadd.s32 v10, v2;
	v3 =	vadd.s32 v3, v38;
	v39 =	vmul.u32 $0xFFFFFFFD, v5  }
0xa8: {  	v1 =	vadd.s32 v3, v1;
	v3 =	vshra.s32 v3, $0x1;
	v40 =	vshrl.u32 v11, $0x11  }
0xa9: {  	v4 =	vadd.s32 v4, v39;
	v41 =	vmul.u32 $0xFFFFFFFD, v35;
	v11 =	vmul.u32 $0xAAAB, v40  }
0xaa: {  	v2 =	vadd.s32 v3, v2;
	v1 =	vadd.s32 v4, v1;
	v3 =	vshra.s32 v4, $0x1  }
0xab: {  	v4 =	vadd.s32 v5, v41;
	v5 =	vmul.u32 $0xFFFFFFFD, v8;
	v42 =	vshrl.u32 v11, $0x11  }
0xac: {  	v2 =	vadd.s32 v3, v2;
	v1 =	vadd.s32 v4, v1;
	v3 =	vmul.u32 $0xAAAB, v42  }
0xad: {  	v4 =	vshra.s32 v4, $0x1;
	v5 =	vadd.s32 v35, v5;
	v43 =	vmul.u32 $0xFFFFFFFD, v40  }
0xae: {  	v2 =	vadd.s32 v4, v2;
	v1 =	vadd.s32 v5, v1;
	v3 =	vshrl.u32 v3, $0x11  }
0xaf: {  	v4 =	vshra.s32 v5, $0x1;
	v5 =	vadd.s32 v8, v43;
	v44 =	vmul.u32 $0xAAAB, v3  }
0xb0: {  	v2 =	vadd.s32 v4, v2;
	v1 =	vadd.s32 v5, v1;
	v4 =	vmul.u32 $0xFFFFFFFD, v42  }
0xb1: {  	v5 =	vshra.s32 v5, $0x1;
	v45 =	vmul.u32 $0xFFFFFFFD, v3;
	v6 =	vshrl.u32 v44, $0x11  }
0xb2: {  	v2 =	vadd.s32 v5, v2;
	v4 =	vadd.s32 v40, v4;
	v5 =	vmul.u32 $0xFFFFFFFD, v6  }
0xb3: {  	v1 =	vadd.s32 v4, v1;
	v4 =	vshra.s32 v4, $0x1;
	v7 =	vadd.s32 v42, v45  }
0xb4: {  	v2 =	vadd.s32 v4, v2;
	v4 =	vshra.s32 v7, $0x1;
	v3 =	vadd.s32 v3, v5  }
0xb5: {  	v1 =	vadd.s32 v7, v1;
	v2 =	vadd.s32 v4, v2;
	v4 =	vshra.s32 v3, $0x1  }
0xb6: {  	v0 =	vadd.s32 v0, v9;
	v1 =	vadd.s32 v6, v1;
	v2 =	vadd.s32 v4, v2  }
0xb7: {  	s14 =	simm.s32 $0x0;
	v0 =	vand.u32 $0x1F, v0;
	v1 =	vadd.s32 v3, v1;
	v3 =	vshll.u32 v2, $0x1  }
0xb8: {  	s0 =	smul.u32 $0x68, s14;
	v0 =	vmul.u32 $0x121, v0;
	v1 =	vsub.s32 v1, v3  }
0xb9: {  	v1 =	vmul.u32 $0x11, v1  }
0xba: {  	s10 =	simm.s32 $0x10;
	s0 =	sshra.s32 s0, $0x2;
	v0 =	vadd.s32 v0, v2  }
0xbb: {  	s7 =	simm.s32 $0x3600;
	s15 =	sand.u32 $0x10, s10;
	s0 =	sadd.s32 s0, s5;
	v0 =	vadd.s32 v1, v0  }
0xbc: {  	s0 =	sadd.s32 s15, s0;
	[tilespmem:s7+$0x0] =	vst v0  }
0xbd: {  	v0 =	vld [tilespmem:s0+$0x0];
	_ =	sdelay $0x4  }
0xbe: {  	v1 =	vand.u32 $0xFFFF, v0  }
0xbf: {  	v2 =	vmul.u32 $0xAAAB, v1;
	_ =	sdelay $0x1  }
0xc0: {  	v2 =	vshrl.u32 v2, $0x11  }
0xc1: {  	v3 =	vmul.u32 $0xAAAB, v2;
	_ =	sdelay $0x1  }
0xc2: {  	v3 =	vshrl.u32 v3, $0x11  }
0xc3: {  	v4 =	vmul.u32 $0xAAAB, v3  }
0xc4: {  	v0 =	vshrl.u32 v0, $0x1  }
0xc5: {  	v0 =	vand.u32 $0x5555, v0;
	v4 =	vshrl.u32 v4, $0x11  }
0xc6: {  	v0 =	vsub.s32 v1, v0;
	v5 =	vmul.u32 $0xAAAB, v4  }
0xc7: {  	v46 =	vshrl.u32 v0, $0x2  }
0xc8: {  	v0 =	vand.u32 $0x3333, v0;
	v6 =	vand.u32 $0x3333, v46;
	v5 =	vshrl.u32 v5, $0x11  }
0xc9: {  	v47 =	vmul.u32 $0xFFFFFFFD, v2;
	v0 =	vadd.s32 v0, v6;
	v48 =	vmul.u32 $0xAAAB, v5  }
0xca: {  	v49 =	vshrl.u32 v0, $0x4  }
0xcb: {  	v1 =	vadd.s32 v1, v47;
	v0 =	vadd.s32 v0, v49;
	v50 =	vshrl.u32 v48, $0x11  }
0xcc: {  	v51 =	vmul.u32 $0xFFFFFFFD, v3;
	v0 =	vand.u32 $0xF0F, v0;
	v52 =	vmul.u32 $0xAAAB, v50  }
0xcd: {  	v54 =	vshra.s32 v1, $0x1;
	v53 =	vshrl.u32 v0, $0x8  }
0xce: {  	v2 =	vadd.s32 v2, v51;
	v55 =	vmul.u32 $0xFFFFFFFD, v4;
	v8 =	vshrl.u32 v52, $0x11  }
0xcf: {  	v1 =	vadd.s32 v1, v2;
	v2 =	vshra.s32 v2, $0x1;
	v56 =	vmul.u32 $0xAAAB, v8  }
0xd0: {  	v2 =	vadd.s32 v54, v2;
	v3 =	vadd.s32 v3, v55;
	v57 =	vmul.u32 $0xFFFFFFFD, v5  }
0xd1: {  	v1 =	vadd.s32 v3, v1;
	v3 =	vshra.s32 v3, $0x1;
	v58 =	vshrl.u32 v56, $0x11  }
0xd2: {  	v4 =	vadd.s32 v4, v57;
	v59 =	vmul.u32 $0xFFFFFFFD, v50;
	v11 =	vmul.u32 $0xAAAB, v58  }
0xd3: {  	v2 =	vadd.s32 v3, v2;
	v1 =	vadd.s32 v4, v1;
	v3 =	vshra.s32 v4, $0x1  }
0xd4: {  	v4 =	vadd.s32 v5, v59;
	v5 =	vmul.u32 $0xFFFFFFFD, v8;
	v60 =	vshrl.u32 v11, $0x11  }
0xd5: {  	v2 =	vadd.s32 v3, v2;
	v1 =	vadd.s32 v4, v1;
	v3 =	vmul.u32 $0xAAAB, v60  }
0xd6: {  	v4 =	vshra.s32 v4, $0x1;
	v5 =	vadd.s32 v50, v5;
	v61 =	vmul.u32 $0xFFFFFFFD, v58  }
0xd7: {  	v2 =	vadd.s32 v4, v2;
	v1 =	vadd.s32 v5, v1;
	v3 =	vshrl.u32 v3, $0x11  }
0xd8: {  	v4 =	vshra.s32 v5, $0x1;
	v5 =	vadd.s32 v8, v61;
	v62 =	vmul.u32 $0xAAAB, v3  }
0xd9: {  	v2 =	vadd.s32 v4, v2;
	v1 =	vadd.s32 v5, v1;
	v4 =	vmul.u32 $0xFFFFFFFD, v60  }
0xda: {  	v5 =	vshra.s32 v5, $0x1;
	v63 =	vmul.u32 $0xFFFFFFFD, v3;
	v6 =	vshrl.u32 v62, $0x11  }
0xdb: {  	v2 =	vadd.s32 v5, v2;
	v4 =	vadd.s32 v58, v4;
	v5 =	vmul.u32 $0xFFFFFFFD, v6  }
0xdc: {  	v1 =	vadd.s32 v4, v1;
	v4 =	vshra.s32 v4, $0x1;
	v7 =	vadd.s32 v60, v63  }
0xdd: {  	v2 =	vadd.s32 v4, v2;
	v4 =	vshra.s32 v7, $0x1;
	v3 =	vadd.s32 v3, v5  }
0xde: {  	v1 =	vadd.s32 v7, v1;
	v2 =	vadd.s32 v4, v2;
	v4 =	vshra.s32 v3, $0x1  }
0xdf: {  	v5 =	vadd.s32 v0, v53;
	v0 =	vadd.s32 v4, v2;
	v2 =	vadd.s32 v6, v1  }
0xe0: {  	s13 =	simm.s32 $0x3;
	s0 =	simm.s32 $0x1;
	v1 =	vand.u32 $0x1F, v5;
	v2 =	vadd.s32 v3, v2;
	v3 =	vshll.u32 v0, $0x1  }
.LBB2_7:
0xe1: {  	p1 =	sne.s32 s13, $0x7;
	s0 =	smul.u32 $0x68, s0;
	v2 =	vsub.s32 v2, v3;
	v1 =	vmul.u32 $0x121, v1  }
0xe2: {  	v2 =	vmul.u32 $0x11, v2  }
0xe3: {  	s10 =	sadd.s32 $0x10, s10;
	s0 =	sshra.s32 s0, $0x2;
	v0 =	vadd.s32 v1, v0  }
0xe4: {  	s7 =	sadd.s32 $0x10, s7;
	s2 =	sand.u32 $0x10, s10;
	s0 =	sadd.s32 s0, s5;
	v0 =	vadd.s32 v2, v0  }
0xe5: {  	s0 =	sadd.s32 s2, s0;
	[tilespmem:s7+$0x0] =	vst v0  }
0xe6: {  	v0 =	vld [tilespmem:s0+$0x0];
	_ =	sdelay $0x4  }
0xe7: {  	v1 =	vand.u32 $0xFFFF, v0  }
0xe8: {  	v2 =	vmul.u32 $0xAAAB, v1;
	_ =	sdelay $0x1  }
0xe9: {  	v2 =	vshrl.u32 v2, $0x11  }
0xea: {  	v3 =	vmul.u32 $0xAAAB, v2;
	_ =	sdelay $0x1  }
0xeb: {  	v3 =	vshrl.u32 v3, $0x11  }
0xec: {  	v4 =	vmul.u32 $0xAAAB, v3  }
0xed: {  	v0 =	vshrl.u32 v0, $0x1  }
0xee: {  	v0 =	vand.u32 $0x5555, v0;
	v4 =	vshrl.u32 v4, $0x11  }
0xef: {  	v0 =	vsub.s32 v1, v0;
	v5 =	vmul.u32 $0xAAAB, v4  }
0xf0: {  	v6 =	vshrl.u32 v0, $0x2  }
0xf1: {  	v0 =	vand.u32 $0x3333, v0;
	v6 =	vand.u32 $0x3333, v6;
	v5 =	vshrl.u32 v5, $0x11  }
0xf2: {  	v0 =	vadd.s32 v0, v6;
	v6 =	vmul.u32 $0xFFFFFFFD, v2;
	v7 =	vmul.u32 $0xAAAB, v5  }
0xf3: {  	v8 =	vshrl.u32 v0, $0x4  }
0xf4: {  	v0 =	vadd.s32 v0, v8;
	v1 =	vadd.s32 v1, v6;
	v6 =	vshrl.u32 v7, $0x11  }
0xf5: {  	v0 =	vand.u32 $0xF0F, v0;
	v7 =	vmul.u32 $0xFFFFFFFD, v3;
	v8 =	vmul.u32 $0xAAAB, v6  }
0xf6: {  	v10 =	vshra.s32 v1, $0x1;
	v9 =	vshrl.u32 v0, $0x8  }
0xf7: {  	v2 =	vadd.s32 v2, v7;
	v7 =	vmul.u32 $0xFFFFFFFD, v4;
	v8 =	vshrl.u32 v8, $0x11  }
0xf8: {  	v1 =	vadd.s32 v1, v2;
	v2 =	vshra.s32 v2, $0x1;
	v11 =	vmul.u32 $0xAAAB, v8  }
0xf9: {  	v2 =	vadd.s32 v10, v2;
	v3 =	vadd.s32 v3, v7;
	v7 =	vmul.u32 $0xFFFFFFFD, v5  }
0xfa: {  	v1 =	vadd.s32 v3, v1;
	v3 =	vshra.s32 v3, $0x1;
	v10 =	vshrl.u32 v11, $0x11  }
0xfb: {  	v4 =	vadd.s32 v4, v7;
	v7 =	vmul.u32 $0xFFFFFFFD, v6;
	v11 =	vmul.u32 $0xAAAB, v10  }
0xfc: {  	v2 =	vadd.s32 v3, v2;
	v1 =	vadd.s32 v4, v1;
	v3 =	vshra.s32 v4, $0x1  }
0xfd: {  	v4 =	vadd.s32 v5, v7;
	v5 =	vmul.u32 $0xFFFFFFFD, v8;
	v7 =	vshrl.u32 v11, $0x11  }
0xfe: {  	v2 =	vadd.s32 v3, v2;
	v1 =	vadd.s32 v4, v1;
	v3 =	vmul.u32 $0xAAAB, v7  }
0xff: {  	v4 =	vshra.s32 v4, $0x1;
	v5 =	vadd.s32 v6, v5;
	v6 =	vmul.u32 $0xFFFFFFFD, v10  }
0x100: {  	v2 =	vadd.s32 v4, v2;
	v1 =	vadd.s32 v5, v1;
	v3 =	vshrl.u32 v3, $0x11  }
0x101: {  	v4 =	vshra.s32 v5, $0x1;
	v5 =	vadd.s32 v8, v6;
	v6 =	vmul.u32 $0xAAAB, v3  }
0x102: {  	v2 =	vadd.s32 v4, v2;
	v4 =	vmul.u32 $0xFFFFFFFD, v7;
	v1 =	vadd.s32 v5, v1  }
0x103: {  	v5 =	vshra.s32 v5, $0x1;
	v8 =	vmul.u32 $0xFFFFFFFD, v3;
	v6 =	vshrl.u32 v6, $0x11  }
0x104: {  	v2 =	vadd.s32 v5, v2;
	v4 =	vadd.s32 v10, v4;
	v5 =	vmul.u32 $0xFFFFFFFD, v6  }
.Ltmp2:
0x105: {  	v1 =	vadd.s32 v4, v1;
	v4 =	vshra.s32 v4, $0x1;
	v7 =	vadd.s32 v7, v8;
	(pc) =	sbr.rel @p1 .LBB2_7-.Ltmp2, $4  }
0x106: {  	v2 =	vadd.s32 v4, v2;
	v4 =	vshra.s32 v7, $0x1;
	v3 =	vadd.s32 v3, v5  }
0x107: {  	v1 =	vadd.s32 v7, v1;
	v2 =	vadd.s32 v4, v2;
	v4 =	vshra.s32 v3, $0x1  }
0x108: {  	v5 =	vadd.s32 v0, v9;
	v0 =	vadd.s32 v4, v2;
	v2 =	vadd.s32 v6, v1  }
0x109: {  	s0 =	sshrl.u32 s13, $0x1;
	s13 =	sadd.s32 $0x1, s13;
	v1 =	vand.u32 $0x1F, v5;
	v2 =	vadd.s32 v3, v2;
	v3 =	vshll.u32 v0, $0x1  }
0x10a: {  	s0 =	smul.u32 $0x68, s0;
	v2 =	vsub.s32 v2, v3;
	v1 =	vmul.u32 $0x121, v1  }
0x10b: {  	v2 =	vmul.u32 $0x11, v2  }
0x10c: {  	s2 =	sadd.s32 $0x10, s10;
	s0 =	sshra.s32 s0, $0x2;
	v0 =	vadd.s32 v1, v0  }
0x10d: {  	s7 =	sadd.s32 $0x10, s7;
	s2 =	sand.u32 $0x10, s2;
	s0 =	sadd.s32 s0, s5;
	v0 =	vadd.s32 v2, v0  }
0x10e: {  	s0 =	sadd.s32 s2, s0;
	[tilespmem:s7+$0x0] =	vst v0  }
0x10f: {  	v0 =	vld [tilespmem:s0+$0x0];
	_ =	sdelay $0x4  }
0x110: {  	v1 =	vand.u32 $0xFFFF, v0  }
0x111: {  	v2 =	vmul.u32 $0xAAAB, v1;
	_ =	sdelay $0x1  }
0x112: {  	v2 =	vshrl.u32 v2, $0x11  }
0x113: {  	v3 =	vmul.u32 $0xAAAB, v2;
	_ =	sdelay $0x1  }
0x114: {  	v3 =	vshrl.u32 v3, $0x11  }
0x115: {  	v4 =	vmul.u32 $0xAAAB, v3  }
0x116: {  	v0 =	vshrl.u32 v0, $0x1  }
0x117: {  	v0 =	vand.u32 $0x5555, v0;
	v4 =	vshrl.u32 v4, $0x11  }
0x118: {  	v0 =	vsub.s32 v1, v0;
	v5 =	vmul.u32 $0xAAAB, v4  }
0x119: {  	v6 =	vshrl.u32 v0, $0x2  }
0x11a: {  	v0 =	vand.u32 $0x3333, v0;
	v6 =	vand.u32 $0x3333, v6;
	v5 =	vshrl.u32 v5, $0x11  }
0x11b: {  	v16 =	vmul.u32 $0xFFFFFFFD, v2;
	v0 =	vadd.s32 v0, v6;
	v7 =	vmul.u32 $0xAAAB, v5  }
0x11c: {  	v8 =	vshrl.u32 v0, $0x4  }
0x11d: {  	v1 =	vadd.s32 v1, v16;
	v0 =	vadd.s32 v0, v8;
	v17 =	vshrl.u32 v7, $0x11  }
0x11e: {  	v18 =	vmul.u32 $0xFFFFFFFD, v3;
	v0 =	vand.u32 $0xF0F, v0;
	v19 =	vmul.u32 $0xAAAB, v17  }
0x11f: {  	v10 =	vshra.s32 v1, $0x1;
	v9 =	vshrl.u32 v0, $0x8  }
0x120: {  	v2 =	vadd.s32 v2, v18;
	v20 =	vmul.u32 $0xFFFFFFFD, v4;
	v8 =	vshrl.u32 v19, $0x11  }
0x121: {  	v1 =	vadd.s32 v1, v2;
	v2 =	vshra.s32 v2, $0x1;
	v11 =	vmul.u32 $0xAAAB, v8  }
0x122: {  	v2 =	vadd.s32 v10, v2;
	v3 =	vadd.s32 v3, v20;
	v21 =	vmul.u32 $0xFFFFFFFD, v5  }
0x123: {  	v1 =	vadd.s32 v3, v1;
	v3 =	vshra.s32 v3, $0x1;
	v22 =	vshrl.u32 v11, $0x11  }
0x124: {  	v4 =	vadd.s32 v4, v21;
	v23 =	vmul.u32 $0xFFFFFFFD, v17;
	v11 =	vmul.u32 $0xAAAB, v22  }
0x125: {  	v2 =	vadd.s32 v3, v2;
	v1 =	vadd.s32 v4, v1;
	v3 =	vshra.s32 v4, $0x1  }
0x126: {  	v4 =	vadd.s32 v5, v23;
	v5 =	vmul.u32 $0xFFFFFFFD, v8;
	v24 =	vshrl.u32 v11, $0x11  }
0x127: {  	v2 =	vadd.s32 v3, v2;
	v1 =	vadd.s32 v4, v1;
	v3 =	vmul.u32 $0xAAAB, v24  }
0x128: {  	v4 =	vshra.s32 v4, $0x1;
	v5 =	vadd.s32 v17, v5;
	v25 =	vmul.u32 $0xFFFFFFFD, v22  }
0x129: {  	v2 =	vadd.s32 v4, v2;
	v1 =	vadd.s32 v5, v1;
	v3 =	vshrl.u32 v3, $0x11  }
0x12a: {  	v4 =	vshra.s32 v5, $0x1;
	v5 =	vadd.s32 v8, v25;
	v26 =	vmul.u32 $0xAAAB, v3  }
0x12b: {  	v2 =	vadd.s32 v4, v2;
	v1 =	vadd.s32 v5, v1;
	v4 =	vmul.u32 $0xFFFFFFFD, v24  }
0x12c: {  	v5 =	vshra.s32 v5, $0x1;
	v27 =	vmul.u32 $0xFFFFFFFD, v3;
	v6 =	vshrl.u32 v26, $0x11  }
0x12d: {  	v2 =	vadd.s32 v5, v2;
	v4 =	vadd.s32 v22, v4;
	v5 =	vmul.u32 $0xFFFFFFFD, v6  }
0x12e: {  	v1 =	vadd.s32 v4, v1;
	v4 =	vshra.s32 v4, $0x1;
	v7 =	vadd.s32 v24, v27  }
0x12f: {  	v2 =	vadd.s32 v4, v2;
	v4 =	vshra.s32 v7, $0x1;
	v3 =	vadd.s32 v3, v5  }
0x130: {  	v1 =	vadd.s32 v7, v1;
	v2 =	vadd.s32 v4, v2;
	v4 =	vshra.s32 v3, $0x1  }
0x131: {  	v0 =	vadd.s32 v0, v9;
	v1 =	vadd.s32 v6, v1;
	v2 =	vadd.s32 v4, v2  }
0x132: {  	s9 =	simm.s32 $0x0;
	v0 =	vand.u32 $0x1F, v0;
	v1 =	vadd.s32 v3, v1;
	v3 =	vshll.u32 v2, $0x1  }
0x133: {  	s10 =	smul.u32 $0x68, s9;
	v0 =	vmul.u32 $0x121, v0;
	v1 =	vsub.s32 v1, v3  }
0x134: {  	v1 =	vmul.u32 $0x11, v1  }
0x135: {  	s13 =	simm.s32 $0x0;
	s0 =	sshra.s32 s10, $0x2;
	v0 =	vadd.s32 v0, v2  }
0x136: {  	s8 =	sadd.s32 $0x10, s7;
	s2 =	sand.u32 $0x10, s13;
	s0 =	sadd.s32 s0, s5;
	v0 =	vadd.s32 v1, v0  }
0x137: {  	s0 =	sadd.s32 s2, s0;
	[tilespmem:s8+$0x0] =	vst v0  }
0x138: {  	[tilespmem:s20], [sflag:$0x1] =	stream.indirect.gather [spmem:s1], $0x80, s22, s21, $0xb8;
	[tilespmem:$0x1D800] =	vst v63  }
0x139: {  	v0 =	vld [tilespmem:s0+$0x68];
	_ =	sdelay $0x4  }
0x13a: {  	v1 =	vand.u32 $0xFFFF, v0  }
0x13b: {  	v2 =	vmul.u32 $0xAAAB, v1;
	_ =	sdelay $0x1  }
0x13c: {  	v2 =	vshrl.u32 v2, $0x11  }
0x13d: {  	v3 =	vmul.u32 $0xAAAB, v2;
	_ =	sdelay $0x1  }
0x13e: {  	v3 =	vshrl.u32 v3, $0x11  }
0x13f: {  	v4 =	vmul.u32 $0xAAAB, v3  }
0x140: {  	v0 =	vshrl.u32 v0, $0x1  }
0x141: {  	v0 =	vand.u32 $0x5555, v0;
	v4 =	vshrl.u32 v4, $0x11  }
0x142: {  	v0 =	vsub.s32 v1, v0;
	v5 =	vmul.u32 $0xAAAB, v4  }
0x143: {  	v28 =	vshrl.u32 v0, $0x2  }
0x144: {  	v0 =	vand.u32 $0x3333, v0;
	v6 =	vand.u32 $0x3333, v28;
	v5 =	vshrl.u32 v5, $0x11  }
0x145: {  	v29 =	vmul.u32 $0xFFFFFFFD, v2;
	v0 =	vadd.s32 v0, v6;
	v30 =	vmul.u32 $0xAAAB, v5  }
0x146: {  	v31 =	vshrl.u32 v0, $0x4  }
0x147: {  	v1 =	vadd.s32 v1, v29;
	v0 =	vadd.s32 v0, v31;
	v32 =	vshrl.u32 v30, $0x11  }
0x148: {  	v33 =	vmul.u32 $0xFFFFFFFD, v3;
	v0 =	vand.u32 $0xF0F, v0;
	v34 =	vmul.u32 $0xAAAB, v32  }
0x149: {  	v36 =	vshra.s32 v1, $0x1;
	v35 =	vshrl.u32 v0, $0x8  }
0x14a: {  	v2 =	vadd.s32 v2, v33;
	v37 =	vmul.u32 $0xFFFFFFFD, v4;
	v8 =	vshrl.u32 v34, $0x11  }
0x14b: {  	v1 =	vadd.s32 v1, v2;
	v2 =	vshra.s32 v2, $0x1;
	v38 =	vmul.u32 $0xAAAB, v8  }
0x14c: {  	v2 =	vadd.s32 v36, v2;
	v3 =	vadd.s32 v3, v37;
	v39 =	vmul.u32 $0xFFFFFFFD, v5  }
0x14d: {  	v1 =	vadd.s32 v3, v1;
	v3 =	vshra.s32 v3, $0x1;
	v40 =	vshrl.u32 v38, $0x11  }
0x14e: {  	v4 =	vadd.s32 v4, v39;
	v41 =	vmul.u32 $0xFFFFFFFD, v32;
	v11 =	vmul.u32 $0xAAAB, v40  }
0x14f: {  	v2 =	vadd.s32 v3, v2;
	v1 =	vadd.s32 v4, v1;
	v3 =	vshra.s32 v4, $0x1  }
0x150: {  	v4 =	vadd.s32 v5, v41;
	v5 =	vmul.u32 $0xFFFFFFFD, v8;
	v42 =	vshrl.u32 v11, $0x11  }
0x151: {  	v2 =	vadd.s32 v3, v2;
	v1 =	vadd.s32 v4, v1;
	v3 =	vmul.u32 $0xAAAB, v42  }
0x152: {  	v4 =	vshra.s32 v4, $0x1;
	v5 =	vadd.s32 v32, v5;
	v43 =	vmul.u32 $0xFFFFFFFD, v40  }
0x153: {  	v2 =	vadd.s32 v4, v2;
	v1 =	vadd.s32 v5, v1;
	v3 =	vshrl.u32 v3, $0x11  }
0x154: {  	v4 =	vshra.s32 v5, $0x1;
	v5 =	vadd.s32 v8, v43;
	v44 =	vmul.u32 $0xAAAB, v3  }
0x155: {  	v2 =	vadd.s32 v4, v2;
	v1 =	vadd.s32 v5, v1;
	v4 =	vmul.u32 $0xFFFFFFFD, v42  }
0x156: {  	v5 =	vshra.s32 v5, $0x1;
	v45 =	vmul.u32 $0xFFFFFFFD, v3;
	v6 =	vshrl.u32 v44, $0x11  }
0x157: {  	v2 =	vadd.s32 v5, v2;
	v4 =	vadd.s32 v40, v4;
	v5 =	vmul.u32 $0xFFFFFFFD, v6  }
0x158: {  	v1 =	vadd.s32 v4, v1;
	v4 =	vshra.s32 v4, $0x1;
	v7 =	vadd.s32 v42, v45  }
0x159: {  	v2 =	vadd.s32 v4, v2;
	v4 =	vshra.s32 v7, $0x1;
	v3 =	vadd.s32 v3, v5  }
0x15a: {  	v1 =	vadd.s32 v7, v1;
	v2 =	vadd.s32 v4, v2;
	v4 =	vshra.s32 v3, $0x1  }
0x15b: {  	v0 =	vadd.s32 v0, v35;
	v1 =	vadd.s32 v6, v1;
	v2 =	vadd.s32 v4, v2  }
0x15c: {  	s14 =	simm.s32 $0x0;
	v0 =	vand.u32 $0x1F, v0;
	v1 =	vadd.s32 v3, v1;
	v3 =	vshll.u32 v2, $0x1  }
0x15d: {  	s0 =	smul.u32 $0x68, s14;
	v0 =	vmul.u32 $0x121, v0;
	v1 =	vsub.s32 v1, v3  }
0x15e: {  	v1 =	vmul.u32 $0x11, v1  }
0x15f: {  	s10 =	simm.s32 $0x10;
	s0 =	sshra.s32 s0, $0x2;
	v0 =	vadd.s32 v0, v2  }
0x160: {  	s7 =	simm.s32 $0x3680;
	s15 =	sand.u32 $0x10, s10;
	s0 =	sadd.s32 s0, s5;
	v0 =	vadd.s32 v1, v0  }
0x161: {  	s0 =	sadd.s32 s15, s0;
	[tilespmem:s7+$0x0] =	vst v0  }
0x162: {  	v0 =	vld [tilespmem:s0+$0x68];
	_ =	sdelay $0x4  }
0x163: {  	v1 =	vand.u32 $0xFFFF, v0  }
0x164: {  	v2 =	vmul.u32 $0xAAAB, v1;
	_ =	sdelay $0x1  }
0x165: {  	v2 =	vshrl.u32 v2, $0x11  }
0x166: {  	v3 =	vmul.u32 $0xAAAB, v2;
	_ =	sdelay $0x1  }
0x167: {  	v3 =	vshrl.u32 v3, $0x11  }
0x168: {  	v4 =	vmul.u32 $0xAAAB, v3  }
0x169: {  	v0 =	vshrl.u32 v0, $0x1  }
0x16a: {  	v0 =	vand.u32 $0x5555, v0;
	v4 =	vshrl.u32 v4, $0x11  }
0x16b: {  	v0 =	vsub.s32 v1, v0;
	v5 =	vmul.u32 $0xAAAB, v4  }
0x16c: {  	v46 =	vshrl.u32 v0, $0x2  }
0x16d: {  	v0 =	vand.u32 $0x3333, v0;
	v6 =	vand.u32 $0x3333, v46;
	v5 =	vshrl.u32 v5, $0x11  }
0x16e: {  	v47 =	vmul.u32 $0xFFFFFFFD, v2;
	v0 =	vadd.s32 v0, v6;
	v48 =	vmul.u32 $0xAAAB, v5  }
0x16f: {  	v49 =	vshrl.u32 v0, $0x4  }
0x170: {  	v1 =	vadd.s32 v1, v47;
	v0 =	vadd.s32 v0, v49;
	v50 =	vshrl.u32 v48, $0x11  }
0x171: {  	v51 =	vmul.u32 $0xFFFFFFFD, v3;
	v0 =	vand.u32 $0xF0F, v0;
	v52 =	vmul.u32 $0xAAAB, v50  }
0x172: {  	v54 =	vshra.s32 v1, $0x1;
	v53 =	vshrl.u32 v0, $0x8  }
0x173: {  	v2 =	vadd.s32 v2, v51;
	v55 =	vmul.u32 $0xFFFFFFFD, v4;
	v8 =	vshrl.u32 v52, $0x11  }
0x174: {  	v1 =	vadd.s32 v1, v2;
	v2 =	vshra.s32 v2, $0x1;
	v56 =	vmul.u32 $0xAAAB, v8  }
0x175: {  	v2 =	vadd.s32 v54, v2;
	v3 =	vadd.s32 v3, v55;
	v57 =	vmul.u32 $0xFFFFFFFD, v5  }
0x176: {  	v1 =	vadd.s32 v3, v1;
	v3 =	vshra.s32 v3, $0x1;
	v58 =	vshrl.u32 v56, $0x11  }
0x177: {  	v4 =	vadd.s32 v4, v57;
	v59 =	vmul.u32 $0xFFFFFFFD, v50;
	v11 =	vmul.u32 $0xAAAB, v58  }
0x178: {  	v2 =	vadd.s32 v3, v2;
	v1 =	vadd.s32 v4, v1;
	v3 =	vshra.s32 v4, $0x1  }
0x179: {  	v4 =	vadd.s32 v5, v59;
	v5 =	vmul.u32 $0xFFFFFFFD, v8;
	v60 =	vshrl.u32 v11, $0x11  }
0x17a: {  	v2 =	vadd.s32 v3, v2;
	v1 =	vadd.s32 v4, v1;
	v3 =	vmul.u32 $0xAAAB, v60  }
0x17b: {  	v4 =	vshra.s32 v4, $0x1;
	v5 =	vadd.s32 v50, v5;
	v61 =	vmul.u32 $0xFFFFFFFD, v58  }
0x17c: {  	v2 =	vadd.s32 v4, v2;
	v1 =	vadd.s32 v5, v1;
	v3 =	vshrl.u32 v3, $0x11  }
0x17d: {  	v4 =	vshra.s32 v5, $0x1;
	v5 =	vadd.s32 v8, v61;
	v62 =	vmul.u32 $0xAAAB, v3  }
0x17e: {  	v2 =	vadd.s32 v4, v2;
	v1 =	vadd.s32 v5, v1;
	v4 =	vmul.u32 $0xFFFFFFFD, v60  }
0x17f: {  	v5 =	vshra.s32 v5, $0x1;
	v63 =	vmul.u32 $0xFFFFFFFD, v3;
	v6 =	vshrl.u32 v62, $0x11  }
0x180: {  	v2 =	vadd.s32 v5, v2;
	v4 =	vadd.s32 v58, v4;
	v5 =	vmul.u32 $0xFFFFFFFD, v6  }
0x181: {  	v1 =	vadd.s32 v4, v1;
	v4 =	vshra.s32 v4, $0x1;
	v7 =	vadd.s32 v60, v63  }
0x182: {  	v2 =	vadd.s32 v4, v2;
	v4 =	vshra.s32 v7, $0x1;
	v3 =	vadd.s32 v3, v5  }
0x183: {  	v1 =	vadd.s32 v7, v1;
	v2 =	vadd.s32 v4, v2;
	v4 =	vshra.s32 v3, $0x1  }
0x184: {  	v5 =	vadd.s32 v0, v53;
	v0 =	vadd.s32 v4, v2;
	v2 =	vadd.s32 v6, v1  }
0x185: {  	s13 =	simm.s32 $0x3;
	s0 =	simm.s32 $0x1;
	v1 =	vand.u32 $0x1F, v5;
	v2 =	vadd.s32 v3, v2;
	v3 =	vshll.u32 v0, $0x1  }
.LBB2_9:
0x186: {  	p1 =	sne.s32 s13, $0x7;
	s0 =	smul.u32 $0x68, s0;
	v2 =	vsub.s32 v2, v3;
	v1 =	vmul.u32 $0x121, v1  }
0x187: {  	v2 =	vmul.u32 $0x11, v2  }
0x188: {  	s10 =	sadd.s32 $0x10, s10;
	s0 =	sshra.s32 s0, $0x2;
	v0 =	vadd.s32 v1, v0  }
0x189: {  	s7 =	sadd.s32 $0x10, s7;
	s2 =	sand.u32 $0x10, s10;
	s0 =	sadd.s32 s0, s5;
	v0 =	vadd.s32 v2, v0  }
0x18a: {  	s0 =	sadd.s32 s2, s0;
	[tilespmem:s7+$0x0] =	vst v0  }
0x18b: {  	v0 =	vld [tilespmem:s0+$0x68];
	_ =	sdelay $0x4  }
0x18c: {  	v1 =	vand.u32 $0xFFFF, v0  }
0x18d: {  	v2 =	vmul.u32 $0xAAAB, v1;
	_ =	sdelay $0x1  }
0x18e: {  	v2 =	vshrl.u32 v2, $0x11  }
0x18f: {  	v3 =	vmul.u32 $0xAAAB, v2;
	_ =	sdelay $0x1  }
0x190: {  	v3 =	vshrl.u32 v3, $0x11  }
0x191: {  	v4 =	vmul.u32 $0xAAAB, v3  }
0x192: {  	v0 =	vshrl.u32 v0, $0x1  }
0x193: {  	v0 =	vand.u32 $0x5555, v0;
	v4 =	vshrl.u32 v4, $0x11  }
0x194: {  	v0 =	vsub.s32 v1, v0;
	v5 =	vmul.u32 $0xAAAB, v4  }
0x195: {  	v6 =	vshrl.u32 v0, $0x2  }
0x196: {  	v0 =	vand.u32 $0x3333, v0;
	v6 =	vand.u32 $0x3333, v6;
	v5 =	vshrl.u32 v5, $0x11  }
0x197: {  	v0 =	vadd.s32 v0, v6;
	v6 =	vmul.u32 $0xFFFFFFFD, v2;
	v7 =	vmul.u32 $0xAAAB, v5  }
0x198: {  	v8 =	vshrl.u32 v0, $0x4  }
0x199: {  	v0 =	vadd.s32 v0, v8;
	v1 =	vadd.s32 v1, v6;
	v6 =	vshrl.u32 v7, $0x11  }
0x19a: {  	v0 =	vand.u32 $0xF0F, v0;
	v7 =	vmul.u32 $0xFFFFFFFD, v3;
	v8 =	vmul.u32 $0xAAAB, v6  }
0x19b: {  	v10 =	vshra.s32 v1, $0x1;
	v9 =	vshrl.u32 v0, $0x8  }
0x19c: {  	v2 =	vadd.s32 v2, v7;
	v7 =	vmul.u32 $0xFFFFFFFD, v4;
	v8 =	vshrl.u32 v8, $0x11  }
0x19d: {  	v1 =	vadd.s32 v1, v2;
	v2 =	vshra.s32 v2, $0x1;
	v11 =	vmul.u32 $0xAAAB, v8  }
0x19e: {  	v2 =	vadd.s32 v10, v2;
	v3 =	vadd.s32 v3, v7;
	v7 =	vmul.u32 $0xFFFFFFFD, v5  }
0x19f: {  	v1 =	vadd.s32 v3, v1;
	v3 =	vshra.s32 v3, $0x1;
	v10 =	vshrl.u32 v11, $0x11  }
0x1a0: {  	v4 =	vadd.s32 v4, v7;
	v7 =	vmul.u32 $0xFFFFFFFD, v6;
	v11 =	vmul.u32 $0xAAAB, v10  }
0x1a1: {  	v2 =	vadd.s32 v3, v2;
	v1 =	vadd.s32 v4, v1;
	v3 =	vshra.s32 v4, $0x1  }
0x1a2: {  	v4 =	vadd.s32 v5, v7;
	v5 =	vmul.u32 $0xFFFFFFFD, v8;
	v7 =	vshrl.u32 v11, $0x11  }
0x1a3: {  	v2 =	vadd.s32 v3, v2;
	v1 =	vadd.s32 v4, v1;
	v3 =	vmul.u32 $0xAAAB, v7  }
0x1a4: {  	v4 =	vshra.s32 v4, $0x1;
	v5 =	vadd.s32 v6, v5;
	v6 =	vmul.u32 $0xFFFFFFFD, v10  }
0x1a5: {  	v2 =	vadd.s32 v4, v2;
	v1 =	vadd.s32 v5, v1;
	v3 =	vshrl.u32 v3, $0x11  }
0x1a6: {  	v4 =	vshra.s32 v5, $0x1;
	v5 =	vadd.s32 v8, v6;
	v6 =	vmul.u32 $0xAAAB, v3  }
0x1a7: {  	v2 =	vadd.s32 v4, v2;
	v4 =	vmul.u32 $0xFFFFFFFD, v7;
	v1 =	vadd.s32 v5, v1  }
0x1a8: {  	v5 =	vshra.s32 v5, $0x1;
	v8 =	vmul.u32 $0xFFFFFFFD, v3;
	v6 =	vshrl.u32 v6, $0x11  }
0x1a9: {  	v2 =	vadd.s32 v5, v2;
	v4 =	vadd.s32 v10, v4;
	v5 =	vmul.u32 $0xFFFFFFFD, v6  }
.Ltmp3:
0x1aa: {  	v1 =	vadd.s32 v4, v1;
	v4 =	vshra.s32 v4, $0x1;
	v7 =	vadd.s32 v7, v8;
	(pc) =	sbr.rel @p1 .LBB2_9-.Ltmp3, $4  }
0x1ab: {  	v2 =	vadd.s32 v4, v2;
	v4 =	vshra.s32 v7, $0x1;
	v3 =	vadd.s32 v3, v5  }
0x1ac: {  	v1 =	vadd.s32 v7, v1;
	v2 =	vadd.s32 v4, v2;
	v4 =	vshra.s32 v3, $0x1  }
0x1ad: {  	v5 =	vadd.s32 v0, v9;
	v0 =	vadd.s32 v4, v2;
	v2 =	vadd.s32 v6, v1  }
0x1ae: {  	s0 =	sshrl.u32 s13, $0x1;
	s13 =	sadd.s32 $0x1, s13;
	v1 =	vand.u32 $0x1F, v5;
	v2 =	vadd.s32 v3, v2;
	v3 =	vshll.u32 v0, $0x1  }
0x1af: {  	s0 =	smul.u32 $0x68, s0;
	v2 =	vsub.s32 v2, v3;
	v1 =	vmul.u32 $0x121, v1  }
0x1b0: {  	v2 =	vmul.u32 $0x11, v2  }
0x1b1: {  	s2 =	sadd.s32 $0x10, s10;
	s0 =	sshra.s32 s0, $0x2;
	v0 =	vadd.s32 v1, v0  }
0x1b2: {  	s6 =	sadd.s32 $0x10, s7;
	s2 =	sand.u32 $0x10, s2;
	s0 =	sadd.s32 s0, s5;
	v0 =	vadd.s32 v2, v0  }
0x1b3: {  	s0 =	sadd.s32 s2, s0;
	[tilespmem:s6+$0x0] =	vst v0  }
0x1b4: {  	v0 =	vld [tilespmem:s0+$0x68];
	_ =	sdelay $0x4  }
0x1b5: {  	v1 =	vand.u32 $0xFFFF, v0  }
0x1b6: {  	v2 =	vmul.u32 $0xAAAB, v1;
	_ =	sdelay $0x1  }
0x1b7: {  	v2 =	vshrl.u32 v2, $0x11  }
0x1b8: {  	v3 =	vmul.u32 $0xAAAB, v2;
	_ =	sdelay $0x1  }
0x1b9: {  	v3 =	vshrl.u32 v3, $0x11  }
0x1ba: {  	v4 =	vmul.u32 $0xAAAB, v3  }
0x1bb: {  	v0 =	vshrl.u32 v0, $0x1  }
0x1bc: {  	v0 =	vand.u32 $0x5555, v0;
	v4 =	vshrl.u32 v4, $0x11  }
0x1bd: {  	v0 =	vsub.s32 v1, v0;
	v5 =	vmul.u32 $0xAAAB, v4  }
0x1be: {  	v6 =	vshrl.u32 v0, $0x2  }
0x1bf: {  	v0 =	vand.u32 $0x3333, v0;
	v6 =	vand.u32 $0x3333, v6;
	v5 =	vshrl.u32 v5, $0x11  }
0x1c0: {  	v16 =	vmul.u32 $0xFFFFFFFD, v2;
	v0 =	vadd.s32 v0, v6;
	v7 =	vmul.u32 $0xAAAB, v5  }
0x1c1: {  	v8 =	vshrl.u32 v0, $0x4  }
0x1c2: {  	v1 =	vadd.s32 v1, v16;
	v0 =	vadd.s32 v0, v8;
	v17 =	vshrl.u32 v7, $0x11  }
0x1c3: {  	v18 =	vmul.u32 $0xFFFFFFFD, v3;
	v0 =	vand.u32 $0xF0F, v0;
	v19 =	vmul.u32 $0xAAAB, v17  }
0x1c4: {  	v10 =	vshra.s32 v1, $0x1;
	v9 =	vshrl.u32 v0, $0x8  }
0x1c5: {  	v2 =	vadd.s32 v2, v18;
	v20 =	vmul.u32 $0xFFFFFFFD, v4;
	v8 =	vshrl.u32 v19, $0x11  }
0x1c6: {  	v1 =	vadd.s32 v1, v2;
	v2 =	vshra.s32 v2, $0x1;
	v11 =	vmul.u32 $0xAAAB, v8  }
0x1c7: {  	v2 =	vadd.s32 v10, v2;
	v3 =	vadd.s32 v3, v20;
	v21 =	vmul.u32 $0xFFFFFFFD, v5  }
0x1c8: {  	v1 =	vadd.s32 v3, v1;
	v3 =	vshra.s32 v3, $0x1;
	v22 =	vshrl.u32 v11, $0x11  }
0x1c9: {  	v4 =	vadd.s32 v4, v21;
	v23 =	vmul.u32 $0xFFFFFFFD, v17;
	v11 =	vmul.u32 $0xAAAB, v22  }
0x1ca: {  	v2 =	vadd.s32 v3, v2;
	v1 =	vadd.s32 v4, v1;
	v3 =	vshra.s32 v4, $0x1  }
0x1cb: {  	v4 =	vadd.s32 v5, v23;
	v5 =	vmul.u32 $0xFFFFFFFD, v8;
	v24 =	vshrl.u32 v11, $0x11  }
0x1cc: {  	v2 =	vadd.s32 v3, v2;
	v1 =	vadd.s32 v4, v1;
	v3 =	vmul.u32 $0xAAAB, v24  }
0x1cd: {  	v4 =	vshra.s32 v4, $0x1;
	v5 =	vadd.s32 v17, v5;
	v25 =	vmul.u32 $0xFFFFFFFD, v22  }
0x1ce: {  	v2 =	vadd.s32 v4, v2;
	v1 =	vadd.s32 v5, v1;
	v3 =	vshrl.u32 v3, $0x11  }
0x1cf: {  	v4 =	vshra.s32 v5, $0x1;
	v5 =	vadd.s32 v8, v25;
	v26 =	vmul.u32 $0xAAAB, v3  }
0x1d0: {  	v2 =	vadd.s32 v4, v2;
	v1 =	vadd.s32 v5, v1;
	v4 =	vmul.u32 $0xFFFFFFFD, v24  }
0x1d1: {  	v5 =	vshra.s32 v5, $0x1;
	v27 =	vmul.u32 $0xFFFFFFFD, v3;
	v6 =	vshrl.u32 v26, $0x11  }
0x1d2: {  	v2 =	vadd.s32 v5, v2;
	v4 =	vadd.s32 v22, v4;
	v5 =	vmul.u32 $0xFFFFFFFD, v6  }
0x1d3: {  	v1 =	vadd.s32 v4, v1;
	v4 =	vshra.s32 v4, $0x1;
	v7 =	vadd.s32 v24, v27  }
0x1d4: {  	v2 =	vadd.s32 v4, v2;
	v4 =	vshra.s32 v7, $0x1;
	v3 =	vadd.s32 v3, v5  }
0x1d5: {  	v1 =	vadd.s32 v7, v1;
	v2 =	vadd.s32 v4, v2;
	v4 =	vshra.s32 v3, $0x1  }
0x1d6: {  	v0 =	vadd.s32 v0, v9;
	v1 =	vadd.s32 v6, v1;
	v2 =	vadd.s32 v4, v2  }
0x1d7: {  	v0 =	vand.u32 $0x1F, v0;
	v1 =	vadd.s32 v3, v1;
	v3 =	vshll.u32 v2, $0x1  }
0x1d8: {  	v0 =	vmul.u32 $0x121, v0;
	v1 =	vsub.s32 v1, v3  }
0x1d9: {  	v1 =	vmul.u32 $0x11, v1  }
0x1da: {  	v0 =	vadd.s32 v0, v2  }
0x1db: {  	s7 =	sadd.s32 $0x10, s6;
	v0 =	vadd.s32 v1, v0  }
0x1dc: {  	[tilespmem:s7+$0x0] =	vst v0  }
0x1dd: {  	[tilespmem:s24], [sflag:$0x1] =	stream.indirect.gather [spmem:s1], $0x80, s23, s21, $0xb8;
	[tilespmem:$0x1D800] =	vst v63  }
0x1de: {  	_ =	swait.ge [sflag:s25], $0x4000  }
0x1df: {  	[sflag:s25] =	ssyncset.done $0x0  }
0x1e0: {  	s8 =	sshll.u32 s4, $0xD;
	s10 =	simm.s32 $0x0;
	[sflag:s25] =	ssyncadd.s32 $0xFFFFC000  }
0x1e1: {  	s13 =	simm.s32 $0x0;
	s5 =	sshllo.u32 s4, $0x1;
	_ =	swait.ge [sflag:s25], $0x4000  }
0x1e2: {  	s9 =	smul.u32 $0x340, s5;
	s6 =	simm.s32 @!p0 $0x4;
	[sflag:s25] =	ssyncset.done $0x0  }
0x1e3: {  	s2 =	smul.u32 $0x68, s10;
	s0 =	sadd.s32 s8, s11;
	[sflag:s25] =	ssyncadd.s32 $0xFFFFC000  }
0x1e4: {  	[hbm4b:s0+s3] =	stream.linear.scatter [tilespmem:s20], [sflag:$0x3], $0x8000, $0x38;
	[tilespmem:$0x1D800] =	vst v63  }
0x1e5: {  	s2 =	sshra.s32 s2, $0x2;
	s7 =	sshra.s32 s9, $0x2;
	_ =	swait.ge @!p0 [sflag:s6], $0x8000  }
0x1e6: {  	s2 =	sadd.s32 s2, s7;
	s0 =	sand.u32 $0x10, s13;
	[sflag:s6] =	ssyncset.done @!p0 $0x0  }
0x1e7: {  	s0 =	sadd.s32 s0, s2;
	[sflag:s6] =	ssyncadd.s32 @!p0 $0xFFFF8000  }
0x1e8: {  	v0 =	vld [tilespmem:s0+$0x0];
	_ =	sdelay $0x4  }
0x1e9: {  	v1 =	vand.u32 $0xFFFF, v0  }
0x1ea: {  	v2 =	vmul.u32 $0xAAAB, v1;
	_ =	sdelay $0x1  }
0x1eb: {  	v2 =	vshrl.u32 v2, $0x11  }
0x1ec: {  	v3 =	vmul.u32 $0xAAAB, v2;
	_ =	sdelay $0x1  }
0x1ed: {  	v3 =	vshrl.u32 v3, $0x11  }
0x1ee: {  	v4 =	vmul.u32 $0xAAAB, v3  }
0x1ef: {  	v0 =	vshrl.u32 v0, $0x1  }
0x1f0: {  	v0 =	vand.u32 $0x5555, v0;
	v4 =	vshrl.u32 v4, $0x11  }
0x1f1: {  	v0 =	vsub.s32 v1, v0;
	v5 =	vmul.u32 $0xAAAB, v4  }
0x1f2: {  	v28 =	vshrl.u32 v0, $0x2  }
0x1f3: {  	v0 =	vand.u32 $0x3333, v0;
	v6 =	vand.u32 $0x3333, v28;
	v5 =	vshrl.u32 v5, $0x11  }
0x1f4: {  	v29 =	vmul.u32 $0xFFFFFFFD, v2;
	v0 =	vadd.s32 v0, v6;
	v30 =	vmul.u32 $0xAAAB, v5  }
0x1f5: {  	v31 =	vshrl.u32 v0, $0x4  }
0x1f6: {  	v1 =	vadd.s32 v1, v29;
	v0 =	vadd.s32 v0, v31;
	v32 =	vshrl.u32 v30, $0x11  }
0x1f7: {  	v33 =	vmul.u32 $0xFFFFFFFD, v3;
	v0 =	vand.u32 $0xF0F, v0;
	v34 =	vmul.u32 $0xAAAB, v32  }
0x1f8: {  	v36 =	vshra.s32 v1, $0x1;
	v35 =	vshrl.u32 v0, $0x8  }
0x1f9: {  	v2 =	vadd.s32 v2, v33;
	v37 =	vmul.u32 $0xFFFFFFFD, v4;
	v8 =	vshrl.u32 v34, $0x11  }
0x1fa: {  	v1 =	vadd.s32 v1, v2;
	v2 =	vshra.s32 v2, $0x1;
	v38 =	vmul.u32 $0xAAAB, v8  }
0x1fb: {  	v2 =	vadd.s32 v36, v2;
	v3 =	vadd.s32 v3, v37;
	v39 =	vmul.u32 $0xFFFFFFFD, v5  }
0x1fc: {  	v1 =	vadd.s32 v3, v1;
	v3 =	vshra.s32 v3, $0x1;
	v40 =	vshrl.u32 v38, $0x11  }
0x1fd: {  	v4 =	vadd.s32 v4, v39;
	v41 =	vmul.u32 $0xFFFFFFFD, v32;
	v11 =	vmul.u32 $0xAAAB, v40  }
0x1fe: {  	v2 =	vadd.s32 v3, v2;
	v1 =	vadd.s32 v4, v1;
	v3 =	vshra.s32 v4, $0x1  }
0x1ff: {  	v4 =	vadd.s32 v5, v41;
	v5 =	vmul.u32 $0xFFFFFFFD, v8;
	v42 =	vshrl.u32 v11, $0x11  }
0x200: {  	v2 =	vadd.s32 v3, v2;
	v1 =	vadd.s32 v4, v1;
	v3 =	vmul.u32 $0xAAAB, v42  }
0x201: {  	v4 =	vshra.s32 v4, $0x1;
	v5 =	vadd.s32 v32, v5;
	v43 =	vmul.u32 $0xFFFFFFFD, v40  }
0x202: {  	v2 =	vadd.s32 v4, v2;
	v1 =	vadd.s32 v5, v1;
	v3 =	vshrl.u32 v3, $0x11  }
0x203: {  	v4 =	vshra.s32 v5, $0x1;
	v5 =	vadd.s32 v8, v43;
	v44 =	vmul.u32 $0xAAAB, v3  }
0x204: {  	v2 =	vadd.s32 v4, v2;
	v1 =	vadd.s32 v5, v1;
	v4 =	vmul.u32 $0xFFFFFFFD, v42  }
0x205: {  	v5 =	vshra.s32 v5, $0x1;
	v45 =	vmul.u32 $0xFFFFFFFD, v3;
	v6 =	vshrl.u32 v44, $0x11  }
0x206: {  	v2 =	vadd.s32 v5, v2;
	v4 =	vadd.s32 v40, v4;
	v5 =	vmul.u32 $0xFFFFFFFD, v6  }
0x207: {  	v1 =	vadd.s32 v4, v1;
	v4 =	vshra.s32 v4, $0x1;
	v7 =	vadd.s32 v42, v45  }
0x208: {  	v2 =	vadd.s32 v4, v2;
	v4 =	vshra.s32 v7, $0x1;
	v3 =	vadd.s32 v3, v5  }
0x209: {  	v1 =	vadd.s32 v7, v1;
	v2 =	vadd.s32 v4, v2;
	v4 =	vshra.s32 v3, $0x1  }
0x20a: {  	v0 =	vadd.s32 v0, v35;
	v1 =	vadd.s32 v6, v1;
	v2 =	vadd.s32 v4, v2  }
0x20b: {  	s14 =	simm.s32 $0x0;
	v0 =	vand.u32 $0x1F, v0;
	v1 =	vadd.s32 v3, v1;
	v3 =	vshll.u32 v2, $0x1  }
0x20c: {  	s0 =	smul.u32 $0x68, s14;
	v0 =	vmul.u32 $0x121, v0;
	v1 =	vsub.s32 v1, v3  }
0x20d: {  	v1 =	vmul.u32 $0x11, v1  }
0x20e: {  	s13 =	simm.s32 $0x10;
	s0 =	sshra.s32 s0, $0x2;
	v0 =	vadd.s32 v0, v2  }
0x20f: {  	s10 =	simm.s32 $0x3700;
	s15 =	sand.u32 $0x10, s13;
	s0 =	sadd.s32 s0, s7;
	v0 =	vadd.s32 v1, v0  }
0x210: {  	s0 =	sadd.s32 s15, s0;
	[tilespmem:s10+$0x0] =	vst v0  }
0x211: {  	v0 =	vld [tilespmem:s0+$0x0];
	_ =	sdelay $0x4  }
0x212: {  	v1 =	vand.u32 $0xFFFF, v0  }
0x213: {  	v2 =	vmul.u32 $0xAAAB, v1;
	_ =	sdelay $0x1  }
0x214: {  	v2 =	vshrl.u32 v2, $0x11  }
0x215: {  	v3 =	vmul.u32 $0xAAAB, v2;
	_ =	sdelay $0x1  }
0x216: {  	v3 =	vshrl.u32 v3, $0x11  }
0x217: {  	v4 =	vmul.u32 $0xAAAB, v3  }
0x218: {  	v0 =	vshrl.u32 v0, $0x1  }
0x219: {  	v0 =	vand.u32 $0x5555, v0;
	v4 =	vshrl.u32 v4, $0x11  }
0x21a: {  	v0 =	vsub.s32 v1, v0;
	v5 =	vmul.u32 $0xAAAB, v4  }
0x21b: {  	v46 =	vshrl.u32 v0, $0x2  }
0x21c: {  	v0 =	vand.u32 $0x3333, v0;
	v6 =	vand.u32 $0x3333, v46;
	v5 =	vshrl.u32 v5, $0x11  }
0x21d: {  	v47 =	vmul.u32 $0xFFFFFFFD, v2;
	v0 =	vadd.s32 v0, v6;
	v48 =	vmul.u32 $0xAAAB, v5  }
0x21e: {  	v49 =	vshrl.u32 v0, $0x4  }
0x21f: {  	v1 =	vadd.s32 v1, v47;
	v0 =	vadd.s32 v0, v49;
	v50 =	vshrl.u32 v48, $0x11  }
0x220: {  	v51 =	vmul.u32 $0xFFFFFFFD, v3;
	v0 =	vand.u32 $0xF0F, v0;
	v52 =	vmul.u32 $0xAAAB, v50  }
0x221: {  	v54 =	vshra.s32 v1, $0x1;
	v53 =	vshrl.u32 v0, $0x8  }
0x222: {  	v2 =	vadd.s32 v2, v51;
	v55 =	vmul.u32 $0xFFFFFFFD, v4;
	v8 =	vshrl.u32 v52, $0x11  }
0x223: {  	v1 =	vadd.s32 v1, v2;
	v2 =	vshra.s32 v2, $0x1;
	v56 =	vmul.u32 $0xAAAB, v8  }
0x224: {  	v2 =	vadd.s32 v54, v2;
	v3 =	vadd.s32 v3, v55;
	v57 =	vmul.u32 $0xFFFFFFFD, v5  }
0x225: {  	v1 =	vadd.s32 v3, v1;
	v3 =	vshra.s32 v3, $0x1;
	v58 =	vshrl.u32 v56, $0x11  }
0x226: {  	v4 =	vadd.s32 v4, v57;
	v59 =	vmul.u32 $0xFFFFFFFD, v50;
	v11 =	vmul.u32 $0xAAAB, v58  }
0x227: {  	v2 =	vadd.s32 v3, v2;
	v1 =	vadd.s32 v4, v1;
	v3 =	vshra.s32 v4, $0x1  }
0x228: {  	v4 =	vadd.s32 v5, v59;
	v5 =	vmul.u32 $0xFFFFFFFD, v8;
	v60 =	vshrl.u32 v11, $0x11  }
0x229: {  	v2 =	vadd.s32 v3, v2;
	v1 =	vadd.s32 v4, v1;
	v3 =	vmul.u32 $0xAAAB, v60  }
0x22a: {  	v4 =	vshra.s32 v4, $0x1;
	v5 =	vadd.s32 v50, v5;
	v61 =	vmul.u32 $0xFFFFFFFD, v58  }
0x22b: {  	v2 =	vadd.s32 v4, v2;
	v1 =	vadd.s32 v5, v1;
	v3 =	vshrl.u32 v3, $0x11  }
0x22c: {  	v4 =	vshra.s32 v5, $0x1;
	v5 =	vadd.s32 v8, v61;
	v62 =	vmul.u32 $0xAAAB, v3  }
0x22d: {  	v2 =	vadd.s32 v4, v2;
	v1 =	vadd.s32 v5, v1;
	v4 =	vmul.u32 $0xFFFFFFFD, v60  }
0x22e: {  	v5 =	vshra.s32 v5, $0x1;
	v63 =	vmul.u32 $0xFFFFFFFD, v3;
	v6 =	vshrl.u32 v62, $0x11  }
0x22f: {  	v2 =	vadd.s32 v5, v2;
	v4 =	vadd.s32 v58, v4;
	v5 =	vmul.u32 $0xFFFFFFFD, v6  }
0x230: {  	v1 =	vadd.s32 v4, v1;
	v4 =	vshra.s32 v4, $0x1;
	v7 =	vadd.s32 v60, v63  }
0x231: {  	v2 =	vadd.s32 v4, v2;
	v4 =	vshra.s32 v7, $0x1;
	v3 =	vadd.s32 v3, v5  }
0x232: {  	v1 =	vadd.s32 v7, v1;
	v2 =	vadd.s32 v4, v2;
	v4 =	vshra.s32 v3, $0x1  }
0x233: {  	v5 =	vadd.s32 v0, v53;
	v0 =	vadd.s32 v4, v2;
	v2 =	vadd.s32 v6, v1  }
0x234: {  	s8 =	simm.s32 $0x3;
	s0 =	simm.s32 $0x1;
	v1 =	vand.u32 $0x1F, v5;
	v2 =	vadd.s32 v3, v2;
	v3 =	vshll.u32 v0, $0x1  }
.LBB2_11:
0x235: {  	p0 =	sne.s32 s8, $0x7;
	s0 =	smul.u32 $0x68, s0;
	v2 =	vsub.s32 v2, v3;
	v1 =	vmul.u32 $0x121, v1  }
0x236: {  	v2 =	vmul.u32 $0x11, v2  }
0x237: {  	s13 =	sadd.s32 $0x10, s13;
	s0 =	sshra.s32 s0, $0x2;
	v0 =	vadd.s32 v1, v0  }
0x238: {  	s10 =	sadd.s32 $0x10, s10;
	s2 =	sand.u32 $0x10, s13;
	s0 =	sadd.s32 s0, s7;
	v0 =	vadd.s32 v2, v0  }
0x239: {  	s0 =	sadd.s32 s2, s0;
	[tilespmem:s10+$0x0] =	vst v0  }
0x23a: {  	v0 =	vld [tilespmem:s0+$0x0];
	_ =	sdelay $0x4  }
0x23b: {  	v1 =	vand.u32 $0xFFFF, v0  }
0x23c: {  	v2 =	vmul.u32 $0xAAAB, v1;
	_ =	sdelay $0x1  }
0x23d: {  	v2 =	vshrl.u32 v2, $0x11  }
0x23e: {  	v3 =	vmul.u32 $0xAAAB, v2;
	_ =	sdelay $0x1  }
0x23f: {  	v3 =	vshrl.u32 v3, $0x11  }
0x240: {  	v4 =	vmul.u32 $0xAAAB, v3  }
0x241: {  	v0 =	vshrl.u32 v0, $0x1  }
0x242: {  	v0 =	vand.u32 $0x5555, v0;
	v4 =	vshrl.u32 v4, $0x11  }
0x243: {  	v0 =	vsub.s32 v1, v0;
	v5 =	vmul.u32 $0xAAAB, v4  }
0x244: {  	v6 =	vshrl.u32 v0, $0x2  }
0x245: {  	v0 =	vand.u32 $0x3333, v0;
	v6 =	vand.u32 $0x3333, v6;
	v5 =	vshrl.u32 v5, $0x11  }
0x246: {  	v0 =	vadd.s32 v0, v6;
	v6 =	vmul.u32 $0xFFFFFFFD, v2;
	v7 =	vmul.u32 $0xAAAB, v5  }
0x247: {  	v8 =	vshrl.u32 v0, $0x4  }
0x248: {  	v0 =	vadd.s32 v0, v8;
	v1 =	vadd.s32 v1, v6;
	v6 =	vshrl.u32 v7, $0x11  }
0x249: {  	v0 =	vand.u32 $0xF0F, v0;
	v7 =	vmul.u32 $0xFFFFFFFD, v3;
	v8 =	vmul.u32 $0xAAAB, v6  }
0x24a: {  	v10 =	vshra.s32 v1, $0x1;
	v9 =	vshrl.u32 v0, $0x8  }
0x24b: {  	v2 =	vadd.s32 v2, v7;
	v7 =	vmul.u32 $0xFFFFFFFD, v4;
	v8 =	vshrl.u32 v8, $0x11  }
0x24c: {  	v1 =	vadd.s32 v1, v2;
	v2 =	vshra.s32 v2, $0x1;
	v11 =	vmul.u32 $0xAAAB, v8  }
0x24d: {  	v2 =	vadd.s32 v10, v2;
	v3 =	vadd.s32 v3, v7;
	v7 =	vmul.u32 $0xFFFFFFFD, v5  }
0x24e: {  	v1 =	vadd.s32 v3, v1;
	v3 =	vshra.s32 v3, $0x1;
	v10 =	vshrl.u32 v11, $0x11  }
0x24f: {  	v4 =	vadd.s32 v4, v7;
	v7 =	vmul.u32 $0xFFFFFFFD, v6;
	v11 =	vmul.u32 $0xAAAB, v10  }
0x250: {  	v2 =	vadd.s32 v3, v2;
	v1 =	vadd.s32 v4, v1;
	v3 =	vshra.s32 v4, $0x1  }
0x251: {  	v4 =	vadd.s32 v5, v7;
	v5 =	vmul.u32 $0xFFFFFFFD, v8;
	v7 =	vshrl.u32 v11, $0x11  }
0x252: {  	v2 =	vadd.s32 v3, v2;
	v1 =	vadd.s32 v4, v1;
	v3 =	vmul.u32 $0xAAAB, v7  }
0x253: {  	v4 =	vshra.s32 v4, $0x1;
	v5 =	vadd.s32 v6, v5;
	v6 =	vmul.u32 $0xFFFFFFFD, v10  }
0x254: {  	v2 =	vadd.s32 v4, v2;
	v1 =	vadd.s32 v5, v1;
	v3 =	vshrl.u32 v3, $0x11  }
0x255: {  	v4 =	vshra.s32 v5, $0x1;
	v5 =	vadd.s32 v8, v6;
	v6 =	vmul.u32 $0xAAAB, v3  }
0x256: {  	v2 =	vadd.s32 v4, v2;
	v4 =	vmul.u32 $0xFFFFFFFD, v7;
	v1 =	vadd.s32 v5, v1  }
0x257: {  	v5 =	vshra.s32 v5, $0x1;
	v8 =	vmul.u32 $0xFFFFFFFD, v3;
	v6 =	vshrl.u32 v6, $0x11  }
0x258: {  	v2 =	vadd.s32 v5, v2;
	v4 =	vadd.s32 v10, v4;
	v5 =	vmul.u32 $0xFFFFFFFD, v6  }
.Ltmp4:
0x259: {  	v1 =	vadd.s32 v4, v1;
	v4 =	vshra.s32 v4, $0x1;
	v7 =	vadd.s32 v7, v8;
	(pc) =	sbr.rel @p0 .LBB2_11-.Ltmp4, $4  }
0x25a: {  	v2 =	vadd.s32 v4, v2;
	v4 =	vshra.s32 v7, $0x1;
	v3 =	vadd.s32 v3, v5  }
0x25b: {  	v1 =	vadd.s32 v7, v1;
	v2 =	vadd.s32 v4, v2;
	v4 =	vshra.s32 v3, $0x1  }
0x25c: {  	v5 =	vadd.s32 v0, v9;
	v0 =	vadd.s32 v4, v2;
	v2 =	vadd.s32 v6, v1  }
0x25d: {  	s0 =	sshrl.u32 s8, $0x1;
	s8 =	sadd.s32 $0x1, s8;
	v1 =	vand.u32 $0x1F, v5;
	v2 =	vadd.s32 v3, v2;
	v3 =	vshll.u32 v0, $0x1  }
0x25e: {  	s0 =	smul.u32 $0x68, s0;
	v2 =	vsub.s32 v2, v3;
	v1 =	vmul.u32 $0x121, v1  }
0x25f: {  	v2 =	vmul.u32 $0x11, v2  }
0x260: {  	s2 =	sadd.s32 $0x10, s13;
	s0 =	sshra.s32 s0, $0x2;
	v0 =	vadd.s32 v1, v0  }
0x261: {  	s8 =	sadd.s32 $0x10, s10;
	s2 =	sand.u32 $0x10, s2;
	s0 =	sadd.s32 s0, s7;
	v0 =	vadd.s32 v2, v0  }
0x262: {  	s0 =	sadd.s32 s2, s0;
	[tilespmem:s8+$0x0] =	vst v0  }
0x263: {  	v0 =	vld [tilespmem:s0+$0x0];
	_ =	sdelay $0x4  }
0x264: {  	v1 =	vand.u32 $0xFFFF, v0  }
0x265: {  	v2 =	vmul.u32 $0xAAAB, v1;
	_ =	sdelay $0x1  }
0x266: {  	v2 =	vshrl.u32 v2, $0x11  }
0x267: {  	v3 =	vmul.u32 $0xAAAB, v2;
	_ =	sdelay $0x1  }
0x268: {  	v3 =	vshrl.u32 v3, $0x11  }
0x269: {  	v4 =	vmul.u32 $0xAAAB, v3  }
0x26a: {  	v0 =	vshrl.u32 v0, $0x1  }
0x26b: {  	v0 =	vand.u32 $0x5555, v0;
	v4 =	vshrl.u32 v4, $0x11  }
0x26c: {  	v0 =	vsub.s32 v1, v0;
	v5 =	vmul.u32 $0xAAAB, v4  }
0x26d: {  	v6 =	vshrl.u32 v0, $0x2  }
0x26e: {  	v0 =	vand.u32 $0x3333, v0;
	v6 =	vand.u32 $0x3333, v6;
	v5 =	vshrl.u32 v5, $0x11  }
0x26f: {  	v16 =	vmul.u32 $0xFFFFFFFD, v2;
	v0 =	vadd.s32 v0, v6;
	v7 =	vmul.u32 $0xAAAB, v5  }
0x270: {  	v8 =	vshrl.u32 v0, $0x4  }
0x271: {  	v1 =	vadd.s32 v1, v16;
	v0 =	vadd.s32 v0, v8;
	v17 =	vshrl.u32 v7, $0x11  }
0x272: {  	v18 =	vmul.u32 $0xFFFFFFFD, v3;
	v0 =	vand.u32 $0xF0F, v0;
	v19 =	vmul.u32 $0xAAAB, v17  }
0x273: {  	v10 =	vshra.s32 v1, $0x1;
	v9 =	vshrl.u32 v0, $0x8  }
0x274: {  	v2 =	vadd.s32 v2, v18;
	v20 =	vmul.u32 $0xFFFFFFFD, v4;
	v8 =	vshrl.u32 v19, $0x11  }
0x275: {  	v1 =	vadd.s32 v1, v2;
	v2 =	vshra.s32 v2, $0x1;
	v11 =	vmul.u32 $0xAAAB, v8  }
0x276: {  	v2 =	vadd.s32 v10, v2;
	v3 =	vadd.s32 v3, v20;
	v21 =	vmul.u32 $0xFFFFFFFD, v5  }
0x277: {  	v1 =	vadd.s32 v3, v1;
	v3 =	vshra.s32 v3, $0x1;
	v22 =	vshrl.u32 v11, $0x11  }
0x278: {  	v4 =	vadd.s32 v4, v21;
	v23 =	vmul.u32 $0xFFFFFFFD, v17;
	v11 =	vmul.u32 $0xAAAB, v22  }
0x279: {  	v2 =	vadd.s32 v3, v2;
	v1 =	vadd.s32 v4, v1;
	v3 =	vshra.s32 v4, $0x1  }
0x27a: {  	v4 =	vadd.s32 v5, v23;
	v5 =	vmul.u32 $0xFFFFFFFD, v8;
	v24 =	vshrl.u32 v11, $0x11  }
0x27b: {  	v2 =	vadd.s32 v3, v2;
	v1 =	vadd.s32 v4, v1;
	v3 =	vmul.u32 $0xAAAB, v24  }
0x27c: {  	v4 =	vshra.s32 v4, $0x1;
	v5 =	vadd.s32 v17, v5;
	v25 =	vmul.u32 $0xFFFFFFFD, v22  }
0x27d: {  	v2 =	vadd.s32 v4, v2;
	v1 =	vadd.s32 v5, v1;
	v3 =	vshrl.u32 v3, $0x11  }
0x27e: {  	v4 =	vshra.s32 v5, $0x1;
	v5 =	vadd.s32 v8, v25;
	v26 =	vmul.u32 $0xAAAB, v3  }
0x27f: {  	v2 =	vadd.s32 v4, v2;
	v1 =	vadd.s32 v5, v1;
	v4 =	vmul.u32 $0xFFFFFFFD, v24  }
0x280: {  	v5 =	vshra.s32 v5, $0x1;
	v27 =	vmul.u32 $0xFFFFFFFD, v3;
	v6 =	vshrl.u32 v26, $0x11  }
0x281: {  	v2 =	vadd.s32 v5, v2;
	v4 =	vadd.s32 v22, v4;
	v5 =	vmul.u32 $0xFFFFFFFD, v6  }
0x282: {  	v1 =	vadd.s32 v4, v1;
	v4 =	vshra.s32 v4, $0x1;
	v7 =	vadd.s32 v24, v27  }
0x283: {  	v2 =	vadd.s32 v4, v2;
	v4 =	vshra.s32 v7, $0x1;
	v3 =	vadd.s32 v3, v5  }
0x284: {  	v1 =	vadd.s32 v7, v1;
	v2 =	vadd.s32 v4, v2;
	v4 =	vshra.s32 v3, $0x1  }
0x285: {  	v0 =	vadd.s32 v0, v9;
	v1 =	vadd.s32 v6, v1;
	v2 =	vadd.s32 v4, v2  }
0x286: {  	s9 =	simm.s32 $0x0;
	v0 =	vand.u32 $0x1F, v0;
	v1 =	vadd.s32 v3, v1;
	v3 =	vshll.u32 v2, $0x1  }
0x287: {  	s10 =	smul.u32 $0x68, s9;
	v0 =	vmul.u32 $0x121, v0;
	v1 =	vsub.s32 v1, v3  }
0x288: {  	v1 =	vmul.u32 $0x11, v1  }
0x289: {  	s13 =	simm.s32 $0x0;
	s0 =	sshra.s32 s10, $0x2;
	v0 =	vadd.s32 v0, v2  }
0x28a: {  	s8 =	sadd.s32 $0x10, s8;
	s2 =	sand.u32 $0x10, s13;
	s0 =	sadd.s32 s0, s7;
	v0 =	vadd.s32 v1, v0  }
0x28b: {  	s0 =	sadd.s32 s2, s0;
	[tilespmem:s8+$0x0] =	vst v0  }
0x28c: {  	[tilespmem:s28], [sflag:$0x2] =	stream.indirect.gather [spmem:s1], $0x80, s26, s21, $0xb8;
	[tilespmem:$0x1D800] =	vst v63  }
0x28d: {  	v0 =	vld [tilespmem:s0+$0x68];
	_ =	sdelay $0x4  }
0x28e: {  	v1 =	vand.u32 $0xFFFF, v0  }
0x28f: {  	v2 =	vmul.u32 $0xAAAB, v1;
	_ =	sdelay $0x1  }
0x290: {  	v2 =	vshrl.u32 v2, $0x11  }
0x291: {  	v3 =	vmul.u32 $0xAAAB, v2;
	_ =	sdelay $0x1  }
0x292: {  	v3 =	vshrl.u32 v3, $0x11  }
0x293: {  	v4 =	vmul.u32 $0xAAAB, v3  }
0x294: {  	v0 =	vshrl.u32 v0, $0x1  }
0x295: {  	v0 =	vand.u32 $0x5555, v0;
	v4 =	vshrl.u32 v4, $0x11  }
0x296: {  	v0 =	vsub.s32 v1, v0;
	v5 =	vmul.u32 $0xAAAB, v4  }
0x297: {  	v28 =	vshrl.u32 v0, $0x2  }
0x298: {  	v0 =	vand.u32 $0x3333, v0;
	v6 =	vand.u32 $0x3333, v28;
	v5 =	vshrl.u32 v5, $0x11  }
0x299: {  	v29 =	vmul.u32 $0xFFFFFFFD, v2;
	v0 =	vadd.s32 v0, v6;
	v30 =	vmul.u32 $0xAAAB, v5  }
0x29a: {  	v31 =	vshrl.u32 v0, $0x4  }
0x29b: {  	v1 =	vadd.s32 v1, v29;
	v0 =	vadd.s32 v0, v31;
	v32 =	vshrl.u32 v30, $0x11  }
0x29c: {  	v33 =	vmul.u32 $0xFFFFFFFD, v3;
	v0 =	vand.u32 $0xF0F, v0;
	v34 =	vmul.u32 $0xAAAB, v32  }
0x29d: {  	v36 =	vshra.s32 v1, $0x1;
	v35 =	vshrl.u32 v0, $0x8  }
0x29e: {  	v2 =	vadd.s32 v2, v33;
	v37 =	vmul.u32 $0xFFFFFFFD, v4;
	v8 =	vshrl.u32 v34, $0x11  }
0x29f: {  	v1 =	vadd.s32 v1, v2;
	v2 =	vshra.s32 v2, $0x1;
	v38 =	vmul.u32 $0xAAAB, v8  }
0x2a0: {  	v2 =	vadd.s32 v36, v2;
	v3 =	vadd.s32 v3, v37;
	v39 =	vmul.u32 $0xFFFFFFFD, v5  }
0x2a1: {  	v1 =	vadd.s32 v3, v1;
	v3 =	vshra.s32 v3, $0x1;
	v40 =	vshrl.u32 v38, $0x11  }
0x2a2: {  	v4 =	vadd.s32 v4, v39;
	v41 =	vmul.u32 $0xFFFFFFFD, v32;
	v11 =	vmul.u32 $0xAAAB, v40  }
0x2a3: {  	v2 =	vadd.s32 v3, v2;
	v1 =	vadd.s32 v4, v1;
	v3 =	vshra.s32 v4, $0x1  }
0x2a4: {  	v4 =	vadd.s32 v5, v41;
	v5 =	vmul.u32 $0xFFFFFFFD, v8;
	v42 =	vshrl.u32 v11, $0x11  }
0x2a5: {  	v2 =	vadd.s32 v3, v2;
	v1 =	vadd.s32 v4, v1;
	v3 =	vmul.u32 $0xAAAB, v42  }
0x2a6: {  	v4 =	vshra.s32 v4, $0x1;
	v5 =	vadd.s32 v32, v5;
	v43 =	vmul.u32 $0xFFFFFFFD, v40  }
0x2a7: {  	v2 =	vadd.s32 v4, v2;
	v1 =	vadd.s32 v5, v1;
	v3 =	vshrl.u32 v3, $0x11  }
0x2a8: {  	v4 =	vshra.s32 v5, $0x1;
	v5 =	vadd.s32 v8, v43;
	v44 =	vmul.u32 $0xAAAB, v3  }
0x2a9: {  	v2 =	vadd.s32 v4, v2;
	v1 =	vadd.s32 v5, v1;
	v4 =	vmul.u32 $0xFFFFFFFD, v42  }
0x2aa: {  	v5 =	vshra.s32 v5, $0x1;
	v45 =	vmul.u32 $0xFFFFFFFD, v3;
	v6 =	vshrl.u32 v44, $0x11  }
0x2ab: {  	v2 =	vadd.s32 v5, v2;
	v4 =	vadd.s32 v40, v4;
	v5 =	vmul.u32 $0xFFFFFFFD, v6  }
0x2ac: {  	v1 =	vadd.s32 v4, v1;
	v4 =	vshra.s32 v4, $0x1;
	v7 =	vadd.s32 v42, v45  }
0x2ad: {  	v2 =	vadd.s32 v4, v2;
	v4 =	vshra.s32 v7, $0x1;
	v3 =	vadd.s32 v3, v5  }
0x2ae: {  	v1 =	vadd.s32 v7, v1;
	v2 =	vadd.s32 v4, v2;
	v4 =	vshra.s32 v3, $0x1  }
0x2af: {  	v0 =	vadd.s32 v0, v35;
	v1 =	vadd.s32 v6, v1;
	v2 =	vadd.s32 v4, v2  }
0x2b0: {  	s14 =	simm.s32 $0x0;
	v0 =	vand.u32 $0x1F, v0;
	v1 =	vadd.s32 v3, v1;
	v3 =	vshll.u32 v2, $0x1  }
0x2b1: {  	s0 =	smul.u32 $0x68, s14;
	v0 =	vmul.u32 $0x121, v0;
	v1 =	vsub.s32 v1, v3  }
0x2b2: {  	v1 =	vmul.u32 $0x11, v1  }
0x2b3: {  	s13 =	simm.s32 $0x10;
	s0 =	sshra.s32 s0, $0x2;
	v0 =	vadd.s32 v0, v2  }
0x2b4: {  	s10 =	simm.s32 $0x3780;
	s15 =	sand.u32 $0x10, s13;
	s0 =	sadd.s32 s0, s7;
	v0 =	vadd.s32 v1, v0  }
0x2b5: {  	s0 =	sadd.s32 s15, s0;
	[tilespmem:s10+$0x0] =	vst v0  }
0x2b6: {  	v0 =	vld [tilespmem:s0+$0x68];
	_ =	sdelay $0x4  }
0x2b7: {  	v1 =	vand.u32 $0xFFFF, v0  }
0x2b8: {  	v2 =	vmul.u32 $0xAAAB, v1;
	_ =	sdelay $0x1  }
0x2b9: {  	v2 =	vshrl.u32 v2, $0x11  }
0x2ba: {  	v3 =	vmul.u32 $0xAAAB, v2;
	_ =	sdelay $0x1  }
0x2bb: {  	v3 =	vshrl.u32 v3, $0x11  }
0x2bc: {  	v4 =	vmul.u32 $0xAAAB, v3  }
0x2bd: {  	v0 =	vshrl.u32 v0, $0x1  }
0x2be: {  	v0 =	vand.u32 $0x5555, v0;
	v4 =	vshrl.u32 v4, $0x11  }
0x2bf: {  	v0 =	vsub.s32 v1, v0;
	v5 =	vmul.u32 $0xAAAB, v4  }
0x2c0: {  	v46 =	vshrl.u32 v0, $0x2  }
0x2c1: {  	v0 =	vand.u32 $0x3333, v0;
	v6 =	vand.u32 $0x3333, v46;
	v5 =	vshrl.u32 v5, $0x11  }
0x2c2: {  	v47 =	vmul.u32 $0xFFFFFFFD, v2;
	v0 =	vadd.s32 v0, v6;
	v48 =	vmul.u32 $0xAAAB, v5  }
0x2c3: {  	v49 =	vshrl.u32 v0, $0x4  }
0x2c4: {  	v1 =	vadd.s32 v1, v47;
	v0 =	vadd.s32 v0, v49;
	v50 =	vshrl.u32 v48, $0x11  }
0x2c5: {  	v51 =	vmul.u32 $0xFFFFFFFD, v3;
	v0 =	vand.u32 $0xF0F, v0;
	v52 =	vmul.u32 $0xAAAB, v50  }
0x2c6: {  	v54 =	vshra.s32 v1, $0x1;
	v53 =	vshrl.u32 v0, $0x8  }
0x2c7: {  	v2 =	vadd.s32 v2, v51;
	v55 =	vmul.u32 $0xFFFFFFFD, v4;
	v8 =	vshrl.u32 v52, $0x11  }
0x2c8: {  	v1 =	vadd.s32 v1, v2;
	v2 =	vshra.s32 v2, $0x1;
	v56 =	vmul.u32 $0xAAAB, v8  }
0x2c9: {  	v2 =	vadd.s32 v54, v2;
	v3 =	vadd.s32 v3, v55;
	v57 =	vmul.u32 $0xFFFFFFFD, v5  }
0x2ca: {  	v1 =	vadd.s32 v3, v1;
	v3 =	vshra.s32 v3, $0x1;
	v58 =	vshrl.u32 v56, $0x11  }
0x2cb: {  	v4 =	vadd.s32 v4, v57;
	v59 =	vmul.u32 $0xFFFFFFFD, v50;
	v11 =	vmul.u32 $0xAAAB, v58  }
0x2cc: {  	v2 =	vadd.s32 v3, v2;
	v1 =	vadd.s32 v4, v1;
	v3 =	vshra.s32 v4, $0x1  }
0x2cd: {  	v4 =	vadd.s32 v5, v59;
	v5 =	vmul.u32 $0xFFFFFFFD, v8;
	v60 =	vshrl.u32 v11, $0x11  }
0x2ce: {  	v2 =	vadd.s32 v3, v2;
	v1 =	vadd.s32 v4, v1;
	v3 =	vmul.u32 $0xAAAB, v60  }
0x2cf: {  	v4 =	vshra.s32 v4, $0x1;
	v5 =	vadd.s32 v50, v5;
	v61 =	vmul.u32 $0xFFFFFFFD, v58  }
0x2d0: {  	v2 =	vadd.s32 v4, v2;
	v1 =	vadd.s32 v5, v1;
	v3 =	vshrl.u32 v3, $0x11  }
0x2d1: {  	v4 =	vshra.s32 v5, $0x1;
	v5 =	vadd.s32 v8, v61;
	v62 =	vmul.u32 $0xAAAB, v3  }
0x2d2: {  	v2 =	vadd.s32 v4, v2;
	v1 =	vadd.s32 v5, v1;
	v4 =	vmul.u32 $0xFFFFFFFD, v60  }
0x2d3: {  	v5 =	vshra.s32 v5, $0x1;
	v63 =	vmul.u32 $0xFFFFFFFD, v3;
	v6 =	vshrl.u32 v62, $0x11  }
0x2d4: {  	v2 =	vadd.s32 v5, v2;
	v4 =	vadd.s32 v58, v4;
	v5 =	vmul.u32 $0xFFFFFFFD, v6  }
0x2d5: {  	v1 =	vadd.s32 v4, v1;
	v4 =	vshra.s32 v4, $0x1;
	v7 =	vadd.s32 v60, v63  }
0x2d6: {  	v2 =	vadd.s32 v4, v2;
	v4 =	vshra.s32 v7, $0x1;
	v3 =	vadd.s32 v3, v5  }
0x2d7: {  	v1 =	vadd.s32 v7, v1;
	v2 =	vadd.s32 v4, v2;
	v4 =	vshra.s32 v3, $0x1  }
0x2d8: {  	v5 =	vadd.s32 v0, v53;
	v0 =	vadd.s32 v4, v2;
	v2 =	vadd.s32 v6, v1  }
0x2d9: {  	s8 =	simm.s32 $0x3;
	s0 =	simm.s32 $0x1;
	v1 =	vand.u32 $0x1F, v5;
	v2 =	vadd.s32 v3, v2;
	v3 =	vshll.u32 v0, $0x1  }
.LBB2_13:
0x2da: {  	p0 =	sne.s32 s8, $0x7;
	s0 =	smul.u32 $0x68, s0;
	v2 =	vsub.s32 v2, v3;
	v1 =	vmul.u32 $0x121, v1  }
0x2db: {  	v2 =	vmul.u32 $0x11, v2  }
0x2dc: {  	s13 =	sadd.s32 $0x10, s13;
	s0 =	sshra.s32 s0, $0x2;
	v0 =	vadd.s32 v1, v0  }
0x2dd: {  	s10 =	sadd.s32 $0x10, s10;
	s2 =	sand.u32 $0x10, s13;
	s0 =	sadd.s32 s0, s7;
	v0 =	vadd.s32 v2, v0  }
0x2de: {  	s0 =	sadd.s32 s2, s0;
	[tilespmem:s10+$0x0] =	vst v0  }
0x2df: {  	v0 =	vld [tilespmem:s0+$0x68];
	_ =	sdelay $0x4  }
0x2e0: {  	v1 =	vand.u32 $0xFFFF, v0  }
0x2e1: {  	v2 =	vmul.u32 $0xAAAB, v1;
	_ =	sdelay $0x1  }
0x2e2: {  	v2 =	vshrl.u32 v2, $0x11  }
0x2e3: {  	v3 =	vmul.u32 $0xAAAB, v2;
	_ =	sdelay $0x1  }
0x2e4: {  	v3 =	vshrl.u32 v3, $0x11  }
0x2e5: {  	v4 =	vmul.u32 $0xAAAB, v3  }
0x2e6: {  	v0 =	vshrl.u32 v0, $0x1  }
0x2e7: {  	v0 =	vand.u32 $0x5555, v0;
	v4 =	vshrl.u32 v4, $0x11  }
0x2e8: {  	v0 =	vsub.s32 v1, v0;
	v5 =	vmul.u32 $0xAAAB, v4  }
0x2e9: {  	v6 =	vshrl.u32 v0, $0x2  }
0x2ea: {  	v0 =	vand.u32 $0x3333, v0;
	v6 =	vand.u32 $0x3333, v6;
	v5 =	vshrl.u32 v5, $0x11  }
0x2eb: {  	v0 =	vadd.s32 v0, v6;
	v6 =	vmul.u32 $0xFFFFFFFD, v2;
	v7 =	vmul.u32 $0xAAAB, v5  }
0x2ec: {  	v8 =	vshrl.u32 v0, $0x4  }
0x2ed: {  	v0 =	vadd.s32 v0, v8;
	v1 =	vadd.s32 v1, v6;
	v6 =	vshrl.u32 v7, $0x11  }
0x2ee: {  	v0 =	vand.u32 $0xF0F, v0;
	v7 =	vmul.u32 $0xFFFFFFFD, v3;
	v8 =	vmul.u32 $0xAAAB, v6  }
0x2ef: {  	v10 =	vshra.s32 v1, $0x1;
	v9 =	vshrl.u32 v0, $0x8  }
0x2f0: {  	v2 =	vadd.s32 v2, v7;
	v7 =	vmul.u32 $0xFFFFFFFD, v4;
	v8 =	vshrl.u32 v8, $0x11  }
0x2f1: {  	v1 =	vadd.s32 v1, v2;
	v2 =	vshra.s32 v2, $0x1;
	v11 =	vmul.u32 $0xAAAB, v8  }
0x2f2: {  	v2 =	vadd.s32 v10, v2;
	v3 =	vadd.s32 v3, v7;
	v7 =	vmul.u32 $0xFFFFFFFD, v5  }
0x2f3: {  	v1 =	vadd.s32 v3, v1;
	v3 =	vshra.s32 v3, $0x1;
	v10 =	vshrl.u32 v11, $0x11  }
0x2f4: {  	v4 =	vadd.s32 v4, v7;
	v7 =	vmul.u32 $0xFFFFFFFD, v6;
	v11 =	vmul.u32 $0xAAAB, v10  }
0x2f5: {  	v2 =	vadd.s32 v3, v2;
	v1 =	vadd.s32 v4, v1;
	v3 =	vshra.s32 v4, $0x1  }
0x2f6: {  	v4 =	vadd.s32 v5, v7;
	v5 =	vmul.u32 $0xFFFFFFFD, v8;
	v7 =	vshrl.u32 v11, $0x11  }
0x2f7: {  	v2 =	vadd.s32 v3, v2;
	v1 =	vadd.s32 v4, v1;
	v3 =	vmul.u32 $0xAAAB, v7  }
0x2f8: {  	v4 =	vshra.s32 v4, $0x1;
	v5 =	vadd.s32 v6, v5;
	v6 =	vmul.u32 $0xFFFFFFFD, v10  }
0x2f9: {  	v2 =	vadd.s32 v4, v2;
	v1 =	vadd.s32 v5, v1;
	v3 =	vshrl.u32 v3, $0x11  }
0x2fa: {  	v4 =	vshra.s32 v5, $0x1;
	v5 =	vadd.s32 v8, v6;
	v6 =	vmul.u32 $0xAAAB, v3  }
0x2fb: {  	v2 =	vadd.s32 v4, v2;
	v4 =	vmul.u32 $0xFFFFFFFD, v7;
	v1 =	vadd.s32 v5, v1  }
0x2fc: {  	v5 =	vshra.s32 v5, $0x1;
	v8 =	vmul.u32 $0xFFFFFFFD, v3;
	v6 =	vshrl.u32 v6, $0x11  }
0x2fd: {  	v2 =	vadd.s32 v5, v2;
	v4 =	vadd.s32 v10, v4;
	v5 =	vmul.u32 $0xFFFFFFFD, v6  }
.Ltmp5:
0x2fe: {  	v1 =	vadd.s32 v4, v1;
	v4 =	vshra.s32 v4, $0x1;
	v7 =	vadd.s32 v7, v8;
	(pc) =	sbr.rel @p0 .LBB2_13-.Ltmp5, $4  }
0x2ff: {  	v2 =	vadd.s32 v4, v2;
	v4 =	vshra.s32 v7, $0x1;
	v3 =	vadd.s32 v3, v5  }
0x300: {  	v1 =	vadd.s32 v7, v1;
	v2 =	vadd.s32 v4, v2;
	v4 =	vshra.s32 v3, $0x1  }
0x301: {  	v5 =	vadd.s32 v0, v9;
	v0 =	vadd.s32 v4, v2;
	v2 =	vadd.s32 v6, v1  }
0x302: {  	s0 =	sshrl.u32 s8, $0x1;
	s8 =	sadd.s32 $0x1, s8;
	v1 =	vand.u32 $0x1F, v5;
	v2 =	vadd.s32 v3, v2;
	v3 =	vshll.u32 v0, $0x1  }
0x303: {  	s0 =	smul.u32 $0x68, s0;
	v2 =	vsub.s32 v2, v3;
	v1 =	vmul.u32 $0x121, v1  }
0x304: {  	v2 =	vmul.u32 $0x11, v2  }
0x305: {  	s2 =	sadd.s32 $0x10, s13;
	s0 =	sshra.s32 s0, $0x2;
	v0 =	vadd.s32 v1, v0  }
0x306: {  	s13 =	sadd.s32 $0x10, s10;
	s2 =	sand.u32 $0x10, s2;
	s0 =	sadd.s32 s0, s7;
	v0 =	vadd.s32 v2, v0  }
0x307: {  	s0 =	sadd.s32 s2, s0;
	[tilespmem:s13+$0x0] =	vst v0  }
0x308: {  	v0 =	vld [tilespmem:s0+$0x68];
	_ =	sdelay $0x4  }
0x309: {  	v38 =	vand.u32 $0xFFFF, v0  }
0x30a: {  	v39 =	vmul.u32 $0xAAAB, v38;
	_ =	sdelay $0x1  }
0x30b: {  	v2 =	vshrl.u32 v39, $0x11  }
0x30c: {  	v40 =	vmul.u32 $0xAAAB, v2;
	_ =	sdelay $0x1  }
0x30d: {  	v3 =	vshrl.u32 v40, $0x11  }
0x30e: {  	v4 =	vmul.u32 $0xAAAB, v3  }
0x30f: {  	v0 =	vshrl.u32 v0, $0x1  }
0x310: {  	v0 =	vand.u32 $0x5555, v0;
	v4 =	vshrl.u32 v4, $0x11  }
0x311: {  	v0 =	vsub.s32 v38, v0;
	v5 =	vmul.u32 $0xAAAB, v4  }
0x312: {  	v6 =	vshrl.u32 v0, $0x2  }
0x313: {  	v0 =	vand.u32 $0x3333, v0;
	v6 =	vand.u32 $0x3333, v6;
	v5 =	vshrl.u32 v5, $0x11  }
0x314: {  	v41 =	vmul.u32 $0xFFFFFFFD, v2;
	v0 =	vadd.s32 v0, v6;
	v7 =	vmul.u32 $0xAAAB, v5  }
0x315: {  	v8 =	vshrl.u32 v0, $0x4  }
0x316: {  	v1 =	vadd.s32 v38, v41;
	v0 =	vadd.s32 v0, v8;
	v42 =	vshrl.u32 v7, $0x11  }
0x317: {  	v43 =	vmul.u32 $0xFFFFFFFD, v3;
	v0 =	vand.u32 $0xF0F, v0;
	v44 =	vmul.u32 $0xAAAB, v42  }
0x318: {  	v10 =	vshra.s32 v1, $0x1;
	v9 =	vshrl.u32 v0, $0x8  }
0x319: {  	v2 =	vadd.s32 v2, v43;
	v45 =	vmul.u32 $0xFFFFFFFD, v4;
	v8 =	vshrl.u32 v44, $0x11  }
0x31a: {  	v1 =	vadd.s32 v1, v2;
	v2 =	vshra.s32 v2, $0x1;
	v11 =	vmul.u32 $0xAAAB, v8  }
0x31b: {  	v2 =	vadd.s32 v10, v2;
	v3 =	vadd.s32 v3, v45;
	v46 =	vmul.u32 $0xFFFFFFFD, v5  }
0x31c: {  	v1 =	vadd.s32 v3, v1;
	v3 =	vshra.s32 v3, $0x1;
	v47 =	vshrl.u32 v11, $0x11  }
0x31d: {  	v4 =	vadd.s32 v4, v46;
	v48 =	vmul.u32 $0xFFFFFFFD, v42;
	v11 =	vmul.u32 $0xAAAB, v47  }
0x31e: {  	v2 =	vadd.s32 v3, v2;
	v1 =	vadd.s32 v4, v1;
	v49 =	vshra.s32 v4, $0x1  }
0x31f: {  	v50 =	vadd.s32 v5, v48;
	v51 =	vmul.u32 $0xFFFFFFFD, v8;
	v52 =	vshrl.u32 v11, $0x11  }
0x320: {  	v2 =	vadd.s32 v49, v2;
	v1 =	vadd.s32 v50, v1;
	v53 =	vmul.u32 $0xAAAB, v52  }
0x321: {  	v4 =	vshra.s32 v50, $0x1;
	v5 =	vadd.s32 v42, v51;
	v54 =	vmul.u32 $0xFFFFFFFD, v47  }
0x322: {  	v2 =	vadd.s32 v4, v2;
	v1 =	vadd.s32 v5, v1;
	v3 =	vshrl.u32 v53, $0x11  }
0x323: {  	v55 =	vshra.s32 v5, $0x1;
	v56 =	vadd.s32 v8, v54;
	v57 =	vmul.u32 $0xAAAB, v3  }
0x324: {  	v2 =	vadd.s32 v55, v2;
	v1 =	vadd.s32 v56, v1;
	v58 =	vmul.u32 $0xFFFFFFFD, v52  }
0x325: {  	v5 =	vshra.s32 v56, $0x1;
	v59 =	vmul.u32 $0xFFFFFFFD, v3;
	v6 =	vshrl.u32 v57, $0x11  }
0x326: {  	v2 =	vadd.s32 v5, v2;
	v4 =	vadd.s32 v47, v58;
	v60 =	vmul.u32 $0xFFFFFFFD, v6  }
0x327: {  	v1 =	vadd.s32 v4, v1;
	v4 =	vshra.s32 v4, $0x1;
	v7 =	vadd.s32 v52, v59  }
0x328: {  	v2 =	vadd.s32 v4, v2;
	v61 =	vshra.s32 v7, $0x1;
	v3 =	vadd.s32 v3, v60  }
0x329: {  	v1 =	vadd.s32 v7, v1;
	v2 =	vadd.s32 v61, v2;
	v62 =	vshra.s32 v3, $0x1  }
0x32a: {  	v0 =	vadd.s32 v0, v9;
	v1 =	vadd.s32 v6, v1;
	v2 =	vadd.s32 v62, v2  }
0x32b: {  	v0 =	vand.u32 $0x1F, v0;
	v1 =	vadd.s32 v3, v1;
	v63 =	vshll.u32 v2, $0x1  }
0x32c: {  	v0 =	vmul.u32 $0x121, v0;
	v1 =	vsub.s32 v1, v63  }
0x32d: {  	v1 =	vmul.u32 $0x11, v1  }
0x32e: {  	v0 =	vadd.s32 v0, v2  }
0x32f: {  	s14 =	sadd.s32 $0x10, s13;
	v0 =	vadd.s32 v1, v0  }
0x330: {  	[tilespmem:s14+$0x0] =	vst v0  }
0x331: {  	[tilespmem:s30], [sflag:$0x2] =	stream.indirect.gather [spmem:s1], $0x80, s29, s21, $0xb8;
	[tilespmem:$0x1D800] =	vst v63  }
0x332: {  	s4 =	sadd.s32 $0x1, s4;
	_ =	swait.ge [sflag:s31], $0x4000  }
0x333: {  	p0 =	sne.s32 s4, $0x20;
	[sflag:s31] =	ssyncset.done $0x0  }
.Ltmp6:
0x334: {  	[sflag:s31] =	ssyncadd.s32 $0xFFFFC000;
	(pc) =	sbr.rel @p0 .LBB2_6-.Ltmp6, $4  }
0x335: {  	_ =	swait.ge [sflag:s31], $0x4000  }
0x336: {  	s15 =	sshll.u32 s5, $0xC;
	[sflag:s31] =	ssyncset.done $0x0  }
0x337: {  	s0 =	sadd.s32 s15, s11;
	[sflag:s31] =	ssyncadd.s32 $0xFFFFC000  }
0x338: {  	[hbm4b:s0+s3] =	stream.linear.scatter [tilespmem:s28], [sflag:$0x4], $0x8000, $0x38;
	[tilespmem:$0x1D800] =	vst v63  }
0x339: {  	s0 =	simm.s32 $0x3  }
0x33a: {  	_ =	swait.ge [sflag:s0], $0x8000  }
0x33b: {  	[sflag:s0] =	ssyncset.done $0x0  }
0x33c: {  	s2 =	simm.s32 $0x4;
	[sflag:s0] =	ssyncadd.s32 $0xFFFF8000  }
0x33d: {  	_ =	swait.ge [sflag:s2], $0x8000  }
0x33e: {  	s18 =	sadd.s32 $0x1, s18;
	s19 =	rddreg [dreg:$0xb]  }
0x33f: {  	p0 =	sne.s32 s18, s19  }
.Ltmp7:
0x340: {  	_ = 	snop;
	(pc) =	sbr.rel @p0 .LBB2_1-.Ltmp7, $3  }
0x341: {  	_ =	sdelay $0x1  }
0x342: {  	[sflag:s2] =	ssyncset.done $0x0  }
0x343: {  	[sflag:s2] =	ssyncadd.s32 $0xFFFF8000  }
0x344: {  	_ =	sfence.sel $0x180000  }
0x345: {  	[bflag:$0x0] =	sbarrier.arrive $0xFFFF  }
0x346: {  	_ =	strace $0x90000047  }
0x347: {  	s0 =	stileid.u32;
	[bflag:$0x2] =	sbarrier.arrive $0xFFFF  }
0x348: {  	p0 =	sne.s32 s0, $0x0;
	s0 =	rddreg [dreg:$0x3]  }
0x349: {  	s0 =	sadd.s32 @!p0 $0x100000, s0  }
0x34a: {  	[sflag:s0] =	ssyncadd.tile.s32 @!p0 $0x1;
	_ =	shalt  }
.Lfunc_end2:
_tile_overlayer_lowered:
.L_overlay_start_2:
0x34b: {  	(tag) =	ssettag $0x2  }
0x34c: {  	s0 =	rddreg [dreg:$0x0];
	s2 =	stileid.u32  }
0x34d: {  	s1 =	rddreg [dreg:$0x1];
	p0 =	sne.s32 s2, $0x0  }
0x34e: {  	s3 =	rddreg [dreg:$0x2];
	[bflag:$0x3] =	sbarrier.arrive $0xFFFF;
	s2 =	simm.s32 @!p0 $0x1C05  }
0x34f: {  	[timem:s3], [sflag:s2] =	dma.local @!p0 [hbm:s0], s1  }
0x350: {  	s0 =	simm.s32 @!p0 $0x5  }
0x351: {  	_ =	swait.ge @!p0 [sflag:s0], s1  }
0x352: {  	s1 =	ssub.s32 @!p0 $0x0, s1;
	[sflag:s0] =	ssyncset.done @!p0 $0x0  }
0x353: {  	[sflag:s0] =	ssyncadd.s32 @!p0 s1  }
0x354: {  	[bflag:$0x3] =	sbarrier.arrive $0xFFFF  }
0x355: {  	_ =	shalt  }

// kernel: sparse-core-data-format-call.cloned.1.call-start
scs
called_computation_lowered:
.L_overlay_start_0:
0x0: {  	s2 =	sld [smem:$0x3FD9]  }
0x1: {  	s3 =	sld [smem:$0x3FFE];
	_ =	sdelay $0x1  }
0x2: {  	s1 =	srdreg.scid  }
0x3: {  	s0 =	sand.u32 $0x1, s1  }
0x4: {  	s18 =	sshll.u32 s0, $0xA;
	s2 =	sadd.s32 s3, s2  }
0x5: {  	s2 =	sadd.s32 s2, s18  }
0x6: {  	[smem:$0x3FC5] =	sst s2  }
0x7: {  	_ = 	snop  }
0x8: {  	s2 =	sld [smem:$0x3FD0];
	(tm) =	ssettm $0x1  }
0x9: {  	s19 =	sld [smem:$0x3FFB];
	_ =	sdelay $0x3  }
0xa: {  	_ =	strace s19  }
0xb: {  	s3 =	sld [smem:$0x3FFC];
	_ =	sdelay $0x3  }
0xc: {  	_ =	strace s3  }
0xd: {  	s3 =	sld [smem:$0x3FFD];
	_ =	sdelay $0x3  }
0xe: {  	_ =	strace s3  }
0xf: {  	_ =	strace $0x8FFFFFFF  }
0x10: {  	s20 =	sld [smem:$0x3FDB];
	_ =	sdelay $0x1  }
0x11: {  	s4 =	simm.s32 $_scs_section_size  }
0x12: {  	s5 =	simm.s32 $_size__tile_overlayer_lowered;
	s6 =	simm.s32 $_tile_overlayer_lowered  }
0x13: {  	s23 =	simm.s32 $0x1BFF;
	s22 =	sshll.u32 s6, $0x1;
	s3 =	sadd.s32 s4, s20  }
0x14: {  	s7 =	simm.s32 $0x0;
	s21 =	sshll.u32 s5, $0x1;
	s5 =	sadd.s32 s22, s3  }
0x15: {  	[timem:s7], [sflag:s23] =	dma.local [hbm:s5], s21  }
0x16: {  	_ =	swait.ge [sflag:s23], s21  }
0x17: {  	s4 =	ssub.s32 $0x0, s21;
	[sflag:s23] =	ssyncset.done $0x0  }
0x18: {  	[sflag:s23] =	ssyncadd.s32 s4;
	_ =	sdelay $0x1  }
0x19: {  	s24 =	simm.s32 $0x1B8B  }
0x1a: {  	_ =	swait.ge [sflag:s24], $0x1  }
0x1b: {  	[sflag:s24] =	ssyncset.done $0x0  }
0x1c: {  	s26 =	simm.s32 $0x1B8E;
	s25 =	sld [smem:$0x3FFE];
	[sflag:s24] =	ssyncadd.s32 $0xFFFFFFFF  }
0x1d: {  	s27 =	simm.s32 $execute0_lowered;
	[smem:$0x3FD2] =	sst s26  }
0x1e: {  	s5 =	sshll.u32 s27, $0x1;
	_ =	strace $0x80000049;
	[dreg:$0x1] =	wrdreg $0xFFFFFFFF  }
0x1f: {  	s28 =	simm.s32 $_size_execute0_lowered;
	s3 =	sadd.s32 s3, s5;
	[dreg:$0x0] =	wrdreg $0x0  }
0x20: {  	s5 =	sshll.u32 s28, $0x1;
	[dreg:$0x2] =	wrdreg s3  }
0x21: {  	[dreg:$0x3] =	wrdreg s5  }
0x22: {  	[dreg:$0x4] =	wrdreg $0xC0  }
0x23: {  	_ =	task [dreg:s7], $0x5FFFF  }
0x24: {  	[dreg:$0x1] =	wrdreg $0xFFFFFFFF  }
0x25: {  	[dreg:$0x0] =	wrdreg $0x60  }
0x26: {  	[dreg:$0x2] =	wrdreg s25  }
0x27: {  	[dreg:$0x3] =	wrdreg s2  }
0x28: {  	[dreg:$0x4] =	wrdreg $0x9  }
0x29: {  	_ =	task.clear_ibuf [dreg:s7], $0x5FFFF;
	_ =	strace $0x90000049  }
0x2a: {  	s29 =	simm.s32 $0x9;
	_ =	strace $0x8000004B  }
0x2b: {  	_ =	swait.ge [sflag:s29], $0x1  }
0x2c: {  	[sflag:s29] =	ssyncadd.s32 $0xFFFFFFFF  }
0x2d: {  	_ =	strace $0x9000004B  }
0x2e: {  	_ =	sfence  }
0x2f: {  	s30 =	sld [smem:$0x0];
	_ =	sdelay $0x2  }
0x30: {  	s31 =	sshll.u32 s1, $0xD;
	s1 =	sshrl.u32 s1, $0x2  }
0x31: {  	s3 =	sand.u32 $0x4000, s31;
	s1 =	sadd.s32 s1, s30  }
0x32: {  	s0 =	sor.u32 s3, s0;
	s1 =	sshll.u32 s1, $0x11  }
0x33: {  	s0 =	sor.u32 s1, s0  }
0x34: {  	s0 =	sadd.s32 $0x8F2B, s0  }
0x35: {  	[sflag:s0] =	ssyncadd.remote.s32 $0x1  }
0x36: {  	_ =	sfence.sel $0xFFFF  }
0x37: {  	[dreg:$0x0] =	wrdreg $0xFFFFFFFF;
	(pc) =	sbr.abs _section_cstart, $3  }
0x38: {  	[dreg:$0x1] =	wrdreg $0xFFFFFFFF  }
0x39: {  	_ =	task.clear_ibuf [dreg:s7], $0x2FFFF;
	_ =	strace $0x9FFFFFFF  }
0x3a: {  	(tm) =	ssettm $0x7FFFFFFF  }
0x3b: {  	_ =	shalt  }
tec
execute0_lowered:
.L_overlay_start_1:
0x0: {  	(tag) =	ssettag $0x1  }
0x1: {  	s0 =	srdreg.scid  }
0x2: {  	s1 =	sshll.u32 s0, $0x4  }
0x3: {  	s0 =	stileid.u32;
	s1 =	sand.u32 $0x10, s1  }
0x4: {  	s1 =	sor.u32 s0, s1  }
0x5: {  	s6 =	rddreg [dreg:$0x0];
	s4 =	simm.s32 $0x1;
	s2 =	sshll.u32 s1, $0x6  }
0x6: {  	s7 =	simm.s32 $0x2;
	s13 =	simm.s32 $0x0;
	s1 =	ssub.s32 $0x4000, s2  }
0x7: {  	s8 =	simm.s32 $0x2000;
	s9 =	simm.s32 $0x200000;
	s3 =	sand.u32 $0x7C0, s1  }
0x8: {  	s14 =	simm.s32 $0x0;
	s5 =	sshrl.u32 s1, $0xB;
	p0 =	sne.s32 s3, $0x0  }
.Ltmp0:
0x9: {  	s1 =	rddreg [dreg:$0x2];
	s4 =	simm.s32 @!p0 $0x0;
	(pc) =	sbr.rel .LBB1_1-.Ltmp0, $4  }
0xa: {  	s10 =	simm.s32 $0x0;
	s3 =	rddreg [dreg:$0x1];
	s5 =	sadd.s32 s4, s5  }
0xb: {  	_ =	strace $0x8000004A;
	s4 =	simm.s32 $0x1;
	s5 =	smul.u32 $0xD, s5  }
0xc: {  	s12 =	simm.s32 $0x0;
	s6 =	sadd.s32 $0xC00, s6;
	[sflag:s4] =	ssyncpa.u1 $0x0  }
0xd: {  	s11 =	smov.u32 s2;
	[sflag:s7] =	ssyncpa.u1 $0x0;
	s7 =	sadd.s32 $0x1, s5  }
.LBB1_7:
0xe: {  	s15 =	sadd.s32 $0x2, s10  }
0xf: {  	s13 =	sadd.s32 $0x800, s11;
	s17 =	smov.u32 s11;
	p1 =	sgt.s32 s15, $0x19  }
0x10: {  	s17 =	smov.u32 @p1 s13  }
0x11: {  	s15 =	simm.s32 @p1 $0x0;
	p1 =	sgt.s32 s17, $0x3FFF  }
0x12: {  	s17 =	smov.u32 @p1 s2;
	p1 =	sne.s32 s12, s7  }
.Ltmp1:
0x13: {  	p0 =	slt.u32 s12, $0x2;
	(pc) =	sbr.rel @!p1 .LBB1_8-.Ltmp1, $4  }
0x14: {  	s16 =	simm.s32 @!p0 $0x2  }
0x15: {  	s14 =	smov.u32 s11;
	_ =	swait.ge @!p0 [sflag:s16], $0x4000  }
0x16: {  	s13 =	smov.u32 s10;
	[sflag:s16] =	ssyncset.done @!p0 $0x0;
	s10 =	smov.u32 s15  }
0x17: {  	s12 =	sadd.s32 $0x1, s12;
	[sflag:s16] =	ssyncadd.s32 @!p0 $0xFFFFC000;
	s11 =	smov.u32 s17  }
.LBB1_1:
0x18: {  	p0 =	sge.u32 s12, s5  }
0x19: {  	s31 =	sadd.s32 $0xFFFFFFFF, s12;
	s15 =	sxor.u32 @!p0 $0xFFFFFFFF, s12  }
0x1a: {  	s16 =	sshll.u32 @!p0 s11, $0x9;
	s17 =	sshll.u32 @!p0 s10, $0x4;
	s18 =	simm.s32 @!p0 $0x1000  }
0x1b: {  	s15 =	sshll.u32 @!p0 s15, $0xE;
	s17 =	sand.u32 @!p0 $0x1F0, s17;
	s16 =	sadd.s32 @!p0 s6, s16  }
0x1c: {  	s15 =	sand.u32 @!p0 $0x4000, s15;
	s16 =	sadd.s32 @!p0 s17, s16;
	s17 =	simm.s32 @!p0 $0x100  }
0x1d: {  	[tilespmem:s15], [sflag:$0x1] =	stream.strided.gather @!p0 [hbm4b:s16+s17], $0x4000, s18, s17, $0x38;
	[tilespmem:$0x10000] =	vst v63  }
0x1e: {  	p0 =	sge.u32 s31, s5  }
.Ltmp2:
0x1f: {  	_ = 	snop;
	(pc) =	sbr.rel @p0 .LBB1_7-.Ltmp2, $1  }
0x20: {  	_ =	sdelay $0x3  }
0x21: {  	_ =	swait.ge [sflag:s4], $0x4000;
	s15 =	sshll.u32 s12, $0xE  }
0x22: {  	[sflag:s4] =	ssyncset.done $0x0;
	s16 =	sand.u32 $0x4000, s15  }
0x23: {  	s17 =	simm.s32 $0x0;
	[sflag:s4] =	ssyncadd.s32 $0xFFFFC000;
	s15 =	sor.u32 $0x8000, s16  }
.LBB1_3:
0x24: {  	s18 =	sshll.u32 s17, $0x8  }
0x25: {  	s18 =	sand.u32 $0x3FFFFF00, s18  }
0x26: {  	s19 =	sshll.u32 s17, $0x7;
	s18 =	sadd.s32 s18, s16  }
0x27: {  	s19 =	sand.u32 $0x3FFFFF80, s19;
	v0 =	vmov s18  }
0x28: {  	s19 =	sadd.s32 s19, s15  }
0x29: {  	p0 =	por $0x1, $0x1;
	v1 =	vmov s19;
	s18 =	simm.s32 $0x0  }
.LBB1_4:
0x2a: {  	s19 =	sshll.u32 s18, $0x7  }
0x2b: {  	s19 =	sand.u32 $0x3FFFFF80, s19  }
0x2c: {  	v2 =	vld.idx.msk [tilespmem:v0+s19+$0x0 ss:$0x1], $0xffff  }
0x2d: {  	v3 =	vld.idx.msk [tilespmem:v0+s19+$0x10 ss:$0x1], $0xffff  }
0x2e: {  	v4 =	vld.idx.msk [tilespmem:v0+s19+$0x20 ss:$0x1], $0xffff  }
0x2f: {  	s31 =	sshll.u32 s18, $0xD;
	v5 =	vld.idx.msk [tilespmem:v0+s19+$0x30 ss:$0x1], $0xffff  }
0x30: {  	s18 =	sand.u32 $0x3FFFE000, s31;
	v6 =	vld.idx.msk [tilespmem:v0+s19+$0x40 ss:$0x1], $0xffff  }
0x31: {  	v63 =	vld.idx.msk [tilespmem:v0+s19+$0x70 ss:$0x1], $0xffff;
	[tilespmem:v1+s18+$0x0 ss:$0x1] =	vst.idx.msk $0xffff, v2  }
0x32: {  	v2 =	vld.idx.msk [tilespmem:v0+s19+$0x50 ss:$0x1], $0xffff;
	[tilespmem:v1+s18+$0x10 ss:$0x1] =	vst.idx.msk $0xffff, v3  }
0x33: {  	p1 =	por p0, p0;
	v3 =	vld.idx.msk [tilespmem:v0+s19+$0x60 ss:$0x1], $0xffff;
	[tilespmem:v1+s18+$0x20 ss:$0x1] =	vst.idx.msk $0xffff, v4  }
.Ltmp3:
0x34: {  	[tilespmem:v1+s18+$0x30 ss:$0x1] =	vst.idx.msk $0xffff, v5;
	(pc) =	sbr.rel @p1 .LBB1_4-.Ltmp3, $4  }
0x35: {  	[tilespmem:v1+s18+$0x40 ss:$0x1] =	vst.idx.msk $0xffff, v6  }
0x36: {  	[tilespmem:v1+s18+$0x70 ss:$0x1] =	vst.idx.msk $0xffff, v63  }
0x37: {  	[tilespmem:v1+s18+$0x50 ss:$0x1] =	vst.idx.msk $0xffff, v2  }
0x38: {  	p0 =	por $0x0, $0x0;
	[tilespmem:v1+s18+$0x60 ss:$0x1] =	vst.idx.msk $0xffff, v3;
	s18 =	simm.s32 $0x1  }
0x39: {  	s17 =	sadd.s32 $0x1, s17  }
0x3a: {  	p0 =	sne.s32 s17, $0x40  }
.Ltmp4:
0x3b: {  	_ = 	snop;
	(pc) =	sbr.rel @p0 .LBB1_3-.Ltmp4, $1  }
0x3c: {  	_ =	sdelay $0x3  }
.Ltmp5:
0x3d: {  	s14 =	sshll.u32 s14, $0x4;
	(pc) =	sbr.rel .LBB1_7-.Ltmp5, $4  }
0x3e: {  	s14 =	sand.u32 $0x3FFF0, s14  }
0x3f: {  	s13 =	sshll.u32 s13, $0x12;
	s14 =	sadd.s32 s3, s14  }
0x40: {  	s13 =	sadd.s32 s13, s14  }
0x41: {  	[hbm4b:s13+s8] =	stream.strided.scatter [tilespmem:s15], [sflag:$0x2], $0x4000, s9, s8, $0x38;
	[tilespmem:$0x10000] =	vst v63  }
.LBB1_8:
0x42: {  	_ =	sfence.sel $0x180000  }
0x43: {  	s2 =	simm.s32 $0x1;
	[bflag:$0x0] =	sbarrier.arrive $0xFFFF  }
0x44: {  	s31 =	simm.s32 $0x2;
	[sflag:s2] =	ssyncpa.u1 $0x1  }
0x45: {  	[sflag:s31] =	ssyncpa.u1 $0x1  }
0x46: {  	p0 =	sne.s32 s0, $0x0;
	_ =	strace $0x9000004A  }
0x47: {  	s0 =	sadd.s32 @!p0 $0x100000, s1;
	[bflag:$0x2] =	sbarrier.arrive $0xFFFF  }
0x48: {  	[sflag:s0] =	ssyncadd.tile.s32 @!p0 $0x1;
	_ =	shalt  }
.Lfunc_end1:
_tile_overlayer_lowered:
.L_overlay_start_2:
0x49: {  	(tag) =	ssettag $0x2  }
0x4a: {  	s0 =	rddreg [dreg:$0x0];
	s2 =	stileid.u32  }
0x4b: {  	s1 =	rddreg [dreg:$0x1];
	p0 =	sne.s32 s2, $0x0  }
0x4c: {  	s3 =	rddreg [dreg:$0x2];
	[bflag:$0x3] =	sbarrier.arrive $0xFFFF;
	s2 =	simm.s32 @!p0 $0x1C01  }
0x4d: {  	[timem:s3], [sflag:s2] =	dma.local @!p0 [hbm:s0], s1  }
0x4e: {  	s0 =	simm.s32 @!p0 $0x1  }
0x4f: {  	_ =	swait.ge @!p0 [sflag:s0], s1  }
0x50: {  	s1 =	ssub.s32 @!p0 $0x0, s1;
	[sflag:s0] =	ssyncset.done @!p0 $0x0  }
0x51: {  	[sflag:s0] =	ssyncadd.s32 @!p0 s1  }
0x52: {  	[bflag:$0x3] =	sbarrier.arrive $0xFFFF  }
0x53: {  	_ =	shalt  }

</sc_bundles>
